<compile_context>
chip_gen: v7x
topology: tpu7x:2x2x1
jax: 0.10.2.dev20260603
libtpu: 0.0.44.dev20260713+nightly
codegen_flags: <defaults>
</compile_context>

<pallas_src>
import functools

import jax
import jax.numpy as jnp
from jax import lax
from jax.experimental import pallas as pl
from jax.experimental.pallas import tpu as pltpu
from jax.experimental.pallas import tpu_sc as plsc

B, K, H, W = 32, 256, 512, 512
HW = H * W
NC, NS = 2, 16
KW = 128
KR = K // KW
EPS = 1e-4

@functools.cache
def _make_sc_gather():
    mesh = plsc.VectorSubcoreMesh(
        core_axis_name="c", subcore_axis_name="s",
        num_cores=NC, num_subcores=NS)

    @functools.partial(
        pl.kernel,
        out_type=jax.ShapeDtypeStruct((3, B, KR, KW), jnp.float32),
        mesh=mesh,
        scratch_types=[
            pltpu.VMEM((3 * KR, KW), jnp.int32),
            pltpu.VMEM((3 * KR, KW), jnp.int32),
            pltpu.VMEM((3 * KR, KW), jnp.float32),
            pltpu.SemaphoreType.DMA,
            pltpu.SemaphoreType.DMA,
            pltpu.SemaphoreType.DMA,
            pltpu.SemaphoreType.DMA,
            pltpu.SemaphoreType.DMA,
            pltpu.SemaphoreType.DMA,
            pltpu.SemaphoreType.DMA,
        ],
    )
    def _sc_gather(t1, t2, t3, i1, i2, i3, out, idx_v, adj_v, val_v,
                   si0, si1, si2, sg0, sg1, sg2, sem_o):
        b = lax.axis_index("s") * NC + lax.axis_index("c")
        b_hi = b >> 3
        b_lo = b & 7
        base = b * HW
        tags = (t1, t2, t3)
        inds = (i1, i2, i3)
        sem_i = (si0, si1, si2)
        sem_g = (sg0, sg1, sg2)
        ic = [
            pltpu.async_copy(inds[t].at[b_hi, :, b_lo],
                             idx_v.at[pl.ds(t * KR, KR)], sem_i[t])
            for t in range(3)
        ]
        gc = []
        for t in range(3):
            ic[t].wait()
            for r in range(KR):
                row = t * KR + r
                for l in range(KW // 16):
                    sl = (row, pl.ds(l * 16, 16))
                    v = idx_v[sl]
                    adj_v[sl] = (
                        (v & 0x3F000)
                        | ((v & 0x180) << 3)
                        | ((v & 0xE00) >> 2)
                        | (v & 0x7F)
                    ) + base
            gc.append([
                pltpu.async_copy(tags[t].at[adj_v.at[t * KR + r]],
                                 val_v.at[t * KR + r], sem_g[t])
                for r in range(KR)
            ])
        oc = []
        for t in range(3):
            for c in gc[t]:
                c.wait()
            oc.append(pltpu.async_copy(val_v.at[pl.ds(t * KR, KR)],
                                       out.at[t, b], sem_o))
        for c in oc:
            c.wait()

    return _sc_gather


BB = 32


_OUTER = (((0,), (0,)), ((), ()))
NG = B // BB


def _loss_body(tg, mk, pull_ref, push_ref):
    g = pl.program_id(0)
    third = jnp.float32(1.0 / 3.0)
    v = tg[...]
    r0 = jnp.concatenate([v[0, :, 0, :], v[0, :, 1, :]], axis=1)
    r1 = jnp.concatenate([v[1, :, 0, :], v[1, :, 1, :]], axis=1)
    r2 = jnp.concatenate([v[2, :, 0, :], v[2, :, 1, :]], axis=1)
    mean8 = (r0 + r1 + r2) * third
    km8 = mk[...]
    sq8 = (jnp.square(r0 - mean8) + jnp.square(r1 - mean8)
           + jnp.square(r2 - mean8)) * km8
    ones_row = jnp.ones((1, K), jnp.float32)

    num8 = jnp.sum(km8, axis=1, keepdims=True)
    inv8 = 1.0 / (num8 + EPS)
    pull_acc = jnp.sum(jnp.sum(sq8, axis=1, keepdims=True) * inv8)

    sent = (lax.broadcasted_iota(jnp.int32, (1, K), 1).astype(jnp.float32)
            * 64.0 + 1.0e7)
    mrow8 = jnp.where(km8 > 0.0, mean8, sent)
    mcol8 = jnp.where(km8 > 0.0, mean8, sent + 16.0)
    push_scal = jnp.float32(0.0)
    acc = jnp.zeros((K, K), jnp.float32)
    for i in range(BB):
        num = num8[i, 0]
        inv2 = 1.0 / ((num - 1.0) * num + EPS)
        mrow = mrow8[i:i + 1, :]
        mcol = lax.dot_general(mcol8[i:i + 1, :], ones_row, _OUTER,
                               preferred_element_type=jnp.float32)
        R = jnp.maximum(1.0 - jnp.abs(mrow - mcol), 0.0)
        acc = acc + R * inv2
        push_scal += -num * num * inv8[i, 0] * inv2

    @pl.when(g == 0)
    def _init():
        pull_ref[0, 0] = jnp.float32(0.0)
        push_ref[0, 0] = jnp.float32(0.0)

    pull_ref[0, 0] += pull_acc
    push_ref[0, 0] += push_scal + jnp.sum(acc)


def _make_loss_call():
    return pl.pallas_call(
        _loss_body,
        grid=(NG,),
        in_specs=[
            pl.BlockSpec((3, BB, KR, KW), lambda g: (0, g, 0, 0)),
            pl.BlockSpec((BB, K), lambda g: (g, 0)),
        ],
        out_specs=[
            pl.BlockSpec((1, 1), lambda g: (0, 0),
                         memory_space=pltpu.MemorySpace.SMEM),
            pl.BlockSpec((1, 1), lambda g: (0, 0),
                         memory_space=pltpu.MemorySpace.SMEM),
        ],
        out_shape=[
            jax.ShapeDtypeStruct((1, 1), jnp.float32),
            jax.ShapeDtypeStruct((1, 1), jnp.float32),
        ],
    )


_loss_call = _make_loss_call()


def _tile_view(tag):
    v = tag.reshape(B, H // 8, 8, W // 128, 128)
    v = v.transpose(0, 1, 3, 2, 4)
    return v.reshape(B * HW)


def _ind_view(ind):
    return ind.astype(jnp.int32).reshape(B // 8, 8, KR, KW).transpose(0, 2, 1, 3)


def kernel(tag1, tag2, tag3, ind1, ind2, ind3, mask):
    gathered = _make_sc_gather()(
        _tile_view(tag1),
        _tile_view(tag2),
        _tile_view(tag3),
        _ind_view(ind1),
        _ind_view(ind2),
        _ind_view(ind3),
    )
    maskf = mask.astype(jnp.float32)
    pull, push = _loss_call(gathered, maskf)
    return pull[0, 0], push[0, 0]

# --- scband reference (transcript-rebuilt; emitter-appended) ---
"""Pipeline reference for scband-tag-loss-3-472446402691 (READ-ONLY COPY).

The authoritative reference and input builder live on the scoring server;
editing this copy changes nothing except your own understanding.
"""

import jax, jax.numpy as jnp
import numpy as np

B, K, H, W = 32, 256, 512, 512


def _tranpose_and_gather_feat(feat, ind):
    b, c, h, w = feat.shape
    feat = jnp.transpose(feat, (0, 2, 3, 1)).reshape(b, h * w, c)
    return jnp.take_along_axis(feat, ind[:, :, None], axis=1)


def setup_inputs(seed: int = 0):
    key = jax.random.key(seed)
    ks = jax.random.split(key, 8)
    tag1 = jax.random.normal(ks[0], (B, 1, H, W), dtype=jnp.float32)
    tag2 = jax.random.normal(ks[1], (B, 1, H, W), dtype=jnp.float32)
    tag3 = jax.random.normal(ks[2], (B, 1, H, W), dtype=jnp.float32)
    ind1 = jax.random.randint(ks[3], (B, K), 0, H * W)
    ind2 = jax.random.randint(ks[4], (B, K), 0, H * W)
    ind3 = jax.random.randint(ks[5], (B, K), 0, H * W)
    mask = jax.random.randint(ks[6], (B, K), 0, 2).astype(jnp.bool_)
    return {"tag1": tag1, "tag2": tag2, "tag3": tag3,
            "ind1": ind1, "ind2": ind2, "ind3": ind3, "mask": mask}


def _ae_loss_3(tag0, tag1, tag2, mask):
    maskf = mask.astype(jnp.float32)
    num = jnp.sum(maskf, axis=1, keepdims=True)  # [B,1]
    tag_mean = (tag0 + tag1 + tag2) / 3.0
    p0 = jnp.sum((jnp.square(tag0 - tag_mean) / (num + 0.0001)) * maskf)
    p1 = jnp.sum((jnp.square(tag1 - tag_mean) / (num + 0.0001)) * maskf)
    p2 = jnp.sum((jnp.square(tag2 - tag_mean) / (num + 0.0001)) * maskf)
    pull = p0 + p1 + p2
    pair = (mask[:, None, :].astype(jnp.int32) + mask[:, :, None].astype(jnp.int32)) == 2
    num_e = num[:, :, None]  # [B,1,1]
    num2 = (num_e - 1.0) * num_e
    dist = tag_mean[:, None, :] - tag_mean[:, :, None]  # [B,K,K]
    dist = jax.nn.relu(1.0 - jnp.abs(dist))
    dist = dist - 1.0 / (num_e + 0.0001)
    dist = dist / (num2 + 0.0001)
    push = jnp.sum(dist * pair.astype(jnp.float32))
    return pull, push


def reference(tag1, tag2, tag3, ind1, ind2, ind3, mask):
    t0 = _tranpose_and_gather_feat(tag1, ind1).squeeze(-1)  # [B,K]
    t1 = _tranpose_and_gather_feat(tag2, ind2).squeeze(-1)
    t2 = _tranpose_and_gather_feat(tag3, ind3).squeeze(-1)
    return _ae_loss_3(t0, t1, t2, mask)

if __name__ == "__main__":
    import jax
    _d = setup_inputs()
    print(jax.jit(kernel)(*tuple(_d.values())))

</pallas_src>

<mosaic_0001>
#map = affine_map<(d0, d1) -> (0)>
#map1 = affine_map<(d0, d1) -> (0, 0, 0, 0)>
module attributes {stable_mosaic.version = 14 : i64} {
  func.func @_sc_gather(%arg0: i32, %arg1: i32, %arg2: memref<8388608xf32, #tpu.memory_space<hbm>>, %arg3: memref<8388608xf32, #tpu.memory_space<hbm>>, %arg4: memref<8388608xf32, #tpu.memory_space<hbm>>, %arg5: memref<4x2x8x128xi32, #tpu.memory_space<hbm>>, %arg6: memref<4x2x8x128xi32, #tpu.memory_space<hbm>>, %arg7: memref<4x2x8x128xi32, #tpu.memory_space<hbm>>, %arg8: memref<3x32x2x128xf32, #tpu.memory_space<hbm>>, %arg9: memref<6x128xi32, #tpu.memory_space<vmem>>, %arg10: memref<6x128xi32, #tpu.memory_space<vmem>>, %arg11: memref<6x128xf32, #tpu.memory_space<vmem>>, %arg12: memref<!tpu.dma_semaphore, #tpu.memory_space<semaphore_mem>>, %arg13: memref<!tpu.dma_semaphore, #tpu.memory_space<semaphore_mem>>, %arg14: memref<!tpu.dma_semaphore, #tpu.memory_space<semaphore_mem>>, %arg15: memref<!tpu.dma_semaphore, #tpu.memory_space<semaphore_mem>>, %arg16: memref<!tpu.dma_semaphore, #tpu.memory_space<semaphore_mem>>, %arg17: memref<!tpu.dma_semaphore, #tpu.memory_space<semaphore_mem>>, %arg18: memref<!tpu.dma_semaphore, #tpu.memory_space<semaphore_mem>>) attributes {dimension_semantics = [#tpu.dimension_semantics<core_parallel>, #tpu.dimension_semantics<subcore_parallel>], iteration_bounds = array<i64: 2, 16>, scalar_prefetch = 0 : i64, scratch_operands = 10 : i64, tpu.core_type = #tpu.core_type<sc_vector_subcore>, window_params = [{transform_indices = #map}, {transform_indices = #map}, {transform_indices = #map}, {transform_indices = #map1}, {transform_indices = #map1}, {transform_indices = #map1}, {transform_indices = #map1}]} {
    %mul3A = arith.constant 2 : i32
    %mul3A_0 = arith.muli %arg1, %mul3A : i32
    %add3A = arith.addi %mul3A_0, %arg0 : i32
    %shift_right_arithmetic3A = arith.constant 3 : i32
    %shift_right_arithmetic3A_1 = arith.shrsi %add3A, %shift_right_arithmetic3A : i32
    %and3A = arith.constant 7 : i32
    %and3A_2 = arith.andi %add3A, %and3A : i32
    %mul3A_3 = arith.constant 262144 : i32
    %mul3A_4 = arith.muli %add3A, %mul3A_3 : i32
    %dma_start3A = arith.constant 0 : i32
    %dma_start3A_5 = arith.constant 0 : i32
    %dma_start3A_6 = tpu.memref_slice %arg9[%dma_start3A, %dma_start3A_5] : memref<6x128xi32, #tpu.memory_space<vmem>> -> memref<2x128xi32, #tpu.memory_space<vmem>>
    %dma_start3A_7 = arith.constant 0 : i32
    %dma_start3A_8 = arith.constant 0 : i32
    %dma_start3A_9 = tpu.memref_slice %arg5[%shift_right_arithmetic3A_1, %dma_start3A_7, %and3A_2, %dma_start3A_8] : memref<4x2x8x128xi32, #tpu.memory_space<hbm>> -> memref<1x2x1x128xi32, #tpu.memory_space<hbm>>
    %dma_start3A_10 = tpu.memref_squeeze %dma_start3A_9 : memref<1x2x1x128xi32, #tpu.memory_space<hbm>> -> memref<2x128xi32, #tpu.memory_space<hbm>>
    %dma_start3A_11 = arith.constant 0 : i32
    %dma_start3A_12 = arith.constant 0 : i32
    %dma_start3A_13 = tpu.memref_slice %arg9[%dma_start3A_11, %dma_start3A_12] : memref<6x128xi32, #tpu.memory_space<vmem>> -> memref<2x128xi32, #tpu.memory_space<vmem>>
    %dma_start3A_14 = arith.constant 0 : i32
    %dma_start3A_15 = arith.constant 0 : i32
    %dma_start3A_16 = tpu.memref_slice %arg5[%shift_right_arithmetic3A_1, %dma_start3A_14, %and3A_2, %dma_start3A_15] : memref<4x2x8x128xi32, #tpu.memory_space<hbm>> -> memref<1x2x1x128xi32, #tpu.memory_space<hbm>>
    %dma_start3A_17 = tpu.memref_squeeze %dma_start3A_16 : memref<1x2x1x128xi32, #tpu.memory_space<hbm>> -> memref<2x128xi32, #tpu.memory_space<hbm>>
    tpu.enqueue_dma source(%dma_start3A_17 : memref<2x128xi32, #tpu.memory_space<hbm>>) target(%dma_start3A_13 : memref<2x128xi32, #tpu.memory_space<vmem>>) target_semaphore(%arg12 : memref<!tpu.dma_semaphore, #tpu.memory_space<semaphore_mem>>)
    %dma_start3A_18 = arith.constant 2 : i32
    %dma_start3A_19 = arith.constant 0 : i32
    %dma_start3A_20 = tpu.memref_slice %arg9[%dma_start3A_18, %dma_start3A_19] : memref<6x128xi32, #tpu.memory_space<vmem>> -> memref<2x128xi32, #tpu.memory_space<vmem>>
    %dma_start3A_21 = arith.constant 0 : i32
    %dma_start3A_22 = arith.constant 0 : i32
    %dma_start3A_23 = tpu.memref_slice %arg6[%shift_right_arithmetic3A_1, %dma_start3A_21, %and3A_2, %dma_start3A_22] : memref<4x2x8x128xi32, #tpu.memory_space<hbm>> -> memref<1x2x1x128xi32, #tpu.memory_space<hbm>>
    %dma_start3A_24 = tpu.memref_squeeze %dma_start3A_23 : memref<1x2x1x128xi32, #tpu.memory_space<hbm>> -> memref<2x128xi32, #tpu.memory_space<hbm>>
    %dma_start3A_25 = arith.constant 2 : i32
    %dma_start3A_26 = arith.constant 0 : i32
    %dma_start3A_27 = tpu.memref_slice %arg9[%dma_start3A_25, %dma_start3A_26] : memref<6x128xi32, #tpu.memory_space<vmem>> -> memref<2x128xi32, #tpu.memory_space<vmem>>
    %dma_start3A_28 = arith.constant 0 : i32
    %dma_start3A_29 = arith.constant 0 : i32
    %dma_start3A_30 = tpu.memref_slice %arg6[%shift_right_arithmetic3A_1, %dma_start3A_28, %and3A_2, %dma_start3A_29] : memref<4x2x8x128xi32, #tpu.memory_space<hbm>> -> memref<1x2x1x128xi32, #tpu.memory_space<hbm>>
    %dma_start3A_31 = tpu.memref_squeeze %dma_start3A_30 : memref<1x2x1x128xi32, #tpu.memory_space<hbm>> -> memref<2x128xi32, #tpu.memory_space<hbm>>
    tpu.enqueue_dma source(%dma_start3A_31 : memref<2x128xi32, #tpu.memory_space<hbm>>) target(%dma_start3A_27 : memref<2x128xi32, #tpu.memory_space<vmem>>) target_semaphore(%arg13 : memref<!tpu.dma_semaphore, #tpu.memory_space<semaphore_mem>>)
    %dma_start3A_32 = arith.constant 4 : i32
    %dma_start3A_33 = arith.constant 0 : i32
    %dma_start3A_34 = tpu.memref_slice %arg9[%dma_start3A_32, %dma_start3A_33] : memref<6x128xi32, #tpu.memory_space<vmem>> -> memref<2x128xi32, #tpu.memory_space<vmem>>
    %dma_start3A_35 = arith.constant 0 : i32
    %dma_start3A_36 = arith.constant 0 : i32
    %dma_start3A_37 = tpu.memref_slice %arg7[%shift_right_arithmetic3A_1, %dma_start3A_35, %and3A_2, %dma_start3A_36] : memref<4x2x8x128xi32, #tpu.memory_space<hbm>> -> memref<1x2x1x128xi32, #tpu.memory_space<hbm>>
    %dma_start3A_38 = tpu.memref_squeeze %dma_start3A_37 : memref<1x2x1x128xi32, #tpu.memory_space<hbm>> -> memref<2x128xi32, #tpu.memory_space<hbm>>
    %dma_start3A_39 = arith.constant 4 : i32
    %dma_start3A_40 = arith.constant 0 : i32
    %dma_start3A_41 = tpu.memref_slice %arg9[%dma_start3A_39, %dma_start3A_40] : memref<6x128xi32, #tpu.memory_space<vmem>> -> memref<2x128xi32, #tpu.memory_space<vmem>>
    %dma_start3A_42 = arith.constant 0 : i32
    %dma_start3A_43 = arith.constant 0 : i32
    %dma_start3A_44 = tpu.memref_slice %arg7[%shift_right_arithmetic3A_1, %dma_start3A_42, %and3A_2, %dma_start3A_43] : memref<4x2x8x128xi32, #tpu.memory_space<hbm>> -> memref<1x2x1x128xi32, #tpu.memory_space<hbm>>
    %dma_start3A_45 = tpu.memref_squeeze %dma_start3A_44 : memref<1x2x1x128xi32, #tpu.memory_space<hbm>> -> memref<2x128xi32, #tpu.memory_space<hbm>>
    tpu.enqueue_dma source(%dma_start3A_45 : memref<2x128xi32, #tpu.memory_space<hbm>>) target(%dma_start3A_41 : memref<2x128xi32, #tpu.memory_space<vmem>>) target_semaphore(%arg14 : memref<!tpu.dma_semaphore, #tpu.memory_space<semaphore_mem>>)
    %dma_wait3A = arith.constant 0 : i32
    %dma_wait3A_46 = arith.constant 0 : i32
    %dma_wait3A_47 = tpu.memref_slice %arg9[%dma_wait3A, %dma_wait3A_46] : memref<6x128xi32, #tpu.memory_space<vmem>> -> memref<2x128xi32, #tpu.memory_space<vmem>>
    %dma_wait3A_48 = arith.constant 0 : i32
    %dma_wait3A_49 = arith.constant 0 : i32
    %dma_wait3A_50 = tpu.memref_slice %arg5[%shift_right_arithmetic3A_1, %dma_wait3A_48, %and3A_2, %dma_wait3A_49] : memref<4x2x8x128xi32, #tpu.memory_space<hbm>> -> memref<1x2x1x128xi32, #tpu.memory_space<hbm>>
    %dma_wait3A_51 = tpu.memref_squeeze %dma_wait3A_50 : memref<1x2x1x128xi32, #tpu.memory_space<hbm>> -> memref<2x128xi32, #tpu.memory_space<hbm>>
    %dma_wait3A_52 = arith.constant 0 : i32
    %dma_wait3A_53 = arith.constant 0 : i32
    %dma_wait3A_54 = tpu.memref_slice %arg9[%dma_wait3A_52, %dma_wait3A_53] : memref<6x128xi32, #tpu.memory_space<vmem>> -> memref<2x128xi32, #tpu.memory_space<vmem>>
    %dma_wait3A_55 = arith.constant 0 : i32
    %dma_wait3A_56 = arith.constant 0 : i32
    %dma_wait3A_57 = tpu.memref_slice %arg5[%shift_right_arithmetic3A_1, %dma_wait3A_55, %and3A_2, %dma_wait3A_56] : memref<4x2x8x128xi32, #tpu.memory_space<hbm>> -> memref<1x2x1x128xi32, #tpu.memory_space<hbm>>
    %dma_wait3A_58 = tpu.memref_squeeze %dma_wait3A_57 : memref<1x2x1x128xi32, #tpu.memory_space<hbm>> -> memref<2x128xi32, #tpu.memory_space<hbm>>
    tpu.wait_dma2 semaphore(%arg12 : memref<!tpu.dma_semaphore, #tpu.memory_space<semaphore_mem>>) src(%dma_wait3A_58 : memref<2x128xi32, #tpu.memory_space<hbm>>) dst(%dma_wait3A_54 : memref<2x128xi32, #tpu.memory_space<vmem>>)
    %get3A = arith.constant 0 : i32
    %get3A_59 = arith.index_cast %get3A : i32 to index
    %get3A_60 = arith.constant 0 : index
    %get3A_61 = tpu.vector_load %arg9[%get3A_59, %get3A_60] {strides = array<i32>} : memref<6x128xi32, #tpu.memory_space<vmem>>, vector<1x16xi32>,
    %get3A_62 = vector.shape_cast %get3A_61 : vector<1x16xi32> to vector<16xi32>
    %and3A_63 = arith.constant 258048 : i32
    %and3A_64 = vector.broadcast %and3A_63 : i32 to vector<16xi32>
    %and3A_65 = arith.andi %get3A_62, %and3A_64 : vector<16xi32>
    %and3A_66 = arith.constant 384 : i32
    %and3A_67 = vector.broadcast %and3A_66 : i32 to vector<16xi32>
    %and3A_68 = arith.andi %get3A_62, %and3A_67 : vector<16xi32>
    %shift_left3A = arith.constant 3 : i32
    %shift_left3A_69 = vector.broadcast %shift_left3A : i32 to vector<16xi32>
    %shift_left3A_70 = arith.shli %and3A_68, %shift_left3A_69 : vector<16xi32>
    %or3A = arith.ori %and3A_65, %shift_left3A_70 : vector<16xi32>
    %and3A_71 = arith.constant 3584 : i32
    %and3A_72 = vector.broadcast %and3A_71 : i32 to vector<16xi32>
    %and3A_73 = arith.andi %get3A_62, %and3A_72 : vector<16xi32>
    %shift_right_arithmetic3A_74 = arith.constant 2 : i32
    %shift_right_arithmetic3A_75 = vector.broadcast %shift_right_arithmetic3A_74 : i32 to vector<16xi32>
    %shift_right_arithmetic3A_76 = arith.shrsi %and3A_73, %shift_right_arithmetic3A_75 : vector<16xi32>
    %or3A_77 = arith.ori %or3A, %shift_right_arithmetic3A_76 : vector<16xi32>
    %and3A_78 = arith.constant 127 : i32
    %and3A_79 = vector.broadcast %and3A_78 : i32 to vector<16xi32>
    %and3A_80 = arith.andi %get3A_62, %and3A_79 : vector<16xi32>
    %or3A_81 = arith.ori %or3A_77, %and3A_80 : vector<16xi32>
    %add3A_82 = vector.broadcast %mul3A_4 : i32 to vector<16xi32>
    %add3A_83 = arith.addi %or3A_81, %add3A_82 : vector<16xi32>
    %swap3A = arith.constant 0 : i32
    %swap3A_84 = arith.index_cast %swap3A : i32 to index
    %swap3A_85 = arith.constant 0 : index
    %swap3A_86 = tpu.vector_load %arg10[%swap3A_84, %swap3A_85] {strides = array<i32>} : memref<6x128xi32, #tpu.memory_space<vmem>>, vector<1x16xi32>,
    %swap3A_87 = vector.shape_cast %swap3A_86 : vector<1x16xi32> to vector<16xi32>
    %swap3A_88 = vector.shape_cast %add3A_83 : vector<16xi32> to vector<1x16xi32>
    tpu.vector_store %arg10[%swap3A_84, %swap3A_85], %swap3A_88 {strides = array<i32>} : memref<6x128xi32, #tpu.memory_space<vmem>>, vector<1x16xi32>,
    %get3A_89 = arith.constant 0 : i32
    %get3A_90 = arith.index_cast %get3A_89 : i32 to index
    %get3A_91 = arith.constant 16 : index
    %get3A_92 = tpu.vector_load %arg9[%get3A_90, %get3A_91] {strides = array<i32>} : memref<6x128xi32, #tpu.memory_space<vmem>>, vector<1x16xi32>,
    %get3A_93 = vector.shape_cast %get3A_92 : vector<1x16xi32> to vector<16xi32>
    %and3A_94 = arith.constant 258048 : i32
    %and3A_95 = vector.broadcast %and3A_94 : i32 to vector<16xi32>
    %and3A_96 = arith.andi %get3A_93, %and3A_95 : vector<16xi32>
    %and3A_97 = arith.constant 384 : i32
    %and3A_98 = vector.broadcast %and3A_97 : i32 to vector<16xi32>
    %and3A_99 = arith.andi %get3A_93, %and3A_98 : vector<16xi32>
    %shift_left3A_100 = arith.constant 3 : i32
    %shift_left3A_101 = vector.broadcast %shift_left3A_100 : i32 to vector<16xi32>
    %shift_left3A_102 = arith.shli %and3A_99, %shift_left3A_101 : vector<16xi32>
    %or3A_103 = arith.ori %and3A_96, %shift_left3A_102 : vector<16xi32>
    %and3A_104 = arith.constant 3584 : i32
    %and3A_105 = vector.broadcast %and3A_104 : i32 to vector<16xi32>
    %and3A_106 = arith.andi %get3A_93, %and3A_105 : vector<16xi32>
    %shift_right_arithmetic3A_107 = arith.constant 2 : i32
    %shift_right_arithmetic3A_108 = vector.broadcast %shift_right_arithmetic3A_107 : i32 to vector<16xi32>
    %shift_right_arithmetic3A_109 = arith.shrsi %and3A_106, %shift_right_arithmetic3A_108 : vector<16xi32>
    %or3A_110 = arith.ori %or3A_103, %shift_right_arithmetic3A_109 : vector<16xi32>
    %and3A_111 = arith.constant 127 : i32
    %and3A_112 = vector.broadcast %and3A_111 : i32 to vector<16xi32>
    %and3A_113 = arith.andi %get3A_93, %and3A_112 : vector<16xi32>
    %or3A_114 = arith.ori %or3A_110, %and3A_113 : vector<16xi32>
    %add3A_115 = vector.broadcast %mul3A_4 : i32 to vector<16xi32>
    %add3A_116 = arith.addi %or3A_114, %add3A_115 : vector<16xi32>
    %swap3A_117 = arith.constant 0 : i32
    %swap3A_118 = arith.index_cast %swap3A_117 : i32 to index
    %swap3A_119 = arith.constant 16 : index
    %swap3A_120 = tpu.vector_load %arg10[%swap3A_118, %swap3A_119] {strides = array<i32>} : memref<6x128xi32, #tpu.memory_space<vmem>>, vector<1x16xi32>,
    %swap3A_121 = vector.shape_cast %swap3A_120 : vector<1x16xi32> to vector<16xi32>
    %swap3A_122 = vector.shape_cast %add3A_116 : vector<16xi32> to vector<1x16xi32>
    tpu.vector_store %arg10[%swap3A_118, %swap3A_119], %swap3A_122 {strides = array<i32>} : memref<6x128xi32, #tpu.memory_space<vmem>>, vector<1x16xi32>,
    %get3A_123 = arith.constant 0 : i32
    %get3A_124 = arith.index_cast %get3A_123 : i32 to index
    %get3A_125 = arith.constant 32 : index
    %get3A_126 = tpu.vector_load %arg9[%get3A_124, %get3A_125] {strides = array<i32>} : memref<6x128xi32, #tpu.memory_space<vmem>>, vector<1x16xi32>,
    %get3A_127 = vector.shape_cast %get3A_126 : vector<1x16xi32> to vector<16xi32>
    %and3A_128 = arith.constant 258048 : i32
    %and3A_129 = vector.broadcast %and3A_128 : i32 to vector<16xi32>
    %and3A_130 = arith.andi %get3A_127, %and3A_129 : vector<16xi32>
    %and3A_131 = arith.constant 384 : i32
    %and3A_132 = vector.broadcast %and3A_131 : i32 to vector<16xi32>
    %and3A_133 = arith.andi %get3A_127, %and3A_132 : vector<16xi32>
    %shift_left3A_134 = arith.constant 3 : i32
    %shift_left3A_135 = vector.broadcast %shift_left3A_134 : i32 to vector<16xi32>
    %shift_left3A_136 = arith.shli %and3A_133, %shift_left3A_135 : vector<16xi32>
    %or3A_137 = arith.ori %and3A_130, %shift_left3A_136 : vector<16xi32>
    %and3A_138 = arith.constant 3584 : i32
    %and3A_139 = vector.broadcast %and3A_138 : i32 to vector<16xi32>
    %and3A_140 = arith.andi %get3A_127, %and3A_139 : vector<16xi32>
    %shift_right_arithmetic3A_141 = arith.constant 2 : i32
    %shift_right_arithmetic3A_142 = vector.broadcast %shift_right_arithmetic3A_141 : i32 to vector<16xi32>
    %shift_right_arithmetic3A_143 = arith.shrsi %and3A_140, %shift_right_arithmetic3A_142 : vector<16xi32>
    %or3A_144 = arith.ori %or3A_137, %shift_right_arithmetic3A_143 : vector<16xi32>
    %and3A_145 = arith.constant 127 : i32
    %and3A_146 = vector.broadcast %and3A_145 : i32 to vector<16xi32>
    %and3A_147 = arith.andi %get3A_127, %and3A_146 : vector<16xi32>
    %or3A_148 = arith.ori %or3A_144, %and3A_147 : vector<16xi32>
    %add3A_149 = vector.broadcast %mul3A_4 : i32 to vector<16xi32>
    %add3A_150 = arith.addi %or3A_148, %add3A_149 : vector<16xi32>
    %swap3A_151 = arith.constant 0 : i32
    %swap3A_152 = arith.index_cast %swap3A_151 : i32 to index
    %swap3A_153 = arith.constant 32 : index
    %swap3A_154 = tpu.vector_load %arg10[%swap3A_152, %swap3A_153] {strides = array<i32>} : memref<6x128xi32, #tpu.memory_space<vmem>>, vector<1x16xi32>,
    %swap3A_155 = vector.shape_cast %swap3A_154 : vector<1x16xi32> to vector<16xi32>
    %swap3A_156 = vector.shape_cast %add3A_150 : vector<16xi32> to vector<1x16xi32>
    tpu.vector_store %arg10[%swap3A_152, %swap3A_153], %swap3A_156 {strides = array<i32>} : memref<6x128xi32, #tpu.memory_space<vmem>>, vector<1x16xi32>,
    %get3A_157 = arith.constant 0 : i32
    %get3A_158 = arith.index_cast %get3A_157 : i32 to index
    %get3A_159 = arith.constant 48 : index
    %get3A_160 = tpu.vector_load %arg9[%get3A_158, %get3A_159] {strides = array<i32>} : memref<6x128xi32, #tpu.memory_space<vmem>>, vector<1x16xi32>,
    %get3A_161 = vector.shape_cast %get3A_160 : vector<1x16xi32> to vector<16xi32>
    %and3A_162 = arith.constant 258048 : i32
    %and3A_163 = vector.broadcast %and3A_162 : i32 to vector<16xi32>
    %and3A_164 = arith.andi %get3A_161, %and3A_163 : vector<16xi32>
    %and3A_165 = arith.constant 384 : i32
    %and3A_166 = vector.broadcast %and3A_165 : i32 to vector<16xi32>
    %and3A_167 = arith.andi %get3A_161, %and3A_166 : vector<16xi32>
    %shift_left3A_168 = arith.constant 3 : i32
    %shift_left3A_169 = vector.broadcast %shift_left3A_168 : i32 to vector<16xi32>
    %shift_left3A_170 = arith.shli %and3A_167, %shift_left3A_169 : vector<16xi32>
    %or3A_171 = arith.ori %and3A_164, %shift_left3A_170 : vector<16xi32>
    %and3A_172 = arith.constant 3584 : i32
    %and3A_173 = vector.broadcast %and3A_172 : i32 to vector<16xi32>
    %and3A_174 = arith.andi %get3A_161, %and3A_173 : vector<16xi32>
    %shift_right_arithmetic3A_175 = arith.constant 2 : i32
    %shift_right_arithmetic3A_176 = vector.broadcast %shift_right_arithmetic3A_175 : i32 to vector<16xi32>
    %shift_right_arithmetic3A_177 = arith.shrsi %and3A_174, %shift_right_arithmetic3A_176 : vector<16xi32>
    %or3A_178 = arith.ori %or3A_171, %shift_right_arithmetic3A_177 : vector<16xi32>
    %and3A_179 = arith.constant 127 : i32
    %and3A_180 = vector.broadcast %and3A_179 : i32 to vector<16xi32>
    %and3A_181 = arith.andi %get3A_161, %and3A_180 : vector<16xi32>
    %or3A_182 = arith.ori %or3A_178, %and3A_181 : vector<16xi32>
    %add3A_183 = vector.broadcast %mul3A_4 : i32 to vector<16xi32>
    %add3A_184 = arith.addi %or3A_182, %add3A_183 : vector<16xi32>
    %swap3A_185 = arith.constant 0 : i32
    %swap3A_186 = arith.index_cast %swap3A_185 : i32 to index
    %swap3A_187 = arith.constant 48 : index
    %swap3A_188 = tpu.vector_load %arg10[%swap3A_186, %swap3A_187] {strides = array<i32>} : memref<6x128xi32, #tpu.memory_space<vmem>>, vector<1x16xi32>,
    %swap3A_189 = vector.shape_cast %swap3A_188 : vector<1x16xi32> to vector<16xi32>
    %swap3A_190 = vector.shape_cast %add3A_184 : vector<16xi32> to vector<1x16xi32>
    tpu.vector_store %arg10[%swap3A_186, %swap3A_187], %swap3A_190 {strides = array<i32>} : memref<6x128xi32, #tpu.memory_space<vmem>>, vector<1x16xi32>,
    %get3A_191 = arith.constant 0 : i32
    %get3A_192 = arith.index_cast %get3A_191 : i32 to index
    %get3A_193 = arith.constant 64 : index
    %get3A_194 = tpu.vector_load %arg9[%get3A_192, %get3A_193] {strides = array<i32>} : memref<6x128xi32, #tpu.memory_space<vmem>>, vector<1x16xi32>,
    %get3A_195 = vector.shape_cast %get3A_194 : vector<1x16xi32> to vector<16xi32>
    %and3A_196 = arith.constant 258048 : i32
    %and3A_197 = vector.broadcast %and3A_196 : i32 to vector<16xi32>
    %and3A_198 = arith.andi %get3A_195, %and3A_197 : vector<16xi32>
    %and3A_199 = arith.constant 384 : i32
    %and3A_200 = vector.broadcast %and3A_199 : i32 to vector<16xi32>
    %and3A_201 = arith.andi %get3A_195, %and3A_200 : vector<16xi32>
    %shift_left3A_202 = arith.constant 3 : i32
    %shift_left3A_203 = vector.broadcast %shift_left3A_202 : i32 to vector<16xi32>
    %shift_left3A_204 = arith.shli %and3A_201, %shift_left3A_203 : vector<16xi32>
    %or3A_205 = arith.ori %and3A_198, %shift_left3A_204 : vector<16xi32>
    %and3A_206 = arith.constant 3584 : i32
    %and3A_207 = vector.broadcast %and3A_206 : i32 to vector<16xi32>
    %and3A_208 = arith.andi %get3A_195, %and3A_207 : vector<16xi32>
    %shift_right_arithmetic3A_209 = arith.constant 2 : i32
    %shift_right_arithmetic3A_210 = vector.broadcast %shift_right_arithmetic3A_209 : i32 to vector<16xi32>
    %shift_right_arithmetic3A_211 = arith.shrsi %and3A_208, %shift_right_arithmetic3A_210 : vector<16xi32>
    %or3A_212 = arith.ori %or3A_205, %shift_right_arithmetic3A_211 : vector<16xi32>
    %and3A_213 = arith.constant 127 : i32
    %and3A_214 = vector.broadcast %and3A_213 : i32 to vector<16xi32>
    %and3A_215 = arith.andi %get3A_195, %and3A_214 : vector<16xi32>
    %or3A_216 = arith.ori %or3A_212, %and3A_215 : vector<16xi32>
    %add3A_217 = vector.broadcast %mul3A_4 : i32 to vector<16xi32>
    %add3A_218 = arith.addi %or3A_216, %add3A_217 : vector<16xi32>
    %swap3A_219 = arith.constant 0 : i32
    %swap3A_220 = arith.index_cast %swap3A_219 : i32 to index
    %swap3A_221 = arith.constant 64 : index
    %swap3A_222 = tpu.vector_load %arg10[%swap3A_220, %swap3A_221] {strides = array<i32>} : memref<6x128xi32, #tpu.memory_space<vmem>>, vector<1x16xi32>,
    %swap3A_223 = vector.shape_cast %swap3A_222 : vector<1x16xi32> to vector<16xi32>
    %swap3A_224 = vector.shape_cast %add3A_218 : vector<16xi32> to vector<1x16xi32>
    tpu.vector_store %arg10[%swap3A_220, %swap3A_221], %swap3A_224 {strides = array<i32>} : memref<6x128xi32, #tpu.memory_space<vmem>>, vector<1x16xi32>,
    %get3A_225 = arith.constant 0 : i32
    %get3A_226 = arith.index_cast %get3A_225 : i32 to index
    %get3A_227 = arith.constant 80 : index
    %get3A_228 = tpu.vector_load %arg9[%get3A_226, %get3A_227] {strides = array<i32>} : memref<6x128xi32, #tpu.memory_space<vmem>>, vector<1x16xi32>,
    %get3A_229 = vector.shape_cast %get3A_228 : vector<1x16xi32> to vector<16xi32>
    %and3A_230 = arith.constant 258048 : i32
    %and3A_231 = vector.broadcast %and3A_230 : i32 to vector<16xi32>
    %and3A_232 = arith.andi %get3A_229, %and3A_231 : vector<16xi32>
    %and3A_233 = arith.constant 384 : i32
    %and3A_234 = vector.broadcast %and3A_233 : i32 to vector<16xi32>
    %and3A_235 = arith.andi %get3A_229, %and3A_234 : vector<16xi32>
    %shift_left3A_236 = arith.constant 3 : i32
    %shift_left3A_237 = vector.broadcast %shift_left3A_236 : i32 to vector<16xi32>
    %shift_left3A_238 = arith.shli %and3A_235, %shift_left3A_237 : vector<16xi32>
    %or3A_239 = arith.ori %and3A_232, %shift_left3A_238 : vector<16xi32>
    %and3A_240 = arith.constant 3584 : i32
    %and3A_241 = vector.broadcast %and3A_240 : i32 to vector<16xi32>
    %and3A_242 = arith.andi %get3A_229, %and3A_241 : vector<16xi32>
    %shift_right_arithmetic3A_243 = arith.constant 2 : i32
    %shift_right_arithmetic3A_244 = vector.broadcast %shift_right_arithmetic3A_243 : i32 to vector<16xi32>
    %shift_right_arithmetic3A_245 = arith.shrsi %and3A_242, %shift_right_arithmetic3A_244 : vector<16xi32>
    %or3A_246 = arith.ori %or3A_239, %shift_right_arithmetic3A_245 : vector<16xi32>
    %and3A_247 = arith.constant 127 : i32
    %and3A_248 = vector.broadcast %and3A_247 : i32 to vector<16xi32>
    %and3A_249 = arith.andi %get3A_229, %and3A_248 : vector<16xi32>
    %or3A_250 = arith.ori %or3A_246, %and3A_249 : vector<16xi32>
    %add3A_251 = vector.broadcast %mul3A_4 : i32 to vector<16xi32>
    %add3A_252 = arith.addi %or3A_250, %add3A_251 : vector<16xi32>
    %swap3A_253 = arith.constant 0 : i32
    %swap3A_254 = arith.index_cast %swap3A_253 : i32 to index
    %swap3A_255 = arith.constant 80 : index
    %swap3A_256 = tpu.vector_load %arg10[%swap3A_254, %swap3A_255] {strides = array<i32>} : memref<6x128xi32, #tpu.memory_space<vmem>>, vector<1x16xi32>,
    %swap3A_257 = vector.shape_cast %swap3A_256 : vector<1x16xi32> to vector<16xi32>
    %swap3A_258 = vector.shape_cast %add3A_252 : vector<16xi32> to vector<1x16xi32>
    tpu.vector_store %arg10[%swap3A_254, %swap3A_255], %swap3A_258 {strides = array<i32>} : memref<6x128xi32, #tpu.memory_space<vmem>>, vector<1x16xi32>,
    %get3A_259 = arith.constant 0 : i32
    %get3A_260 = arith.index_cast %get3A_259 : i32 to index
    %get3A_261 = arith.constant 96 : index
    %get3A_262 = tpu.vector_load %arg9[%get3A_260, %get3A_261] {strides = array<i32>} : memref<6x128xi32, #tpu.memory_space<vmem>>, vector<1x16xi32>,
    %get3A_263 = vector.shape_cast %get3A_262 : vector<1x16xi32> to vector<16xi32>
    %and3A_264 = arith.constant 258048 : i32
    %and3A_265 = vector.broadcast %and3A_264 : i32 to vector<16xi32>
    %and3A_266 = arith.andi %get3A_263, %and3A_265 : vector<16xi32>
    %and3A_267 = arith.constant 384 : i32
    %and3A_268 = vector.broadcast %and3A_267 : i32 to vector<16xi32>
    %and3A_269 = arith.andi %get3A_263, %and3A_268 : vector<16xi32>
    %shift_left3A_270 = arith.constant 3 : i32
    %shift_left3A_271 = vector.broadcast %shift_left3A_270 : i32 to vector<16xi32>
    %shift_left3A_272 = arith.shli %and3A_269, %shift_left3A_271 : vector<16xi32>
    %or3A_273 = arith.ori %and3A_266, %shift_left3A_272 : vector<16xi32>
    %and3A_274 = arith.constant 3584 : i32
    %and3A_275 = vector.broadcast %and3A_274 : i32 to vector<16xi32>
    %and3A_276 = arith.andi %get3A_263, %and3A_275 : vector<16xi32>
    %shift_right_arithmetic3A_277 = arith.constant 2 : i32
    %shift_right_arithmetic3A_278 = vector.broadcast %shift_right_arithmetic3A_277 : i32 to vector<16xi32>
    %shift_right_arithmetic3A_279 = arith.shrsi %and3A_276, %shift_right_arithmetic3A_278 : vector<16xi32>
    %or3A_280 = arith.ori %or3A_273, %shift_right_arithmetic3A_279 : vector<16xi32>
    %and3A_281 = arith.constant 127 : i32
    %and3A_282 = vector.broadcast %and3A_281 : i32 to vector<16xi32>
    %and3A_283 = arith.andi %get3A_263, %and3A_282 : vector<16xi32>
    %or3A_284 = arith.ori %or3A_280, %and3A_283 : vector<16xi32>
    %add3A_285 = vector.broadcast %mul3A_4 : i32 to vector<16xi32>
    %add3A_286 = arith.addi %or3A_284, %add3A_285 : vector<16xi32>
    %swap3A_287 = arith.constant 0 : i32
    %swap3A_288 = arith.index_cast %swap3A_287 : i32 to index
    %swap3A_289 = arith.constant 96 : index
    %swap3A_290 = tpu.vector_load %arg10[%swap3A_288, %swap3A_289] {strides = array<i32>} : memref<6x128xi32, #tpu.memory_space<vmem>>, vector<1x16xi32>,
    %swap3A_291 = vector.shape_cast %swap3A_290 : vector<1x16xi32> to vector<16xi32>
    %swap3A_292 = vector.shape_cast %add3A_286 : vector<16xi32> to vector<1x16xi32>
    tpu.vector_store %arg10[%swap3A_288, %swap3A_289], %swap3A_292 {strides = array<i32>} : memref<6x128xi32, #tpu.memory_space<vmem>>, vector<1x16xi32>,
    %get3A_293 = arith.constant 0 : i32
    %get3A_294 = arith.index_cast %get3A_293 : i32 to index
    %get3A_295 = arith.constant 112 : index
    %get3A_296 = tpu.vector_load %arg9[%get3A_294, %get3A_295] {strides = array<i32>} : memref<6x128xi32, #tpu.memory_space<vmem>>, vector<1x16xi32>,
    %get3A_297 = vector.shape_cast %get3A_296 : vector<1x16xi32> to vector<16xi32>
    %and3A_298 = arith.constant 258048 : i32
    %and3A_299 = vector.broadcast %and3A_298 : i32 to vector<16xi32>
    %and3A_300 = arith.andi %get3A_297, %and3A_299 : vector<16xi32>
    %and3A_301 = arith.constant 384 : i32
    %and3A_302 = vector.broadcast %and3A_301 : i32 to vector<16xi32>
    %and3A_303 = arith.andi %get3A_297, %and3A_302 : vector<16xi32>
    %shift_left3A_304 = arith.constant 3 : i32
    %shift_left3A_305 = vector.broadcast %shift_left3A_304 : i32 to vector<16xi32>
    %shift_left3A_306 = arith.shli %and3A_303, %shift_left3A_305 : vector<16xi32>
    %or3A_307 = arith.ori %and3A_300, %shift_left3A_306 : vector<16xi32>
    %and3A_308 = arith.constant 3584 : i32
    %and3A_309 = vector.broadcast %and3A_308 : i32 to vector<16xi32>
    %and3A_310 = arith.andi %get3A_297, %and3A_309 : vector<16xi32>
    %shift_right_arithmetic3A_311 = arith.constant 2 : i32
    %shift_right_arithmetic3A_312 = vector.broadcast %shift_right_arithmetic3A_311 : i32 to vector<16xi32>
    %shift_right_arithmetic3A_313 = arith.shrsi %and3A_310, %shift_right_arithmetic3A_312 : vector<16xi32>
    %or3A_314 = arith.ori %or3A_307, %shift_right_arithmetic3A_313 : vector<16xi32>
    %and3A_315 = arith.constant 127 : i32
    %and3A_316 = vector.broadcast %and3A_315 : i32 to vector<16xi32>
    %and3A_317 = arith.andi %get3A_297, %and3A_316 : vector<16xi32>
    %or3A_318 = arith.ori %or3A_314, %and3A_317 : vector<16xi32>
    %add3A_319 = vector.broadcast %mul3A_4 : i32 to vector<16xi32>
    %add3A_320 = arith.addi %or3A_318, %add3A_319 : vector<16xi32>
    %swap3A_321 = arith.constant 0 : i32
    %swap3A_322 = arith.index_cast %swap3A_321 : i32 to index
    %swap3A_323 = arith.constant 112 : index
    %swap3A_324 = tpu.vector_load %arg10[%swap3A_322, %swap3A_323] {strides = array<i32>} : memref<6x128xi32, #tpu.memory_space<vmem>>, vector<1x16xi32>,
    %swap3A_325 = vector.shape_cast %swap3A_324 : vector<1x16xi32> to vector<16xi32>
    %swap3A_326 = vector.shape_cast %add3A_320 : vector<16xi32> to vector<1x16xi32>
    tpu.vector_store %arg10[%swap3A_322, %swap3A_323], %swap3A_326 {strides = array<i32>} : memref<6x128xi32, #tpu.memory_space<vmem>>, vector<1x16xi32>,
    %get3A_327 = arith.constant 1 : i32
    %get3A_328 = arith.index_cast %get3A_327 : i32 to index
    %get3A_329 = arith.constant 0 : index
    %get3A_330 = tpu.vector_load %arg9[%get3A_328, %get3A_329] {strides = array<i32>} : memref<6x128xi32, #tpu.memory_space<vmem>>, vector<1x16xi32>,
    %get3A_331 = vector.shape_cast %get3A_330 : vector<1x16xi32> to vector<16xi32>
    %and3A_332 = arith.constant 258048 : i32
    %and3A_333 = vector.broadcast %and3A_332 : i32 to vector<16xi32>
    %and3A_334 = arith.andi %get3A_331, %and3A_333 : vector<16xi32>
    %and3A_335 = arith.constant 384 : i32
    %and3A_336 = vector.broadcast %and3A_335 : i32 to vector<16xi32>
    %and3A_337 = arith.andi %get3A_331, %and3A_336 : vector<16xi32>
    %shift_left3A_338 = arith.constant 3 : i32
    %shift_left3A_339 = vector.broadcast %shift_left3A_338 : i32 to vector<16xi32>
    %shift_left3A_340 = arith.shli %and3A_337, %shift_left3A_339 : vector<16xi32>
    %or3A_341 = arith.ori %and3A_334, %shift_left3A_340 : vector<16xi32>
    %and3A_342 = arith.constant 3584 : i32
    %and3A_343 = vector.broadcast %and3A_342 : i32 to vector<16xi32>
    %and3A_344 = arith.andi %get3A_331, %and3A_343 : vector<16xi32>
    %shift_right_arithmetic3A_345 = arith.constant 2 : i32
    %shift_right_arithmetic3A_346 = vector.broadcast %shift_right_arithmetic3A_345 : i32 to vector<16xi32>
    %shift_right_arithmetic3A_347 = arith.shrsi %and3A_344, %shift_right_arithmetic3A_346 : vector<16xi32>
    %or3A_348 = arith.ori %or3A_341, %shift_right_arithmetic3A_347 : vector<16xi32>
    %and3A_349 = arith.constant 127 : i32
    %and3A_350 = vector.broadcast %and3A_349 : i32 to vector<16xi32>
    %and3A_351 = arith.andi %get3A_331, %and3A_350 : vector<16xi32>
    %or3A_352 = arith.ori %or3A_348, %and3A_351 : vector<16xi32>
    %add3A_353 = vector.broadcast %mul3A_4 : i32 to vector<16xi32>
    %add3A_354 = arith.addi %or3A_352, %add3A_353 : vector<16xi32>
    %swap3A_355 = arith.constant 1 : i32
    %swap3A_356 = arith.index_cast %swap3A_355 : i32 to index
    %swap3A_357 = arith.constant 0 : index
    %swap3A_358 = tpu.vector_load %arg10[%swap3A_356, %swap3A_357] {strides = array<i32>} : memref<6x128xi32, #tpu.memory_space<vmem>>, vector<1x16xi32>,
    %swap3A_359 = vector.shape_cast %swap3A_358 : vector<1x16xi32> to vector<16xi32>
    %swap3A_360 = vector.shape_cast %add3A_354 : vector<16xi32> to vector<1x16xi32>
    tpu.vector_store %arg10[%swap3A_356, %swap3A_357], %swap3A_360 {strides = array<i32>} : memref<6x128xi32, #tpu.memory_space<vmem>>, vector<1x16xi32>,
    %get3A_361 = arith.constant 1 : i32
    %get3A_362 = arith.index_cast %get3A_361 : i32 to index
    %get3A_363 = arith.constant 16 : index
    %get3A_364 = tpu.vector_load %arg9[%get3A_362, %get3A_363] {strides = array<i32>} : memref<6x128xi32, #tpu.memory_space<vmem>>, vector<1x16xi32>,
    %get3A_365 = vector.shape_cast %get3A_364 : vector<1x16xi32> to vector<16xi32>
    %and3A_366 = arith.constant 258048 : i32
    %and3A_367 = vector.broadcast %and3A_366 : i32 to vector<16xi32>
    %and3A_368 = arith.andi %get3A_365, %and3A_367 : vector<16xi32>
    %and3A_369 = arith.constant 384 : i32
    %and3A_370 = vector.broadcast %and3A_369 : i32 to vector<16xi32>
    %and3A_371 = arith.andi %get3A_365, %and3A_370 : vector<16xi32>
    %shift_left3A_372 = arith.constant 3 : i32
    %shift_left3A_373 = vector.broadcast %shift_left3A_372 : i32 to vector<16xi32>
    %shift_left3A_374 = arith.shli %and3A_371, %shift_left3A_373 : vector<16xi32>
    %or3A_375 = arith.ori %and3A_368, %shift_left3A_374 : vector<16xi32>
    %and3A_376 = arith.constant 3584 : i32
    %and3A_377 = vector.broadcast %and3A_376 : i32 to vector<16xi32>
    %and3A_378 = arith.andi %get3A_365, %and3A_377 : vector<16xi32>
    %shift_right_arithmetic3A_379 = arith.constant 2 : i32
    %shift_right_arithmetic3A_380 = vector.broadcast %shift_right_arithmetic3A_379 : i32 to vector<16xi32>
    %shift_right_arithmetic3A_381 = arith.shrsi %and3A_378, %shift_right_arithmetic3A_380 : vector<16xi32>
    %or3A_382 = arith.ori %or3A_375, %shift_right_arithmetic3A_381 : vector<16xi32>
    %and3A_383 = arith.constant 127 : i32
    %and3A_384 = vector.broadcast %and3A_383 : i32 to vector<16xi32>
    %and3A_385 = arith.andi %get3A_365, %and3A_384 : vector<16xi32>
    %or3A_386 = arith.ori %or3A_382, %and3A_385 : vector<16xi32>
    %add3A_387 = vector.broadcast %mul3A_4 : i32 to vector<16xi32>
    %add3A_388 = arith.addi %or3A_386, %add3A_387 : vector<16xi32>
    %swap3A_389 = arith.constant 1 : i32
    %swap3A_390 = arith.index_cast %swap3A_389 : i32 to index
    %swap3A_391 = arith.constant 16 : index
    %swap3A_392 = tpu.vector_load %arg10[%swap3A_390, %swap3A_391] {strides = array<i32>} : memref<6x128xi32, #tpu.memory_space<vmem>>, vector<1x16xi32>,
    %swap3A_393 = vector.shape_cast %swap3A_392 : vector<1x16xi32> to vector<16xi32>
    %swap3A_394 = vector.shape_cast %add3A_388 : vector<16xi32> to vector<1x16xi32>
    tpu.vector_store %arg10[%swap3A_390, %swap3A_391], %swap3A_394 {strides = array<i32>} : memref<6x128xi32, #tpu.memory_space<vmem>>, vector<1x16xi32>,
    %get3A_395 = arith.constant 1 : i32
    %get3A_396 = arith.index_cast %get3A_395 : i32 to index
    %get3A_397 = arith.constant 32 : index
    %get3A_398 = tpu.vector_load %arg9[%get3A_396, %get3A_397] {strides = array<i32>} : memref<6x128xi32, #tpu.memory_space<vmem>>, vector<1x16xi32>,
    %get3A_399 = vector.shape_cast %get3A_398 : vector<1x16xi32> to vector<16xi32>
    %and3A_400 = arith.constant 258048 : i32
    %and3A_401 = vector.broadcast %and3A_400 : i32 to vector<16xi32>
    %and3A_402 = arith.andi %get3A_399, %and3A_401 : vector<16xi32>
    %and3A_403 = arith.constant 384 : i32
    %and3A_404 = vector.broadcast %and3A_403 : i32 to vector<16xi32>
    %and3A_405 = arith.andi %get3A_399, %and3A_404 : vector<16xi32>
    %shift_left3A_406 = arith.constant 3 : i32
    %shift_left3A_407 = vector.broadcast %shift_left3A_406 : i32 to vector<16xi32>
    %shift_left3A_408 = arith.shli %and3A_405, %shift_left3A_407 : vector<16xi32>
    %or3A_409 = arith.ori %and3A_402, %shift_left3A_408 : vector<16xi32>
    %and3A_410 = arith.constant 3584 : i32
    %and3A_411 = vector.broadcast %and3A_410 : i32 to vector<16xi32>
    %and3A_412 = arith.andi %get3A_399, %and3A_411 : vector<16xi32>
    %shift_right_arithmetic3A_413 = arith.constant 2 : i32
    %shift_right_arithmetic3A_414 = vector.broadcast %shift_right_arithmetic3A_413 : i32 to vector<16xi32>
    %shift_right_arithmetic3A_415 = arith.shrsi %and3A_412, %shift_right_arithmetic3A_414 : vector<16xi32>
    %or3A_416 = arith.ori %or3A_409, %shift_right_arithmetic3A_415 : vector<16xi32>
    %and3A_417 = arith.constant 127 : i32
    %and3A_418 = vector.broadcast %and3A_417 : i32 to vector<16xi32>
    %and3A_419 = arith.andi %get3A_399, %and3A_418 : vector<16xi32>
    %or3A_420 = arith.ori %or3A_416, %and3A_419 : vector<16xi32>
    %add3A_421 = vector.broadcast %mul3A_4 : i32 to vector<16xi32>
    %add3A_422 = arith.addi %or3A_420, %add3A_421 : vector<16xi32>
    %swap3A_423 = arith.constant 1 : i32
    %swap3A_424 = arith.index_cast %swap3A_423 : i32 to index
    %swap3A_425 = arith.constant 32 : index
    %swap3A_426 = tpu.vector_load %arg10[%swap3A_424, %swap3A_425] {strides = array<i32>} : memref<6x128xi32, #tpu.memory_space<vmem>>, vector<1x16xi32>,
    %swap3A_427 = vector.shape_cast %swap3A_426 : vector<1x16xi32> to vector<16xi32>
    %swap3A_428 = vector.shape_cast %add3A_422 : vector<16xi32> to vector<1x16xi32>
    tpu.vector_store %arg10[%swap3A_424, %swap3A_425], %swap3A_428 {strides = array<i32>} : memref<6x128xi32, #tpu.memory_space<vmem>>, vector<1x16xi32>,
    %get3A_429 = arith.constant 1 : i32
    %get3A_430 = arith.index_cast %get3A_429 : i32 to index
    %get3A_431 = arith.constant 48 : index
    %get3A_432 = tpu.vector_load %arg9[%get3A_430, %get3A_431] {strides = array<i32>} : memref<6x128xi32, #tpu.memory_space<vmem>>, vector<1x16xi32>,
    %get3A_433 = vector.shape_cast %get3A_432 : vector<1x16xi32> to vector<16xi32>
    %and3A_434 = arith.constant 258048 : i32
    %and3A_435 = vector.broadcast %and3A_434 : i32 to vector<16xi32>
    %and3A_436 = arith.andi %get3A_433, %and3A_435 : vector<16xi32>
    %and3A_437 = arith.constant 384 : i32
    %and3A_438 = vector.broadcast %and3A_437 : i32 to vector<16xi32>
    %and3A_439 = arith.andi %get3A_433, %and3A_438 : vector<16xi32>
    %shift_left3A_440 = arith.constant 3 : i32
    %shift_left3A_441 = vector.broadcast %shift_left3A_440 : i32 to vector<16xi32>
    %shift_left3A_442 = arith.shli %and3A_439, %shift_left3A_441 : vector<16xi32>
    %or3A_443 = arith.ori %and3A_436, %shift_left3A_442 : vector<16xi32>
    %and3A_444 = arith.constant 3584 : i32
    %and3A_445 = vector.broadcast %and3A_444 : i32 to vector<16xi32>
    %and3A_446 = arith.andi %get3A_433, %and3A_445 : vector<16xi32>
    %shift_right_arithmetic3A_447 = arith.constant 2 : i32
    %shift_right_arithmetic3A_448 = vector.broadcast %shift_right_arithmetic3A_447 : i32 to vector<16xi32>
    %shift_right_arithmetic3A_449 = arith.shrsi %and3A_446, %shift_right_arithmetic3A_448 : vector<16xi32>
    %or3A_450 = arith.ori %or3A_443, %shift_right_arithmetic3A_449 : vector<16xi32>
    %and3A_451 = arith.constant 127 : i32
    %and3A_452 = vector.broadcast %and3A_451 : i32 to vector<16xi32>
    %and3A_453 = arith.andi %get3A_433, %and3A_452 : vector<16xi32>
    %or3A_454 = arith.ori %or3A_450, %and3A_453 : vector<16xi32>
    %add3A_455 = vector.broadcast %mul3A_4 : i32 to vector<16xi32>
    %add3A_456 = arith.addi %or3A_454, %add3A_455 : vector<16xi32>
    %swap3A_457 = arith.constant 1 : i32
    %swap3A_458 = arith.index_cast %swap3A_457 : i32 to index
    %swap3A_459 = arith.constant 48 : index
    %swap3A_460 = tpu.vector_load %arg10[%swap3A_458, %swap3A_459] {strides = array<i32>} : memref<6x128xi32, #tpu.memory_space<vmem>>, vector<1x16xi32>,
    %swap3A_461 = vector.shape_cast %swap3A_460 : vector<1x16xi32> to vector<16xi32>
    %swap3A_462 = vector.shape_cast %add3A_456 : vector<16xi32> to vector<1x16xi32>
    tpu.vector_store %arg10[%swap3A_458, %swap3A_459], %swap3A_462 {strides = array<i32>} : memref<6x128xi32, #tpu.memory_space<vmem>>, vector<1x16xi32>,
    %get3A_463 = arith.constant 1 : i32
    %get3A_464 = arith.index_cast %get3A_463 : i32 to index
    %get3A_465 = arith.constant 64 : index
    %get3A_466 = tpu.vector_load %arg9[%get3A_464, %get3A_465] {strides = array<i32>} : memref<6x128xi32, #tpu.memory_space<vmem>>, vector<1x16xi32>,
    %get3A_467 = vector.shape_cast %get3A_466 : vector<1x16xi32> to vector<16xi32>
    %and3A_468 = arith.constant 258048 : i32
    %and3A_469 = vector.broadcast %and3A_468 : i32 to vector<16xi32>
    %and3A_470 = arith.andi %get3A_467, %and3A_469 : vector<16xi32>
    %and3A_471 = arith.constant 384 : i32
    %and3A_472 = vector.broadcast %and3A_471 : i32 to vector<16xi32>
    %and3A_473 = arith.andi %get3A_467, %and3A_472 : vector<16xi32>
    %shift_left3A_474 = arith.constant 3 : i32
    %shift_left3A_475 = vector.broadcast %shift_left3A_474 : i32 to vector<16xi32>
    %shift_left3A_476 = arith.shli %and3A_473, %shift_left3A_475 : vector<16xi32>
    %or3A_477 = arith.ori %and3A_470, %shift_left3A_476 : vector<16xi32>
    %and3A_478 = arith.constant 3584 : i32
    %and3A_479 = vector.broadcast %and3A_478 : i32 to vector<16xi32>
    %and3A_480 = arith.andi %get3A_467, %and3A_479 : vector<16xi32>
    %shift_right_arithmetic3A_481 = arith.constant 2 : i32
    %shift_right_arithmetic3A_482 = vector.broadcast %shift_right_arithmetic3A_481 : i32 to vector<16xi32>
    %shift_right_arithmetic3A_483 = arith.shrsi %and3A_480, %shift_right_arithmetic3A_482 : vector<16xi32>
    %or3A_484 = arith.ori %or3A_477, %shift_right_arithmetic3A_483 : vector<16xi32>
    %and3A_485 = arith.constant 127 : i32
    %and3A_486 = vector.broadcast %and3A_485 : i32 to vector<16xi32>
    %and3A_487 = arith.andi %get3A_467, %and3A_486 : vector<16xi32>
    %or3A_488 = arith.ori %or3A_484, %and3A_487 : vector<16xi32>
    %add3A_489 = vector.broadcast %mul3A_4 : i32 to vector<16xi32>
    %add3A_490 = arith.addi %or3A_488, %add3A_489 : vector<16xi32>
    %swap3A_491 = arith.constant 1 : i32
    %swap3A_492 = arith.index_cast %swap3A_491 : i32 to index
    %swap3A_493 = arith.constant 64 : index
    %swap3A_494 = tpu.vector_load %arg10[%swap3A_492, %swap3A_493] {strides = array<i32>} : memref<6x128xi32, #tpu.memory_space<vmem>>, vector<1x16xi32>,
    %swap3A_495 = vector.shape_cast %swap3A_494 : vector<1x16xi32> to vector<16xi32>
    %swap3A_496 = vector.shape_cast %add3A_490 : vector<16xi32> to vector<1x16xi32>
    tpu.vector_store %arg10[%swap3A_492, %swap3A_493], %swap3A_496 {strides = array<i32>} : memref<6x128xi32, #tpu.memory_space<vmem>>, vector<1x16xi32>,
    %get3A_497 = arith.constant 1 : i32
    %get3A_498 = arith.index_cast %get3A_497 : i32 to index
    %get3A_499 = arith.constant 80 : index
    %get3A_500 = tpu.vector_load %arg9[%get3A_498, %get3A_499] {strides = array<i32>} : memref<6x128xi32, #tpu.memory_space<vmem>>, vector<1x16xi32>,
    %get3A_501 = vector.shape_cast %get3A_500 : vector<1x16xi32> to vector<16xi32>
    %and3A_502 = arith.constant 258048 : i32
    %and3A_503 = vector.broadcast %and3A_502 : i32 to vector<16xi32>
    %and3A_504 = arith.andi %get3A_501, %and3A_503 : vector<16xi32>
    %and3A_505 = arith.constant 384 : i32
    %and3A_506 = vector.broadcast %and3A_505 : i32 to vector<16xi32>
    %and3A_507 = arith.andi %get3A_501, %and3A_506 : vector<16xi32>
    %shift_left3A_508 = arith.constant 3 : i32
    %shift_left3A_509 = vector.broadcast %shift_left3A_508 : i32 to vector<16xi32>
    %shift_left3A_510 = arith.shli %and3A_507, %shift_left3A_509 : vector<16xi32>
    %or3A_511 = arith.ori %and3A_504, %shift_left3A_510 : vector<16xi32>
    %and3A_512 = arith.constant 3584 : i32
    %and3A_513 = vector.broadcast %and3A_512 : i32 to vector<16xi32>
    %and3A_514 = arith.andi %get3A_501, %and3A_513 : vector<16xi32>
    %shift_right_arithmetic3A_515 = arith.constant 2 : i32
    %shift_right_arithmetic3A_516 = vector.broadcast %shift_right_arithmetic3A_515 : i32 to vector<16xi32>
    %shift_right_arithmetic3A_517 = arith.shrsi %and3A_514, %shift_right_arithmetic3A_516 : vector<16xi32>
    %or3A_518 = arith.ori %or3A_511, %shift_right_arithmetic3A_517 : vector<16xi32>
    %and3A_519 = arith.constant 127 : i32
    %and3A_520 = vector.broadcast %and3A_519 : i32 to vector<16xi32>
    %and3A_521 = arith.andi %get3A_501, %and3A_520 : vector<16xi32>
    %or3A_522 = arith.ori %or3A_518, %and3A_521 : vector<16xi32>
    %add3A_523 = vector.broadcast %mul3A_4 : i32 to vector<16xi32>
    %add3A_524 = arith.addi %or3A_522, %add3A_523 : vector<16xi32>
    %swap3A_525 = arith.constant 1 : i32
    %swap3A_526 = arith.index_cast %swap3A_525 : i32 to index
    %swap3A_527 = arith.constant 80 : index
    %swap3A_528 = tpu.vector_load %arg10[%swap3A_526, %swap3A_527] {strides = array<i32>} : memref<6x128xi32, #tpu.memory_space<vmem>>, vector<1x16xi32>,
    %swap3A_529 = vector.shape_cast %swap3A_528 : vector<1x16xi32> to vector<16xi32>
    %swap3A_530 = vector.shape_cast %add3A_524 : vector<16xi32> to vector<1x16xi32>
    tpu.vector_store %arg10[%swap3A_526, %swap3A_527], %swap3A_530 {strides = array<i32>} : memref<6x128xi32, #tpu.memory_space<vmem>>, vector<1x16xi32>,
    %get3A_531 = arith.constant 1 : i32
    %get3A_532 = arith.index_cast %get3A_531 : i32 to index
    %get3A_533 = arith.constant 96 : index
    %get3A_534 = tpu.vector_load %arg9[%get3A_532, %get3A_533] {strides = array<i32>} : memref<6x128xi32, #tpu.memory_space<vmem>>, vector<1x16xi32>,
    %get3A_535 = vector.shape_cast %get3A_534 : vector<1x16xi32> to vector<16xi32>
    %and3A_536 = arith.constant 258048 : i32
    %and3A_537 = vector.broadcast %and3A_536 : i32 to vector<16xi32>
    %and3A_538 = arith.andi %get3A_535, %and3A_537 : vector<16xi32>
    %and3A_539 = arith.constant 384 : i32
    %and3A_540 = vector.broadcast %and3A_539 : i32 to vector<16xi32>
    %and3A_541 = arith.andi %get3A_535, %and3A_540 : vector<16xi32>
    %shift_left3A_542 = arith.constant 3 : i32
    %shift_left3A_543 = vector.broadcast %shift_left3A_542 : i32 to vector<16xi32>
    %shift_left3A_544 = arith.shli %and3A_541, %shift_left3A_543 : vector<16xi32>
    %or3A_545 = arith.ori %and3A_538, %shift_left3A_544 : vector<16xi32>
    %and3A_546 = arith.constant 3584 : i32
    %and3A_547 = vector.broadcast %and3A_546 : i32 to vector<16xi32>
    %and3A_548 = arith.andi %get3A_535, %and3A_547 : vector<16xi32>
    %shift_right_arithmetic3A_549 = arith.constant 2 : i32
    %shift_right_arithmetic3A_550 = vector.broadcast %shift_right_arithmetic3A_549 : i32 to vector<16xi32>
    %shift_right_arithmetic3A_551 = arith.shrsi %and3A_548, %shift_right_arithmetic3A_550 : vector<16xi32>
    %or3A_552 = arith.ori %or3A_545, %shift_right_arithmetic3A_551 : vector<16xi32>
    %and3A_553 = arith.constant 127 : i32
    %and3A_554 = vector.broadcast %and3A_553 : i32 to vector<16xi32>
    %and3A_555 = arith.andi %get3A_535, %and3A_554 : vector<16xi32>
    %or3A_556 = arith.ori %or3A_552, %and3A_555 : vector<16xi32>
    %add3A_557 = vector.broadcast %mul3A_4 : i32 to vector<16xi32>
    %add3A_558 = arith.addi %or3A_556, %add3A_557 : vector<16xi32>
    %swap3A_559 = arith.constant 1 : i32
    %swap3A_560 = arith.index_cast %swap3A_559 : i32 to index
    %swap3A_561 = arith.constant 96 : index
    %swap3A_562 = tpu.vector_load %arg10[%swap3A_560, %swap3A_561] {strides = array<i32>} : memref<6x128xi32, #tpu.memory_space<vmem>>, vector<1x16xi32>,
    %swap3A_563 = vector.shape_cast %swap3A_562 : vector<1x16xi32> to vector<16xi32>
    %swap3A_564 = vector.shape_cast %add3A_558 : vector<16xi32> to vector<1x16xi32>
    tpu.vector_store %arg10[%swap3A_560, %swap3A_561], %swap3A_564 {strides = array<i32>} : memref<6x128xi32, #tpu.memory_space<vmem>>, vector<1x16xi32>,
    %get3A_565 = arith.constant 1 : i32
    %get3A_566 = arith.index_cast %get3A_565 : i32 to index
    %get3A_567 = arith.constant 112 : index
    %get3A_568 = tpu.vector_load %arg9[%get3A_566, %get3A_567] {strides = array<i32>} : memref<6x128xi32, #tpu.memory_space<vmem>>, vector<1x16xi32>,
    %get3A_569 = vector.shape_cast %get3A_568 : vector<1x16xi32> to vector<16xi32>
    %and3A_570 = arith.constant 258048 : i32
    %and3A_571 = vector.broadcast %and3A_570 : i32 to vector<16xi32>
    %and3A_572 = arith.andi %get3A_569, %and3A_571 : vector<16xi32>
    %and3A_573 = arith.constant 384 : i32
    %and3A_574 = vector.broadcast %and3A_573 : i32 to vector<16xi32>
    %and3A_575 = arith.andi %get3A_569, %and3A_574 : vector<16xi32>
    %shift_left3A_576 = arith.constant 3 : i32
    %shift_left3A_577 = vector.broadcast %shift_left3A_576 : i32 to vector<16xi32>
    %shift_left3A_578 = arith.shli %and3A_575, %shift_left3A_577 : vector<16xi32>
    %or3A_579 = arith.ori %and3A_572, %shift_left3A_578 : vector<16xi32>
    %and3A_580 = arith.constant 3584 : i32
    %and3A_581 = vector.broadcast %and3A_580 : i32 to vector<16xi32>
    %and3A_582 = arith.andi %get3A_569, %and3A_581 : vector<16xi32>
    %shift_right_arithmetic3A_583 = arith.constant 2 : i32
    %shift_right_arithmetic3A_584 = vector.broadcast %shift_right_arithmetic3A_583 : i32 to vector<16xi32>
    %shift_right_arithmetic3A_585 = arith.shrsi %and3A_582, %shift_right_arithmetic3A_584 : vector<16xi32>
    %or3A_586 = arith.ori %or3A_579, %shift_right_arithmetic3A_585 : vector<16xi32>
    %and3A_587 = arith.constant 127 : i32
    %and3A_588 = vector.broadcast %and3A_587 : i32 to vector<16xi32>
    %and3A_589 = arith.andi %get3A_569, %and3A_588 : vector<16xi32>
    %or3A_590 = arith.ori %or3A_586, %and3A_589 : vector<16xi32>
    %add3A_591 = vector.broadcast %mul3A_4 : i32 to vector<16xi32>
    %add3A_592 = arith.addi %or3A_590, %add3A_591 : vector<16xi32>
    %swap3A_593 = arith.constant 1 : i32
    %swap3A_594 = arith.index_cast %swap3A_593 : i32 to index
    %swap3A_595 = arith.constant 112 : index
    %swap3A_596 = tpu.vector_load %arg10[%swap3A_594, %swap3A_595] {strides = array<i32>} : memref<6x128xi32, #tpu.memory_space<vmem>>, vector<1x16xi32>,
    %swap3A_597 = vector.shape_cast %swap3A_596 : vector<1x16xi32> to vector<16xi32>
    %swap3A_598 = vector.shape_cast %add3A_592 : vector<16xi32> to vector<1x16xi32>
    tpu.vector_store %arg10[%swap3A_594, %swap3A_595], %swap3A_598 {strides = array<i32>} : memref<6x128xi32, #tpu.memory_space<vmem>>, vector<1x16xi32>,
    %dma_start3A_599 = arith.constant 0 : i32
    %dma_start3A_600 = arith.constant 0 : i32
    %dma_start3A_601 = arith.constant 0 : i32
    %dma_start3A_602 = tpu.memref_slice %arg11[%dma_start3A_600, %dma_start3A_601] : memref<6x128xf32, #tpu.memory_space<vmem>> -> memref<1x128xf32, #tpu.memory_space<vmem>>
    %dma_start3A_603 = tpu.memref_squeeze %dma_start3A_602 : memref<1x128xf32, #tpu.memory_space<vmem>> -> memref<128xf32, #tpu.memory_space<vmem>>
    %dma_start3A_604 = arith.constant 0 : i32
    %dma_start3A_605 = tpu.memref_slice %arg10[%dma_start3A_599, %dma_start3A_604] : memref<6x128xi32, #tpu.memory_space<vmem>> -> memref<1x128xi32, #tpu.memory_space<vmem>>
    %dma_start3A_606 = tpu.memref_squeeze %dma_start3A_605 : memref<1x128xi32, #tpu.memory_space<vmem>> -> memref<128xi32, #tpu.memory_space<vmem>>
    %dma_start3A_607 = arith.constant 0 : i32
    %dma_start3A_608 = tpu.memref_slice %arg2[%dma_start3A_607] : memref<8388608xf32, #tpu.memory_space<hbm>> -> memref<8388608xf32, #tpu.memory_space<hbm>>
    tpu.enqueue_indirect_dma source(%dma_start3A_608 : memref<8388608xf32, #tpu.memory_space<hbm>>) target(%dma_start3A_603 : memref<128xf32, #tpu.memory_space<vmem>>) offsets(%dma_start3A_606 : memref<128xi32, #tpu.memory_space<vmem>>) semaphore(%arg15 : memref<!tpu.dma_semaphore, #tpu.memory_space<semaphore_mem>>)
    %dma_start3A_609 = arith.constant 1 : i32
    %dma_start3A_610 = arith.constant 1 : i32
    %dma_start3A_611 = arith.constant 0 : i32
    %dma_start3A_612 = tpu.memref_slice %arg11[%dma_start3A_610, %dma_start3A_611] : memref<6x128xf32, #tpu.memory_space<vmem>> -> memref<1x128xf32, #tpu.memory_space<vmem>>
    %dma_start3A_613 = tpu.memref_squeeze %dma_start3A_612 : memref<1x128xf32, #tpu.memory_space<vmem>> -> memref<128xf32, #tpu.memory_space<vmem>>
    %dma_start3A_614 = arith.constant 0 : i32
    %dma_start3A_615 = tpu.memref_slice %arg10[%dma_start3A_609, %dma_start3A_614] : memref<6x128xi32, #tpu.memory_space<vmem>> -> memref<1x128xi32, #tpu.memory_space<vmem>>
    %dma_start3A_616 = tpu.memref_squeeze %dma_start3A_615 : memref<1x128xi32, #tpu.memory_space<vmem>> -> memref<128xi32, #tpu.memory_space<vmem>>
    %dma_start3A_617 = arith.constant 0 : i32
    %dma_start3A_618 = tpu.memref_slice %arg2[%dma_start3A_617] : memref<8388608xf32, #tpu.memory_space<hbm>> -> memref<8388608xf32, #tpu.memory_space<hbm>>
    tpu.enqueue_indirect_dma source(%dma_start3A_618 : memref<8388608xf32, #tpu.memory_space<hbm>>) target(%dma_start3A_613 : memref<128xf32, #tpu.memory_space<vmem>>) offsets(%dma_start3A_616 : memref<128xi32, #tpu.memory_space<vmem>>) semaphore(%arg15 : memref<!tpu.dma_semaphore, #tpu.memory_space<semaphore_mem>>)
    %dma_wait3A_619 = arith.constant 2 : i32
    %dma_wait3A_620 = arith.constant 0 : i32
    %dma_wait3A_621 = tpu.memref_slice %arg9[%dma_wait3A_619, %dma_wait3A_620] : memref<6x128xi32, #tpu.memory_space<vmem>> -> memref<2x128xi32, #tpu.memory_space<vmem>>
    %dma_wait3A_622 = arith.constant 0 : i32
    %dma_wait3A_623 = arith.constant 0 : i32
    %dma_wait3A_624 = tpu.memref_slice %arg6[%shift_right_arithmetic3A_1, %dma_wait3A_622, %and3A_2, %dma_wait3A_623] : memref<4x2x8x128xi32, #tpu.memory_space<hbm>> -> memref<1x2x1x128xi32, #tpu.memory_space<hbm>>
    %dma_wait3A_625 = tpu.memref_squeeze %dma_wait3A_624 : memref<1x2x1x128xi32, #tpu.memory_space<hbm>> -> memref<2x128xi32, #tpu.memory_space<hbm>>
    %dma_wait3A_626 = arith.constant 2 : i32
    %dma_wait3A_627 = arith.constant 0 : i32
    %dma_wait3A_628 = tpu.memref_slice %arg9[%dma_wait3A_626, %dma_wait3A_627] : memref<6x128xi32, #tpu.memory_space<vmem>> -> memref<2x128xi32, #tpu.memory_space<vmem>>
    %dma_wait3A_629 = arith.constant 0 : i32
    %dma_wait3A_630 = arith.constant 0 : i32
    %dma_wait3A_631 = tpu.memref_slice %arg6[%shift_right_arithmetic3A_1, %dma_wait3A_629, %and3A_2, %dma_wait3A_630] : memref<4x2x8x128xi32, #tpu.memory_space<hbm>> -> memref<1x2x1x128xi32, #tpu.memory_space<hbm>>
    %dma_wait3A_632 = tpu.memref_squeeze %dma_wait3A_631 : memref<1x2x1x128xi32, #tpu.memory_space<hbm>> -> memref<2x128xi32, #tpu.memory_space<hbm>>
    tpu.wait_dma2 semaphore(%arg13 : memref<!tpu.dma_semaphore, #tpu.memory_space<semaphore_mem>>) src(%dma_wait3A_632 : memref<2x128xi32, #tpu.memory_space<hbm>>) dst(%dma_wait3A_628 : memref<2x128xi32, #tpu.memory_space<vmem>>)
    %get3A_633 = arith.constant 2 : i32
    %get3A_634 = arith.index_cast %get3A_633 : i32 to index
    %get3A_635 = arith.constant 0 : index
    %get3A_636 = tpu.vector_load %arg9[%get3A_634, %get3A_635] {strides = array<i32>} : memref<6x128xi32, #tpu.memory_space<vmem>>, vector<1x16xi32>,
    %get3A_637 = vector.shape_cast %get3A_636 : vector<1x16xi32> to vector<16xi32>
    %and3A_638 = arith.constant 258048 : i32
    %and3A_639 = vector.broadcast %and3A_638 : i32 to vector<16xi32>
    %and3A_640 = arith.andi %get3A_637, %and3A_639 : vector<16xi32>
    %and3A_641 = arith.constant 384 : i32
    %and3A_642 = vector.broadcast %and3A_641 : i32 to vector<16xi32>
    %and3A_643 = arith.andi %get3A_637, %and3A_642 : vector<16xi32>
    %shift_left3A_644 = arith.constant 3 : i32
    %shift_left3A_645 = vector.broadcast %shift_left3A_644 : i32 to vector<16xi32>
    %shift_left3A_646 = arith.shli %and3A_643, %shift_left3A_645 : vector<16xi32>
    %or3A_647 = arith.ori %and3A_640, %shift_left3A_646 : vector<16xi32>
    %and3A_648 = arith.constant 3584 : i32
    %and3A_649 = vector.broadcast %and3A_648 : i32 to vector<16xi32>
    %and3A_650 = arith.andi %get3A_637, %and3A_649 : vector<16xi32>
    %shift_right_arithmetic3A_651 = arith.constant 2 : i32
    %shift_right_arithmetic3A_652 = vector.broadcast %shift_right_arithmetic3A_651 : i32 to vector<16xi32>
    %shift_right_arithmetic3A_653 = arith.shrsi %and3A_650, %shift_right_arithmetic3A_652 : vector<16xi32>
    %or3A_654 = arith.ori %or3A_647, %shift_right_arithmetic3A_653 : vector<16xi32>
    %and3A_655 = arith.constant 127 : i32
    %and3A_656 = vector.broadcast %and3A_655 : i32 to vector<16xi32>
    %and3A_657 = arith.andi %get3A_637, %and3A_656 : vector<16xi32>
    %or3A_658 = arith.ori %or3A_654, %and3A_657 : vector<16xi32>
    %add3A_659 = vector.broadcast %mul3A_4 : i32 to vector<16xi32>
    %add3A_660 = arith.addi %or3A_658, %add3A_659 : vector<16xi32>
    %swap3A_661 = arith.constant 2 : i32
    %swap3A_662 = arith.index_cast %swap3A_661 : i32 to index
    %swap3A_663 = arith.constant 0 : index
    %swap3A_664 = tpu.vector_load %arg10[%swap3A_662, %swap3A_663] {strides = array<i32>} : memref<6x128xi32, #tpu.memory_space<vmem>>, vector<1x16xi32>,
    %swap3A_665 = vector.shape_cast %swap3A_664 : vector<1x16xi32> to vector<16xi32>
    %swap3A_666 = vector.shape_cast %add3A_660 : vector<16xi32> to vector<1x16xi32>
    tpu.vector_store %arg10[%swap3A_662, %swap3A_663], %swap3A_666 {strides = array<i32>} : memref<6x128xi32, #tpu.memory_space<vmem>>, vector<1x16xi32>,
    %get3A_667 = arith.constant 2 : i32
    %get3A_668 = arith.index_cast %get3A_667 : i32 to index
    %get3A_669 = arith.constant 16 : index
    %get3A_670 = tpu.vector_load %arg9[%get3A_668, %get3A_669] {strides = array<i32>} : memref<6x128xi32, #tpu.memory_space<vmem>>, vector<1x16xi32>,
    %get3A_671 = vector.shape_cast %get3A_670 : vector<1x16xi32> to vector<16xi32>
    %and3A_672 = arith.constant 258048 : i32
    %and3A_673 = vector.broadcast %and3A_672 : i32 to vector<16xi32>
    %and3A_674 = arith.andi %get3A_671, %and3A_673 : vector<16xi32>
    %and3A_675 = arith.constant 384 : i32
    %and3A_676 = vector.broadcast %and3A_675 : i32 to vector<16xi32>
    %and3A_677 = arith.andi %get3A_671, %and3A_676 : vector<16xi32>
    %shift_left3A_678 = arith.constant 3 : i32
    %shift_left3A_679 = vector.broadcast %shift_left3A_678 : i32 to vector<16xi32>
    %shift_left3A_680 = arith.shli %and3A_677, %shift_left3A_679 : vector<16xi32>
    %or3A_681 = arith.ori %and3A_674, %shift_left3A_680 : vector<16xi32>
    %and3A_682 = arith.constant 3584 : i32
    %and3A_683 = vector.broadcast %and3A_682 : i32 to vector<16xi32>
    %and3A_684 = arith.andi %get3A_671, %and3A_683 : vector<16xi32>
    %shift_right_arithmetic3A_685 = arith.constant 2 : i32
    %shift_right_arithmetic3A_686 = vector.broadcast %shift_right_arithmetic3A_685 : i32 to vector<16xi32>
    %shift_right_arithmetic3A_687 = arith.shrsi %and3A_684, %shift_right_arithmetic3A_686 : vector<16xi32>
    %or3A_688 = arith.ori %or3A_681, %shift_right_arithmetic3A_687 : vector<16xi32>
    %and3A_689 = arith.constant 127 : i32
    %and3A_690 = vector.broadcast %and3A_689 : i32 to vector<16xi32>
    %and3A_691 = arith.andi %get3A_671, %and3A_690 : vector<16xi32>
    %or3A_692 = arith.ori %or3A_688, %and3A_691 : vector<16xi32>
    %add3A_693 = vector.broadcast %mul3A_4 : i32 to vector<16xi32>
    %add3A_694 = arith.addi %or3A_692, %add3A_693 : vector<16xi32>
    %swap3A_695 = arith.constant 2 : i32
    %swap3A_696 = arith.index_cast %swap3A_695 : i32 to index
    %swap3A_697 = arith.constant 16 : index
    %swap3A_698 = tpu.vector_load %arg10[%swap3A_696, %swap3A_697] {strides = array<i32>} : memref<6x128xi32, #tpu.memory_space<vmem>>, vector<1x16xi32>,
    %swap3A_699 = vector.shape_cast %swap3A_698 : vector<1x16xi32> to vector<16xi32>
    %swap3A_700 = vector.shape_cast %add3A_694 : vector<16xi32> to vector<1x16xi32>
    tpu.vector_store %arg10[%swap3A_696, %swap3A_697], %swap3A_700 {strides = array<i32>} : memref<6x128xi32, #tpu.memory_space<vmem>>, vector<1x16xi32>,
    %get3A_701 = arith.constant 2 : i32
    %get3A_702 = arith.index_cast %get3A_701 : i32 to index
    %get3A_703 = arith.constant 32 : index
    %get3A_704 = tpu.vector_load %arg9[%get3A_702, %get3A_703] {strides = array<i32>} : memref<6x128xi32, #tpu.memory_space<vmem>>, vector<1x16xi32>,
    %get3A_705 = vector.shape_cast %get3A_704 : vector<1x16xi32> to vector<16xi32>
    %and3A_706 = arith.constant 258048 : i32
    %and3A_707 = vector.broadcast %and3A_706 : i32 to vector<16xi32>
    %and3A_708 = arith.andi %get3A_705, %and3A_707 : vector<16xi32>
    %and3A_709 = arith.constant 384 : i32
    %and3A_710 = vector.broadcast %and3A_709 : i32 to vector<16xi32>
    %and3A_711 = arith.andi %get3A_705, %and3A_710 : vector<16xi32>
    %shift_left3A_712 = arith.constant 3 : i32
    %shift_left3A_713 = vector.broadcast %shift_left3A_712 : i32 to vector<16xi32>
    %shift_left3A_714 = arith.shli %and3A_711, %shift_left3A_713 : vector<16xi32>
    %or3A_715 = arith.ori %and3A_708, %shift_left3A_714 : vector<16xi32>
    %and3A_716 = arith.constant 3584 : i32
    %and3A_717 = vector.broadcast %and3A_716 : i32 to vector<16xi32>
    %and3A_718 = arith.andi %get3A_705, %and3A_717 : vector<16xi32>
    %shift_right_arithmetic3A_719 = arith.constant 2 : i32
    %shift_right_arithmetic3A_720 = vector.broadcast %shift_right_arithmetic3A_719 : i32 to vector<16xi32>
    %shift_right_arithmetic3A_721 = arith.shrsi %and3A_718, %shift_right_arithmetic3A_720 : vector<16xi32>
    %or3A_722 = arith.ori %or3A_715, %shift_right_arithmetic3A_721 : vector<16xi32>
    %and3A_723 = arith.constant 127 : i32
    %and3A_724 = vector.broadcast %and3A_723 : i32 to vector<16xi32>
    %and3A_725 = arith.andi %get3A_705, %and3A_724 : vector<16xi32>
    %or3A_726 = arith.ori %or3A_722, %and3A_725 : vector<16xi32>
    %add3A_727 = vector.broadcast %mul3A_4 : i32 to vector<16xi32>
    %add3A_728 = arith.addi %or3A_726, %add3A_727 : vector<16xi32>
    %swap3A_729 = arith.constant 2 : i32
    %swap3A_730 = arith.index_cast %swap3A_729 : i32 to index
    %swap3A_731 = arith.constant 32 : index
    %swap3A_732 = tpu.vector_load %arg10[%swap3A_730, %swap3A_731] {strides = array<i32>} : memref<6x128xi32, #tpu.memory_space<vmem>>, vector<1x16xi32>,
    %swap3A_733 = vector.shape_cast %swap3A_732 : vector<1x16xi32> to vector<16xi32>
    %swap3A_734 = vector.shape_cast %add3A_728 : vector<16xi32> to vector<1x16xi32>
    tpu.vector_store %arg10[%swap3A_730, %swap3A_731], %swap3A_734 {strides = array<i32>} : memref<6x128xi32, #tpu.memory_space<vmem>>, vector<1x16xi32>,
    %get3A_735 = arith.constant 2 : i32
    %get3A_736 = arith.index_cast %get3A_735 : i32 to index
    %get3A_737 = arith.constant 48 : index
    %get3A_738 = tpu.vector_load %arg9[%get3A_736, %get3A_737] {strides = array<i32>} : memref<6x128xi32, #tpu.memory_space<vmem>>, vector<1x16xi32>,
    %get3A_739 = vector.shape_cast %get3A_738 : vector<1x16xi32> to vector<16xi32>
    %and3A_740 = arith.constant 258048 : i32
    %and3A_741 = vector.broadcast %and3A_740 : i32 to vector<16xi32>
    %and3A_742 = arith.andi %get3A_739, %and3A_741 : vector<16xi32>
    %and3A_743 = arith.constant 384 : i32
    %and3A_744 = vector.broadcast %and3A_743 : i32 to vector<16xi32>
    %and3A_745 = arith.andi %get3A_739, %and3A_744 : vector<16xi32>
    %shift_left3A_746 = arith.constant 3 : i32
    %shift_left3A_747 = vector.broadcast %shift_left3A_746 : i32 to vector<16xi32>
    %shift_left3A_748 = arith.shli %and3A_745, %shift_left3A_747 : vector<16xi32>
    %or3A_749 = arith.ori %and3A_742, %shift_left3A_748 : vector<16xi32>
    %and3A_750 = arith.constant 3584 : i32
    %and3A_751 = vector.broadcast %and3A_750 : i32 to vector<16xi32>
    %and3A_752 = arith.andi %get3A_739, %and3A_751 : vector<16xi32>
    %shift_right_arithmetic3A_753 = arith.constant 2 : i32
    %shift_right_arithmetic3A_754 = vector.broadcast %shift_right_arithmetic3A_753 : i32 to vector<16xi32>
    %shift_right_arithmetic3A_755 = arith.shrsi %and3A_752, %shift_right_arithmetic3A_754 : vector<16xi32>
    %or3A_756 = arith.ori %or3A_749, %shift_right_arithmetic3A_755 : vector<16xi32>
    %and3A_757 = arith.constant 127 : i32
    %and3A_758 = vector.broadcast %and3A_757 : i32 to vector<16xi32>
    %and3A_759 = arith.andi %get3A_739, %and3A_758 : vector<16xi32>
    %or3A_760 = arith.ori %or3A_756, %and3A_759 : vector<16xi32>
    %add3A_761 = vector.broadcast %mul3A_4 : i32 to vector<16xi32>
    %add3A_762 = arith.addi %or3A_760, %add3A_761 : vector<16xi32>
    %swap3A_763 = arith.constant 2 : i32
    %swap3A_764 = arith.index_cast %swap3A_763 : i32 to index
    %swap3A_765 = arith.constant 48 : index
    %swap3A_766 = tpu.vector_load %arg10[%swap3A_764, %swap3A_765] {strides = array<i32>} : memref<6x128xi32, #tpu.memory_space<vmem>>, vector<1x16xi32>,
    %swap3A_767 = vector.shape_cast %swap3A_766 : vector<1x16xi32> to vector<16xi32>
    %swap3A_768 = vector.shape_cast %add3A_762 : vector<16xi32> to vector<1x16xi32>
    tpu.vector_store %arg10[%swap3A_764, %swap3A_765], %swap3A_768 {strides = array<i32>} : memref<6x128xi32, #tpu.memory_space<vmem>>, vector<1x16xi32>,
    %get3A_769 = arith.constant 2 : i32
    %get3A_770 = arith.index_cast %get3A_769 : i32 to index
    %get3A_771 = arith.constant 64 : index
    %get3A_772 = tpu.vector_load %arg9[%get3A_770, %get3A_771] {strides = array<i32>} : memref<6x128xi32, #tpu.memory_space<vmem>>, vector<1x16xi32>,
    %get3A_773 = vector.shape_cast %get3A_772 : vector<1x16xi32> to vector<16xi32>
    %and3A_774 = arith.constant 258048 : i32
    %and3A_775 = vector.broadcast %and3A_774 : i32 to vector<16xi32>
    %and3A_776 = arith.andi %get3A_773, %and3A_775 : vector<16xi32>
    %and3A_777 = arith.constant 384 : i32
    %and3A_778 = vector.broadcast %and3A_777 : i32 to vector<16xi32>
    %and3A_779 = arith.andi %get3A_773, %and3A_778 : vector<16xi32>
    %shift_left3A_780 = arith.constant 3 : i32
    %shift_left3A_781 = vector.broadcast %shift_left3A_780 : i32 to vector<16xi32>
    %shift_left3A_782 = arith.shli %and3A_779, %shift_left3A_781 : vector<16xi32>
    %or3A_783 = arith.ori %and3A_776, %shift_left3A_782 : vector<16xi32>
    %and3A_784 = arith.constant 3584 : i32
    %and3A_785 = vector.broadcast %and3A_784 : i32 to vector<16xi32>
    %and3A_786 = arith.andi %get3A_773, %and3A_785 : vector<16xi32>
    %shift_right_arithmetic3A_787 = arith.constant 2 : i32
    %shift_right_arithmetic3A_788 = vector.broadcast %shift_right_arithmetic3A_787 : i32 to vector<16xi32>
    %shift_right_arithmetic3A_789 = arith.shrsi %and3A_786, %shift_right_arithmetic3A_788 : vector<16xi32>
    %or3A_790 = arith.ori %or3A_783, %shift_right_arithmetic3A_789 : vector<16xi32>
    %and3A_791 = arith.constant 127 : i32
    %and3A_792 = vector.broadcast %and3A_791 : i32 to vector<16xi32>
    %and3A_793 = arith.andi %get3A_773, %and3A_792 : vector<16xi32>
    %or3A_794 = arith.ori %or3A_790, %and3A_793 : vector<16xi32>
    %add3A_795 = vector.broadcast %mul3A_4 : i32 to vector<16xi32>
    %add3A_796 = arith.addi %or3A_794, %add3A_795 : vector<16xi32>
    %swap3A_797 = arith.constant 2 : i32
    %swap3A_798 = arith.index_cast %swap3A_797 : i32 to index
    %swap3A_799 = arith.constant 64 : index
    %swap3A_800 = tpu.vector_load %arg10[%swap3A_798, %swap3A_799] {strides = array<i32>} : memref<6x128xi32, #tpu.memory_space<vmem>>, vector<1x16xi32>,
    %swap3A_801 = vector.shape_cast %swap3A_800 : vector<1x16xi32> to vector<16xi32>
    %swap3A_802 = vector.shape_cast %add3A_796 : vector<16xi32> to vector<1x16xi32>
    tpu.vector_store %arg10[%swap3A_798, %swap3A_799], %swap3A_802 {strides = array<i32>} : memref<6x128xi32, #tpu.memory_space<vmem>>, vector<1x16xi32>,
    %get3A_803 = arith.constant 2 : i32
    %get3A_804 = arith.index_cast %get3A_803 : i32 to index
    %get3A_805 = arith.constant 80 : index
    %get3A_806 = tpu.vector_load %arg9[%get3A_804, %get3A_805] {strides = array<i32>} : memref<6x128xi32, #tpu.memory_space<vmem>>, vector<1x16xi32>,
    %get3A_807 = vector.shape_cast %get3A_806 : vector<1x16xi32> to vector<16xi32>
    %and3A_808 = arith.constant 258048 : i32
    %and3A_809 = vector.broadcast %and3A_808 : i32 to vector<16xi32>
    %and3A_810 = arith.andi %get3A_807, %and3A_809 : vector<16xi32>
    %and3A_811 = arith.constant 384 : i32
    %and3A_812 = vector.broadcast %and3A_811 : i32 to vector<16xi32>
    %and3A_813 = arith.andi %get3A_807, %and3A_812 : vector<16xi32>
    %shift_left3A_814 = arith.constant 3 : i32
    %shift_left3A_815 = vector.broadcast %shift_left3A_814 : i32 to vector<16xi32>
    %shift_left3A_816 = arith.shli %and3A_813, %shift_left3A_815 : vector<16xi32>
    %or3A_817 = arith.ori %and3A_810, %shift_left3A_816 : vector<16xi32>
    %and3A_818 = arith.constant 3584 : i32
    %and3A_819 = vector.broadcast %and3A_818 : i32 to vector<16xi32>
    %and3A_820 = arith.andi %get3A_807, %and3A_819 : vector<16xi32>
    %shift_right_arithmetic3A_821 = arith.constant 2 : i32
    %shift_right_arithmetic3A_822 = vector.broadcast %shift_right_arithmetic3A_821 : i32 to vector<16xi32>
    %shift_right_arithmetic3A_823 = arith.shrsi %and3A_820, %shift_right_arithmetic3A_822 : vector<16xi32>
    %or3A_824 = arith.ori %or3A_817, %shift_right_arithmetic3A_823 : vector<16xi32>
    %and3A_825 = arith.constant 127 : i32
    %and3A_826 = vector.broadcast %and3A_825 : i32 to vector<16xi32>
    %and3A_827 = arith.andi %get3A_807, %and3A_826 : vector<16xi32>
    %or3A_828 = arith.ori %or3A_824, %and3A_827 : vector<16xi32>
    %add3A_829 = vector.broadcast %mul3A_4 : i32 to vector<16xi32>
    %add3A_830 = arith.addi %or3A_828, %add3A_829 : vector<16xi32>
    %swap3A_831 = arith.constant 2 : i32
    %swap3A_832 = arith.index_cast %swap3A_831 : i32 to index
    %swap3A_833 = arith.constant 80 : index
    %swap3A_834 = tpu.vector_load %arg10[%swap3A_832, %swap3A_833] {strides = array<i32>} : memref<6x128xi32, #tpu.memory_space<vmem>>, vector<1x16xi32>,
    %swap3A_835 = vector.shape_cast %swap3A_834 : vector<1x16xi32> to vector<16xi32>
    %swap3A_836 = vector.shape_cast %add3A_830 : vector<16xi32> to vector<1x16xi32>
    tpu.vector_store %arg10[%swap3A_832, %swap3A_833], %swap3A_836 {strides = array<i32>} : memref<6x128xi32, #tpu.memory_space<vmem>>, vector<1x16xi32>,
    %get3A_837 = arith.constant 2 : i32
    %get3A_838 = arith.index_cast %get3A_837 : i32 to index
    %get3A_839 = arith.constant 96 : index
    %get3A_840 = tpu.vector_load %arg9[%get3A_838, %get3A_839] {strides = array<i32>} : memref<6x128xi32, #tpu.memory_space<vmem>>, vector<1x16xi32>,
    %get3A_841 = vector.shape_cast %get3A_840 : vector<1x16xi32> to vector<16xi32>
    %and3A_842 = arith.constant 258048 : i32
    %and3A_843 = vector.broadcast %and3A_842 : i32 to vector<16xi32>
    %and3A_844 = arith.andi %get3A_841, %and3A_843 : vector<16xi32>
    %and3A_845 = arith.constant 384 : i32
    %and3A_846 = vector.broadcast %and3A_845 : i32 to vector<16xi32>
    %and3A_847 = arith.andi %get3A_841, %and3A_846 : vector<16xi32>
    %shift_left3A_848 = arith.constant 3 : i32
    %shift_left3A_849 = vector.broadcast %shift_left3A_848 : i32 to vector<16xi32>
    %shift_left3A_850 = arith.shli %and3A_847, %shift_left3A_849 : vector<16xi32>
    %or3A_851 = arith.ori %and3A_844, %shift_left3A_850 : vector<16xi32>
    %and3A_852 = arith.constant 3584 : i32
    %and3A_853 = vector.broadcast %and3A_852 : i32 to vector<16xi32>
    %and3A_854 = arith.andi %get3A_841, %and3A_853 : vector<16xi32>
    %shift_right_arithmetic3A_855 = arith.constant 2 : i32
    %shift_right_arithmetic3A_856 = vector.broadcast %shift_right_arithmetic3A_855 : i32 to vector<16xi32>
    %shift_right_arithmetic3A_857 = arith.shrsi %and3A_854, %shift_right_arithmetic3A_856 : vector<16xi32>
    %or3A_858 = arith.ori %or3A_851, %shift_right_arithmetic3A_857 : vector<16xi32>
    %and3A_859 = arith.constant 127 : i32
    %and3A_860 = vector.broadcast %and3A_859 : i32 to vector<16xi32>
    %and3A_861 = arith.andi %get3A_841, %and3A_860 : vector<16xi32>
    %or3A_862 = arith.ori %or3A_858, %and3A_861 : vector<16xi32>
    %add3A_863 = vector.broadcast %mul3A_4 : i32 to vector<16xi32>
    %add3A_864 = arith.addi %or3A_862, %add3A_863 : vector<16xi32>
    %swap3A_865 = arith.constant 2 : i32
    %swap3A_866 = arith.index_cast %swap3A_865 : i32 to index
    %swap3A_867 = arith.constant 96 : index
    %swap3A_868 = tpu.vector_load %arg10[%swap3A_866, %swap3A_867] {strides = array<i32>} : memref<6x128xi32, #tpu.memory_space<vmem>>, vector<1x16xi32>,
    %swap3A_869 = vector.shape_cast %swap3A_868 : vector<1x16xi32> to vector<16xi32>
    %swap3A_870 = vector.shape_cast %add3A_864 : vector<16xi32> to vector<1x16xi32>
    tpu.vector_store %arg10[%swap3A_866, %swap3A_867], %swap3A_870 {strides = array<i32>} : memref<6x128xi32, #tpu.memory_space<vmem>>, vector<1x16xi32>,
    %get3A_871 = arith.constant 2 : i32
    %get3A_872 = arith.index_cast %get3A_871 : i32 to index
    %get3A_873 = arith.constant 112 : index
    %get3A_874 = tpu.vector_load %arg9[%get3A_872, %get3A_873] {strides = array<i32>} : memref<6x128xi32, #tpu.memory_space<vmem>>, vector<1x16xi32>,
    %get3A_875 = vector.shape_cast %get3A_874 : vector<1x16xi32> to vector<16xi32>
    %and3A_876 = arith.constant 258048 : i32
    %and3A_877 = vector.broadcast %and3A_876 : i32 to vector<16xi32>
    %and3A_878 = arith.andi %get3A_875, %and3A_877 : vector<16xi32>
    %and3A_879 = arith.constant 384 : i32
    %and3A_880 = vector.broadcast %and3A_879 : i32 to vector<16xi32>
    %and3A_881 = arith.andi %get3A_875, %and3A_880 : vector<16xi32>
    %shift_left3A_882 = arith.constant 3 : i32
    %shift_left3A_883 = vector.broadcast %shift_left3A_882 : i32 to vector<16xi32>
    %shift_left3A_884 = arith.shli %and3A_881, %shift_left3A_883 : vector<16xi32>
    %or3A_885 = arith.ori %and3A_878, %shift_left3A_884 : vector<16xi32>
    %and3A_886 = arith.constant 3584 : i32
    %and3A_887 = vector.broadcast %and3A_886 : i32 to vector<16xi32>
    %and3A_888 = arith.andi %get3A_875, %and3A_887 : vector<16xi32>
    %shift_right_arithmetic3A_889 = arith.constant 2 : i32
    %shift_right_arithmetic3A_890 = vector.broadcast %shift_right_arithmetic3A_889 : i32 to vector<16xi32>
    %shift_right_arithmetic3A_891 = arith.shrsi %and3A_888, %shift_right_arithmetic3A_890 : vector<16xi32>
    %or3A_892 = arith.ori %or3A_885, %shift_right_arithmetic3A_891 : vector<16xi32>
    %and3A_893 = arith.constant 127 : i32
    %and3A_894 = vector.broadcast %and3A_893 : i32 to vector<16xi32>
    %and3A_895 = arith.andi %get3A_875, %and3A_894 : vector<16xi32>
    %or3A_896 = arith.ori %or3A_892, %and3A_895 : vector<16xi32>
    %add3A_897 = vector.broadcast %mul3A_4 : i32 to vector<16xi32>
    %add3A_898 = arith.addi %or3A_896, %add3A_897 : vector<16xi32>
    %swap3A_899 = arith.constant 2 : i32
    %swap3A_900 = arith.index_cast %swap3A_899 : i32 to index
    %swap3A_901 = arith.constant 112 : index
    %swap3A_902 = tpu.vector_load %arg10[%swap3A_900, %swap3A_901] {strides = array<i32>} : memref<6x128xi32, #tpu.memory_space<vmem>>, vector<1x16xi32>,
    %swap3A_903 = vector.shape_cast %swap3A_902 : vector<1x16xi32> to vector<16xi32>
    %swap3A_904 = vector.shape_cast %add3A_898 : vector<16xi32> to vector<1x16xi32>
    tpu.vector_store %arg10[%swap3A_900, %swap3A_901], %swap3A_904 {strides = array<i32>} : memref<6x128xi32, #tpu.memory_space<vmem>>, vector<1x16xi32>,
    %get3A_905 = arith.constant 3 : i32
    %get3A_906 = arith.index_cast %get3A_905 : i32 to index
    %get3A_907 = arith.constant 0 : index
    %get3A_908 = tpu.vector_load %arg9[%get3A_906, %get3A_907] {strides = array<i32>} : memref<6x128xi32, #tpu.memory_space<vmem>>, vector<1x16xi32>,
    %get3A_909 = vector.shape_cast %get3A_908 : vector<1x16xi32> to vector<16xi32>
    %and3A_910 = arith.constant 258048 : i32
    %and3A_911 = vector.broadcast %and3A_910 : i32 to vector<16xi32>
    %and3A_912 = arith.andi %get3A_909, %and3A_911 : vector<16xi32>
    %and3A_913 = arith.constant 384 : i32
    %and3A_914 = vector.broadcast %and3A_913 : i32 to vector<16xi32>
    %and3A_915 = arith.andi %get3A_909, %and3A_914 : vector<16xi32>
    %shift_left3A_916 = arith.constant 3 : i32
    %shift_left3A_917 = vector.broadcast %shift_left3A_916 : i32 to vector<16xi32>
    %shift_left3A_918 = arith.shli %and3A_915, %shift_left3A_917 : vector<16xi32>
    %or3A_919 = arith.ori %and3A_912, %shift_left3A_918 : vector<16xi32>
    %and3A_920 = arith.constant 3584 : i32
    %and3A_921 = vector.broadcast %and3A_920 : i32 to vector<16xi32>
    %and3A_922 = arith.andi %get3A_909, %and3A_921 : vector<16xi32>
    %shift_right_arithmetic3A_923 = arith.constant 2 : i32
    %shift_right_arithmetic3A_924 = vector.broadcast %shift_right_arithmetic3A_923 : i32 to vector<16xi32>
    %shift_right_arithmetic3A_925 = arith.shrsi %and3A_922, %shift_right_arithmetic3A_924 : vector<16xi32>
    %or3A_926 = arith.ori %or3A_919, %shift_right_arithmetic3A_925 : vector<16xi32>
    %and3A_927 = arith.constant 127 : i32
    %and3A_928 = vector.broadcast %and3A_927 : i32 to vector<16xi32>
    %and3A_929 = arith.andi %get3A_909, %and3A_928 : vector<16xi32>
    %or3A_930 = arith.ori %or3A_926, %and3A_929 : vector<16xi32>
    %add3A_931 = vector.broadcast %mul3A_4 : i32 to vector<16xi32>
    %add3A_932 = arith.addi %or3A_930, %add3A_931 : vector<16xi32>
    %swap3A_933 = arith.constant 3 : i32
    %swap3A_934 = arith.index_cast %swap3A_933 : i32 to index
    %swap3A_935 = arith.constant 0 : index
    %swap3A_936 = tpu.vector_load %arg10[%swap3A_934, %swap3A_935] {strides = array<i32>} : memref<6x128xi32, #tpu.memory_space<vmem>>, vector<1x16xi32>,
    %swap3A_937 = vector.shape_cast %swap3A_936 : vector<1x16xi32> to vector<16xi32>
    %swap3A_938 = vector.shape_cast %add3A_932 : vector<16xi32> to vector<1x16xi32>
    tpu.vector_store %arg10[%swap3A_934, %swap3A_935], %swap3A_938 {strides = array<i32>} : memref<6x128xi32, #tpu.memory_space<vmem>>, vector<1x16xi32>,
    %get3A_939 = arith.constant 3 : i32
    %get3A_940 = arith.index_cast %get3A_939 : i32 to index
    %get3A_941 = arith.constant 16 : index
    %get3A_942 = tpu.vector_load %arg9[%get3A_940, %get3A_941] {strides = array<i32>} : memref<6x128xi32, #tpu.memory_space<vmem>>, vector<1x16xi32>,
    %get3A_943 = vector.shape_cast %get3A_942 : vector<1x16xi32> to vector<16xi32>
    %and3A_944 = arith.constant 258048 : i32
    %and3A_945 = vector.broadcast %and3A_944 : i32 to vector<16xi32>
    %and3A_946 = arith.andi %get3A_943, %and3A_945 : vector<16xi32>
    %and3A_947 = arith.constant 384 : i32
    %and3A_948 = vector.broadcast %and3A_947 : i32 to vector<16xi32>
    %and3A_949 = arith.andi %get3A_943, %and3A_948 : vector<16xi32>
    %shift_left3A_950 = arith.constant 3 : i32
    %shift_left3A_951 = vector.broadcast %shift_left3A_950 : i32 to vector<16xi32>
    %shift_left3A_952 = arith.shli %and3A_949, %shift_left3A_951 : vector<16xi32>
    %or3A_953 = arith.ori %and3A_946, %shift_left3A_952 : vector<16xi32>
    %and3A_954 = arith.constant 3584 : i32
    %and3A_955 = vector.broadcast %and3A_954 : i32 to vector<16xi32>
    %and3A_956 = arith.andi %get3A_943, %and3A_955 : vector<16xi32>
    %shift_right_arithmetic3A_957 = arith.constant 2 : i32
    %shift_right_arithmetic3A_958 = vector.broadcast %shift_right_arithmetic3A_957 : i32 to vector<16xi32>
    %shift_right_arithmetic3A_959 = arith.shrsi %and3A_956, %shift_right_arithmetic3A_958 : vector<16xi32>
    %or3A_960 = arith.ori %or3A_953, %shift_right_arithmetic3A_959 : vector<16xi32>
    %and3A_961 = arith.constant 127 : i32
    %and3A_962 = vector.broadcast %and3A_961 : i32 to vector<16xi32>
    %and3A_963 = arith.andi %get3A_943, %and3A_962 : vector<16xi32>
    %or3A_964 = arith.ori %or3A_960, %and3A_963 : vector<16xi32>
    %add3A_965 = vector.broadcast %mul3A_4 : i32 to vector<16xi32>
    %add3A_966 = arith.addi %or3A_964, %add3A_965 : vector<16xi32>
    %swap3A_967 = arith.constant 3 : i32
    %swap3A_968 = arith.index_cast %swap3A_967 : i32 to index
    %swap3A_969 = arith.constant 16 : index
    %swap3A_970 = tpu.vector_load %arg10[%swap3A_968, %swap3A_969] {strides = array<i32>} : memref<6x128xi32, #tpu.memory_space<vmem>>, vector<1x16xi32>,
    %swap3A_971 = vector.shape_cast %swap3A_970 : vector<1x16xi32> to vector<16xi32>
    %swap3A_972 = vector.shape_cast %add3A_966 : vector<16xi32> to vector<1x16xi32>
    tpu.vector_store %arg10[%swap3A_968, %swap3A_969], %swap3A_972 {strides = array<i32>} : memref<6x128xi32, #tpu.memory_space<vmem>>, vector<1x16xi32>,
    %get3A_973 = arith.constant 3 : i32
    %get3A_974 = arith.index_cast %get3A_973 : i32 to index
    %get3A_975 = arith.constant 32 : index
    %get3A_976 = tpu.vector_load %arg9[%get3A_974, %get3A_975] {strides = array<i32>} : memref<6x128xi32, #tpu.memory_space<vmem>>, vector<1x16xi32>,
    %get3A_977 = vector.shape_cast %get3A_976 : vector<1x16xi32> to vector<16xi32>
    %and3A_978 = arith.constant 258048 : i32
    %and3A_979 = vector.broadcast %and3A_978 : i32 to vector<16xi32>
    %and3A_980 = arith.andi %get3A_977, %and3A_979 : vector<16xi32>
    %and3A_981 = arith.constant 384 : i32
    %and3A_982 = vector.broadcast %and3A_981 : i32 to vector<16xi32>
    %and3A_983 = arith.andi %get3A_977, %and3A_982 : vector<16xi32>
    %shift_left3A_984 = arith.constant 3 : i32
    %shift_left3A_985 = vector.broadcast %shift_left3A_984 : i32 to vector<16xi32>
    %shift_left3A_986 = arith.shli %and3A_983, %shift_left3A_985 : vector<16xi32>
    %or3A_987 = arith.ori %and3A_980, %shift_left3A_986 : vector<16xi32>
    %and3A_988 = arith.constant 3584 : i32
    %and3A_989 = vector.broadcast %and3A_988 : i32 to vector<16xi32>
    %and3A_990 = arith.andi %get3A_977, %and3A_989 : vector<16xi32>
    %shift_right_arithmetic3A_991 = arith.constant 2 : i32
    %shift_right_arithmetic3A_992 = vector.broadcast %shift_right_arithmetic3A_991 : i32 to vector<16xi32>
    %shift_right_arithmetic3A_993 = arith.shrsi %and3A_990, %shift_right_arithmetic3A_992 : vector<16xi32>
    %or3A_994 = arith.ori %or3A_987, %shift_right_arithmetic3A_993 : vector<16xi32>
    %and3A_995 = arith.constant 127 : i32
    %and3A_996 = vector.broadcast %and3A_995 : i32 to vector<16xi32>
    %and3A_997 = arith.andi %get3A_977, %and3A_996 : vector<16xi32>
    %or3A_998 = arith.ori %or3A_994, %and3A_997 : vector<16xi32>
    %add3A_999 = vector.broadcast %mul3A_4 : i32 to vector<16xi32>
    %add3A_1000 = arith.addi %or3A_998, %add3A_999 : vector<16xi32>
    %swap3A_1001 = arith.constant 3 : i32
    %swap3A_1002 = arith.index_cast %swap3A_1001 : i32 to index
    %swap3A_1003 = arith.constant 32 : index
    %swap3A_1004 = tpu.vector_load %arg10[%swap3A_1002, %swap3A_1003] {strides = array<i32>} : memref<6x128xi32, #tpu.memory_space<vmem>>, vector<1x16xi32>,
    %swap3A_1005 = vector.shape_cast %swap3A_1004 : vector<1x16xi32> to vector<16xi32>
    %swap3A_1006 = vector.shape_cast %add3A_1000 : vector<16xi32> to vector<1x16xi32>
    tpu.vector_store %arg10[%swap3A_1002, %swap3A_1003], %swap3A_1006 {strides = array<i32>} : memref<6x128xi32, #tpu.memory_space<vmem>>, vector<1x16xi32>,
    %get3A_1007 = arith.constant 3 : i32
    %get3A_1008 = arith.index_cast %get3A_1007 : i32 to index
    %get3A_1009 = arith.constant 48 : index
    %get3A_1010 = tpu.vector_load %arg9[%get3A_1008, %get3A_1009] {strides = array<i32>} : memref<6x128xi32, #tpu.memory_space<vmem>>, vector<1x16xi32>,
    %get3A_1011 = vector.shape_cast %get3A_1010 : vector<1x16xi32> to vector<16xi32>
    %and3A_1012 = arith.constant 258048 : i32
    %and3A_1013 = vector.broadcast %and3A_1012 : i32 to vector<16xi32>
    %and3A_1014 = arith.andi %get3A_1011, %and3A_1013 : vector<16xi32>
    %and3A_1015 = arith.constant 384 : i32
    %and3A_1016 = vector.broadcast %and3A_1015 : i32 to vector<16xi32>
    %and3A_1017 = arith.andi %get3A_1011, %and3A_1016 : vector<16xi32>
    %shift_left3A_1018 = arith.constant 3 : i32
    %shift_left3A_1019 = vector.broadcast %shift_left3A_1018 : i32 to vector<16xi32>
    %shift_left3A_1020 = arith.shli %and3A_1017, %shift_left3A_1019 : vector<16xi32>
    %or3A_1021 = arith.ori %and3A_1014, %shift_left3A_1020 : vector<16xi32>
    %and3A_1022 = arith.constant 3584 : i32
    %and3A_1023 = vector.broadcast %and3A_1022 : i32 to vector<16xi32>
    %and3A_1024 = arith.andi %get3A_1011, %and3A_1023 : vector<16xi32>
    %shift_right_arithmetic3A_1025 = arith.constant 2 : i32
    %shift_right_arithmetic3A_1026 = vector.broadcast %shift_right_arithmetic3A_1025 : i32 to vector<16xi32>
    %shift_right_arithmetic3A_1027 = arith.shrsi %and3A_1024, %shift_right_arithmetic3A_1026 : vector<16xi32>
    %or3A_1028 = arith.ori %or3A_1021, %shift_right_arithmetic3A_1027 : vector<16xi32>
    %and3A_1029 = arith.constant 127 : i32
    %and3A_1030 = vector.broadcast %and3A_1029 : i32 to vector<16xi32>
    %and3A_1031 = arith.andi %get3A_1011, %and3A_1030 : vector<16xi32>
    %or3A_1032 = arith.ori %or3A_1028, %and3A_1031 : vector<16xi32>
    %add3A_1033 = vector.broadcast %mul3A_4 : i32 to vector<16xi32>
    %add3A_1034 = arith.addi %or3A_1032, %add3A_1033 : vector<16xi32>
    %swap3A_1035 = arith.constant 3 : i32
    %swap3A_1036 = arith.index_cast %swap3A_1035 : i32 to index
    %swap3A_1037 = arith.constant 48 : index
    %swap3A_1038 = tpu.vector_load %arg10[%swap3A_1036, %swap3A_1037] {strides = array<i32>} : memref<6x128xi32, #tpu.memory_space<vmem>>, vector<1x16xi32>,
    %swap3A_1039 = vector.shape_cast %swap3A_1038 : vector<1x16xi32> to vector<16xi32>
    %swap3A_1040 = vector.shape_cast %add3A_1034 : vector<16xi32> to vector<1x16xi32>
    tpu.vector_store %arg10[%swap3A_1036, %swap3A_1037], %swap3A_1040 {strides = array<i32>} : memref<6x128xi32, #tpu.memory_space<vmem>>, vector<1x16xi32>,
    %get3A_1041 = arith.constant 3 : i32
    %get3A_1042 = arith.index_cast %get3A_1041 : i32 to index
    %get3A_1043 = arith.constant 64 : index
    %get3A_1044 = tpu.vector_load %arg9[%get3A_1042, %get3A_1043] {strides = array<i32>} : memref<6x128xi32, #tpu.memory_space<vmem>>, vector<1x16xi32>,
    %get3A_1045 = vector.shape_cast %get3A_1044 : vector<1x16xi32> to vector<16xi32>
    %and3A_1046 = arith.constant 258048 : i32
    %and3A_1047 = vector.broadcast %and3A_1046 : i32 to vector<16xi32>
    %and3A_1048 = arith.andi %get3A_1045, %and3A_1047 : vector<16xi32>
    %and3A_1049 = arith.constant 384 : i32
    %and3A_1050 = vector.broadcast %and3A_1049 : i32 to vector<16xi32>
    %and3A_1051 = arith.andi %get3A_1045, %and3A_1050 : vector<16xi32>
    %shift_left3A_1052 = arith.constant 3 : i32
    %shift_left3A_1053 = vector.broadcast %shift_left3A_1052 : i32 to vector<16xi32>
    %shift_left3A_1054 = arith.shli %and3A_1051, %shift_left3A_1053 : vector<16xi32>
    %or3A_1055 = arith.ori %and3A_1048, %shift_left3A_1054 : vector<16xi32>
    %and3A_1056 = arith.constant 3584 : i32
    %and3A_1057 = vector.broadcast %and3A_1056 : i32 to vector<16xi32>
    %and3A_1058 = arith.andi %get3A_1045, %and3A_1057 : vector<16xi32>
    %shift_right_arithmetic3A_1059 = arith.constant 2 : i32
    %shift_right_arithmetic3A_1060 = vector.broadcast %shift_right_arithmetic3A_1059 : i32 to vector<16xi32>
    %shift_right_arithmetic3A_1061 = arith.shrsi %and3A_1058, %shift_right_arithmetic3A_1060 : vector<16xi32>
    %or3A_1062 = arith.ori %or3A_1055, %shift_right_arithmetic3A_1061 : vector<16xi32>
    %and3A_1063 = arith.constant 127 : i32
    %and3A_1064 = vector.broadcast %and3A_1063 : i32 to vector<16xi32>
    %and3A_1065 = arith.andi %get3A_1045, %and3A_1064 : vector<16xi32>
    %or3A_1066 = arith.ori %or3A_1062, %and3A_1065 : vector<16xi32>
    %add3A_1067 = vector.broadcast %mul3A_4 : i32 to vector<16xi32>
    %add3A_1068 = arith.addi %or3A_1066, %add3A_1067 : vector<16xi32>
    %swap3A_1069 = arith.constant 3 : i32
    %swap3A_1070 = arith.index_cast %swap3A_1069 : i32 to index
    %swap3A_1071 = arith.constant 64 : index
    %swap3A_1072 = tpu.vector_load %arg10[%swap3A_1070, %swap3A_1071] {strides = array<i32>} : memref<6x128xi32, #tpu.memory_space<vmem>>, vector<1x16xi32>,
    %swap3A_1073 = vector.shape_cast %swap3A_1072 : vector<1x16xi32> to vector<16xi32>
    %swap3A_1074 = vector.shape_cast %add3A_1068 : vector<16xi32> to vector<1x16xi32>
    tpu.vector_store %arg10[%swap3A_1070, %swap3A_1071], %swap3A_1074 {strides = array<i32>} : memref<6x128xi32, #tpu.memory_space<vmem>>, vector<1x16xi32>,
    %get3A_1075 = arith.constant 3 : i32
    %get3A_1076 = arith.index_cast %get3A_1075 : i32 to index
    %get3A_1077 = arith.constant 80 : index
    %get3A_1078 = tpu.vector_load %arg9[%get3A_1076, %get3A_1077] {strides = array<i32>} : memref<6x128xi32, #tpu.memory_space<vmem>>, vector<1x16xi32>,
    %get3A_1079 = vector.shape_cast %get3A_1078 : vector<1x16xi32> to vector<16xi32>
    %and3A_1080 = arith.constant 258048 : i32
    %and3A_1081 = vector.broadcast %and3A_1080 : i32 to vector<16xi32>
    %and3A_1082 = arith.andi %get3A_1079, %and3A_1081 : vector<16xi32>
    %and3A_1083 = arith.constant 384 : i32
    %and3A_1084 = vector.broadcast %and3A_1083 : i32 to vector<16xi32>
    %and3A_1085 = arith.andi %get3A_1079, %and3A_1084 : vector<16xi32>
    %shift_left3A_1086 = arith.constant 3 : i32
    %shift_left3A_1087 = vector.broadcast %shift_left3A_1086 : i32 to vector<16xi32>
    %shift_left3A_1088 = arith.shli %and3A_1085, %shift_left3A_1087 : vector<16xi32>
    %or3A_1089 = arith.ori %and3A_1082, %shift_left3A_1088 : vector<16xi32>
    %and3A_1090 = arith.constant 3584 : i32
    %and3A_1091 = vector.broadcast %and3A_1090 : i32 to vector<16xi32>
    %and3A_1092 = arith.andi %get3A_1079, %and3A_1091 : vector<16xi32>
    %shift_right_arithmetic3A_1093 = arith.constant 2 : i32
    %shift_right_arithmetic3A_1094 = vector.broadcast %shift_right_arithmetic3A_1093 : i32 to vector<16xi32>
    %shift_right_arithmetic3A_1095 = arith.shrsi %and3A_1092, %shift_right_arithmetic3A_1094 : vector<16xi32>
    %or3A_1096 = arith.ori %or3A_1089, %shift_right_arithmetic3A_1095 : vector<16xi32>
    %and3A_1097 = arith.constant 127 : i32
    %and3A_1098 = vector.broadcast %and3A_1097 : i32 to vector<16xi32>
    %and3A_1099 = arith.andi %get3A_1079, %and3A_1098 : vector<16xi32>
    %or3A_1100 = arith.ori %or3A_1096, %and3A_1099 : vector<16xi32>
    %add3A_1101 = vector.broadcast %mul3A_4 : i32 to vector<16xi32>
    %add3A_1102 = arith.addi %or3A_1100, %add3A_1101 : vector<16xi32>
    %swap3A_1103 = arith.constant 3 : i32
    %swap3A_1104 = arith.index_cast %swap3A_1103 : i32 to index
    %swap3A_1105 = arith.constant 80 : index
    %swap3A_1106 = tpu.vector_load %arg10[%swap3A_1104, %swap3A_1105] {strides = array<i32>} : memref<6x128xi32, #tpu.memory_space<vmem>>, vector<1x16xi32>,
    %swap3A_1107 = vector.shape_cast %swap3A_1106 : vector<1x16xi32> to vector<16xi32>
    %swap3A_1108 = vector.shape_cast %add3A_1102 : vector<16xi32> to vector<1x16xi32>
    tpu.vector_store %arg10[%swap3A_1104, %swap3A_1105], %swap3A_1108 {strides = array<i32>} : memref<6x128xi32, #tpu.memory_space<vmem>>, vector<1x16xi32>,
    %get3A_1109 = arith.constant 3 : i32
    %get3A_1110 = arith.index_cast %get3A_1109 : i32 to index
    %get3A_1111 = arith.constant 96 : index
    %get3A_1112 = tpu.vector_load %arg9[%get3A_1110, %get3A_1111] {strides = array<i32>} : memref<6x128xi32, #tpu.memory_space<vmem>>, vector<1x16xi32>,
    %get3A_1113 = vector.shape_cast %get3A_1112 : vector<1x16xi32> to vector<16xi32>
    %and3A_1114 = arith.constant 258048 : i32
    %and3A_1115 = vector.broadcast %and3A_1114 : i32 to vector<16xi32>
    %and3A_1116 = arith.andi %get3A_1113, %and3A_1115 : vector<16xi32>
    %and3A_1117 = arith.constant 384 : i32
    %and3A_1118 = vector.broadcast %and3A_1117 : i32 to vector<16xi32>
    %and3A_1119 = arith.andi %get3A_1113, %and3A_1118 : vector<16xi32>
    %shift_left3A_1120 = arith.constant 3 : i32
    %shift_left3A_1121 = vector.broadcast %shift_left3A_1120 : i32 to vector<16xi32>
    %shift_left3A_1122 = arith.shli %and3A_1119, %shift_left3A_1121 : vector<16xi32>
    %or3A_1123 = arith.ori %and3A_1116, %shift_left3A_1122 : vector<16xi32>
    %and3A_1124 = arith.constant 3584 : i32
    %and3A_1125 = vector.broadcast %and3A_1124 : i32 to vector<16xi32>
    %and3A_1126 = arith.andi %get3A_1113, %and3A_1125 : vector<16xi32>
    %shift_right_arithmetic3A_1127 = arith.constant 2 : i32
    %shift_right_arithmetic3A_1128 = vector.broadcast %shift_right_arithmetic3A_1127 : i32 to vector<16xi32>
    %shift_right_arithmetic3A_1129 = arith.shrsi %and3A_1126, %shift_right_arithmetic3A_1128 : vector<16xi32>
    %or3A_1130 = arith.ori %or3A_1123, %shift_right_arithmetic3A_1129 : vector<16xi32>
    %and3A_1131 = arith.constant 127 : i32
    %and3A_1132 = vector.broadcast %and3A_1131 : i32 to vector<16xi32>
    %and3A_1133 = arith.andi %get3A_1113, %and3A_1132 : vector<16xi32>
    %or3A_1134 = arith.ori %or3A_1130, %and3A_1133 : vector<16xi32>
    %add3A_1135 = vector.broadcast %mul3A_4 : i32 to vector<16xi32>
    %add3A_1136 = arith.addi %or3A_1134, %add3A_1135 : vector<16xi32>
    %swap3A_1137 = arith.constant 3 : i32
    %swap3A_1138 = arith.index_cast %swap3A_1137 : i32 to index
    %swap3A_1139 = arith.constant 96 : index
    %swap3A_1140 = tpu.vector_load %arg10[%swap3A_1138, %swap3A_1139] {strides = array<i32>} : memref<6x128xi32, #tpu.memory_space<vmem>>, vector<1x16xi32>,
    %swap3A_1141 = vector.shape_cast %swap3A_1140 : vector<1x16xi32> to vector<16xi32>
    %swap3A_1142 = vector.shape_cast %add3A_1136 : vector<16xi32> to vector<1x16xi32>
    tpu.vector_store %arg10[%swap3A_1138, %swap3A_1139], %swap3A_1142 {strides = array<i32>} : memref<6x128xi32, #tpu.memory_space<vmem>>, vector<1x16xi32>,
    %get3A_1143 = arith.constant 3 : i32
    %get3A_1144 = arith.index_cast %get3A_1143 : i32 to index
    %get3A_1145 = arith.constant 112 : index
    %get3A_1146 = tpu.vector_load %arg9[%get3A_1144, %get3A_1145] {strides = array<i32>} : memref<6x128xi32, #tpu.memory_space<vmem>>, vector<1x16xi32>,
    %get3A_1147 = vector.shape_cast %get3A_1146 : vector<1x16xi32> to vector<16xi32>
    %and3A_1148 = arith.constant 258048 : i32
    %and3A_1149 = vector.broadcast %and3A_1148 : i32 to vector<16xi32>
    %and3A_1150 = arith.andi %get3A_1147, %and3A_1149 : vector<16xi32>
    %and3A_1151 = arith.constant 384 : i32
    %and3A_1152 = vector.broadcast %and3A_1151 : i32 to vector<16xi32>
    %and3A_1153 = arith.andi %get3A_1147, %and3A_1152 : vector<16xi32>
    %shift_left3A_1154 = arith.constant 3 : i32
    %shift_left3A_1155 = vector.broadcast %shift_left3A_1154 : i32 to vector<16xi32>
    %shift_left3A_1156 = arith.shli %and3A_1153, %shift_left3A_1155 : vector<16xi32>
    %or3A_1157 = arith.ori %and3A_1150, %shift_left3A_1156 : vector<16xi32>
    %and3A_1158 = arith.constant 3584 : i32
    %and3A_1159 = vector.broadcast %and3A_1158 : i32 to vector<16xi32>
    %and3A_1160 = arith.andi %get3A_1147, %and3A_1159 : vector<16xi32>
    %shift_right_arithmetic3A_1161 = arith.constant 2 : i32
    %shift_right_arithmetic3A_1162 = vector.broadcast %shift_right_arithmetic3A_1161 : i32 to vector<16xi32>
    %shift_right_arithmetic3A_1163 = arith.shrsi %and3A_1160, %shift_right_arithmetic3A_1162 : vector<16xi32>
    %or3A_1164 = arith.ori %or3A_1157, %shift_right_arithmetic3A_1163 : vector<16xi32>
    %and3A_1165 = arith.constant 127 : i32
    %and3A_1166 = vector.broadcast %and3A_1165 : i32 to vector<16xi32>
    %and3A_1167 = arith.andi %get3A_1147, %and3A_1166 : vector<16xi32>
    %or3A_1168 = arith.ori %or3A_1164, %and3A_1167 : vector<16xi32>
    %add3A_1169 = vector.broadcast %mul3A_4 : i32 to vector<16xi32>
    %add3A_1170 = arith.addi %or3A_1168, %add3A_1169 : vector<16xi32>
    %swap3A_1171 = arith.constant 3 : i32
    %swap3A_1172 = arith.index_cast %swap3A_1171 : i32 to index
    %swap3A_1173 = arith.constant 112 : index
    %swap3A_1174 = tpu.vector_load %arg10[%swap3A_1172, %swap3A_1173] {strides = array<i32>} : memref<6x128xi32, #tpu.memory_space<vmem>>, vector<1x16xi32>,
    %swap3A_1175 = vector.shape_cast %swap3A_1174 : vector<1x16xi32> to vector<16xi32>
    %swap3A_1176 = vector.shape_cast %add3A_1170 : vector<16xi32> to vector<1x16xi32>
    tpu.vector_store %arg10[%swap3A_1172, %swap3A_1173], %swap3A_1176 {strides = array<i32>} : memref<6x128xi32, #tpu.memory_space<vmem>>, vector<1x16xi32>,
    %dma_start3A_1177 = arith.constant 2 : i32
    %dma_start3A_1178 = arith.constant 2 : i32
    %dma_start3A_1179 = arith.constant 0 : i32
    %dma_start3A_1180 = tpu.memref_slice %arg11[%dma_start3A_1178, %dma_start3A_1179] : memref<6x128xf32, #tpu.memory_space<vmem>> -> memref<1x128xf32, #tpu.memory_space<vmem>>
    %dma_start3A_1181 = tpu.memref_squeeze %dma_start3A_1180 : memref<1x128xf32, #tpu.memory_space<vmem>> -> memref<128xf32, #tpu.memory_space<vmem>>
    %dma_start3A_1182 = arith.constant 0 : i32
    %dma_start3A_1183 = tpu.memref_slice %arg10[%dma_start3A_1177, %dma_start3A_1182] : memref<6x128xi32, #tpu.memory_space<vmem>> -> memref<1x128xi32, #tpu.memory_space<vmem>>
    %dma_start3A_1184 = tpu.memref_squeeze %dma_start3A_1183 : memref<1x128xi32, #tpu.memory_space<vmem>> -> memref<128xi32, #tpu.memory_space<vmem>>
    %dma_start3A_1185 = arith.constant 0 : i32
    %dma_start3A_1186 = tpu.memref_slice %arg3[%dma_start3A_1185] : memref<8388608xf32, #tpu.memory_space<hbm>> -> memref<8388608xf32, #tpu.memory_space<hbm>>
    tpu.enqueue_indirect_dma source(%dma_start3A_1186 : memref<8388608xf32, #tpu.memory_space<hbm>>) target(%dma_start3A_1181 : memref<128xf32, #tpu.memory_space<vmem>>) offsets(%dma_start3A_1184 : memref<128xi32, #tpu.memory_space<vmem>>) semaphore(%arg16 : memref<!tpu.dma_semaphore, #tpu.memory_space<semaphore_mem>>)
    %dma_start3A_1187 = arith.constant 3 : i32
    %dma_start3A_1188 = arith.constant 3 : i32
    %dma_start3A_1189 = arith.constant 0 : i32
    %dma_start3A_1190 = tpu.memref_slice %arg11[%dma_start3A_1188, %dma_start3A_1189] : memref<6x128xf32, #tpu.memory_space<vmem>> -> memref<1x128xf32, #tpu.memory_space<vmem>>
    %dma_start3A_1191 = tpu.memref_squeeze %dma_start3A_1190 : memref<1x128xf32, #tpu.memory_space<vmem>> -> memref<128xf32, #tpu.memory_space<vmem>>
    %dma_start3A_1192 = arith.constant 0 : i32
    %dma_start3A_1193 = tpu.memref_slice %arg10[%dma_start3A_1187, %dma_start3A_1192] : memref<6x128xi32, #tpu.memory_space<vmem>> -> memref<1x128xi32, #tpu.memory_space<vmem>>
    %dma_start3A_1194 = tpu.memref_squeeze %dma_start3A_1193 : memref<1x128xi32, #tpu.memory_space<vmem>> -> memref<128xi32, #tpu.memory_space<vmem>>
    %dma_start3A_1195 = arith.constant 0 : i32
    %dma_start3A_1196 = tpu.memref_slice %arg3[%dma_start3A_1195] : memref<8388608xf32, #tpu.memory_space<hbm>> -> memref<8388608xf32, #tpu.memory_space<hbm>>
    tpu.enqueue_indirect_dma source(%dma_start3A_1196 : memref<8388608xf32, #tpu.memory_space<hbm>>) target(%dma_start3A_1191 : memref<128xf32, #tpu.memory_space<vmem>>) offsets(%dma_start3A_1194 : memref<128xi32, #tpu.memory_space<vmem>>) semaphore(%arg16 : memref<!tpu.dma_semaphore, #tpu.memory_space<semaphore_mem>>)
    %dma_wait3A_1197 = arith.constant 4 : i32
    %dma_wait3A_1198 = arith.constant 0 : i32
    %dma_wait3A_1199 = tpu.memref_slice %arg9[%dma_wait3A_1197, %dma_wait3A_1198] : memref<6x128xi32, #tpu.memory_space<vmem>> -> memref<2x128xi32, #tpu.memory_space<vmem>>
    %dma_wait3A_1200 = arith.constant 0 : i32
    %dma_wait3A_1201 = arith.constant 0 : i32
    %dma_wait3A_1202 = tpu.memref_slice %arg7[%shift_right_arithmetic3A_1, %dma_wait3A_1200, %and3A_2, %dma_wait3A_1201] : memref<4x2x8x128xi32, #tpu.memory_space<hbm>> -> memref<1x2x1x128xi32, #tpu.memory_space<hbm>>
    %dma_wait3A_1203 = tpu.memref_squeeze %dma_wait3A_1202 : memref<1x2x1x128xi32, #tpu.memory_space<hbm>> -> memref<2x128xi32, #tpu.memory_space<hbm>>
    %dma_wait3A_1204 = arith.constant 4 : i32
    %dma_wait3A_1205 = arith.constant 0 : i32
    %dma_wait3A_1206 = tpu.memref_slice %arg9[%dma_wait3A_1204, %dma_wait3A_1205] : memref<6x128xi32, #tpu.memory_space<vmem>> -> memref<2x128xi32, #tpu.memory_space<vmem>>
    %dma_wait3A_1207 = arith.constant 0 : i32
    %dma_wait3A_1208 = arith.constant 0 : i32
    %dma_wait3A_1209 = tpu.memref_slice %arg7[%shift_right_arithmetic3A_1, %dma_wait3A_1207, %and3A_2, %dma_wait3A_1208] : memref<4x2x8x128xi32, #tpu.memory_space<hbm>> -> memref<1x2x1x128xi32, #tpu.memory_space<hbm>>
    %dma_wait3A_1210 = tpu.memref_squeeze %dma_wait3A_1209 : memref<1x2x1x128xi32, #tpu.memory_space<hbm>> -> memref<2x128xi32, #tpu.memory_space<hbm>>
    tpu.wait_dma2 semaphore(%arg14 : memref<!tpu.dma_semaphore, #tpu.memory_space<semaphore_mem>>) src(%dma_wait3A_1210 : memref<2x128xi32, #tpu.memory_space<hbm>>) dst(%dma_wait3A_1206 : memref<2x128xi32, #tpu.memory_space<vmem>>)
    %get3A_1211 = arith.constant 4 : i32
    %get3A_1212 = arith.index_cast %get3A_1211 : i32 to index
    %get3A_1213 = arith.constant 0 : index
    %get3A_1214 = tpu.vector_load %arg9[%get3A_1212, %get3A_1213] {strides = array<i32>} : memref<6x128xi32, #tpu.memory_space<vmem>>, vector<1x16xi32>,
    %get3A_1215 = vector.shape_cast %get3A_1214 : vector<1x16xi32> to vector<16xi32>
    %and3A_1216 = arith.constant 258048 : i32
    %and3A_1217 = vector.broadcast %and3A_1216 : i32 to vector<16xi32>
    %and3A_1218 = arith.andi %get3A_1215, %and3A_1217 : vector<16xi32>
    %and3A_1219 = arith.constant 384 : i32
    %and3A_1220 = vector.broadcast %and3A_1219 : i32 to vector<16xi32>
    %and3A_1221 = arith.andi %get3A_1215, %and3A_1220 : vector<16xi32>
    %shift_left3A_1222 = arith.constant 3 : i32
    %shift_left3A_1223 = vector.broadcast %shift_left3A_1222 : i32 to vector<16xi32>
    %shift_left3A_1224 = arith.shli %and3A_1221, %shift_left3A_1223 : vector<16xi32>
    %or3A_1225 = arith.ori %and3A_1218, %shift_left3A_1224 : vector<16xi32>
    %and3A_1226 = arith.constant 3584 : i32
    %and3A_1227 = vector.broadcast %and3A_1226 : i32 to vector<16xi32>
    %and3A_1228 = arith.andi %get3A_1215, %and3A_1227 : vector<16xi32>
    %shift_right_arithmetic3A_1229 = arith.constant 2 : i32
    %shift_right_arithmetic3A_1230 = vector.broadcast %shift_right_arithmetic3A_1229 : i32 to vector<16xi32>
    %shift_right_arithmetic3A_1231 = arith.shrsi %and3A_1228, %shift_right_arithmetic3A_1230 : vector<16xi32>
    %or3A_1232 = arith.ori %or3A_1225, %shift_right_arithmetic3A_1231 : vector<16xi32>
    %and3A_1233 = arith.constant 127 : i32
    %and3A_1234 = vector.broadcast %and3A_1233 : i32 to vector<16xi32>
    %and3A_1235 = arith.andi %get3A_1215, %and3A_1234 : vector<16xi32>
    %or3A_1236 = arith.ori %or3A_1232, %and3A_1235 : vector<16xi32>
    %add3A_1237 = vector.broadcast %mul3A_4 : i32 to vector<16xi32>
    %add3A_1238 = arith.addi %or3A_1236, %add3A_1237 : vector<16xi32>
    %swap3A_1239 = arith.constant 4 : i32
    %swap3A_1240 = arith.index_cast %swap3A_1239 : i32 to index
    %swap3A_1241 = arith.constant 0 : index
    %swap3A_1242 = tpu.vector_load %arg10[%swap3A_1240, %swap3A_1241] {strides = array<i32>} : memref<6x128xi32, #tpu.memory_space<vmem>>, vector<1x16xi32>,
    %swap3A_1243 = vector.shape_cast %swap3A_1242 : vector<1x16xi32> to vector<16xi32>
    %swap3A_1244 = vector.shape_cast %add3A_1238 : vector<16xi32> to vector<1x16xi32>
    tpu.vector_store %arg10[%swap3A_1240, %swap3A_1241], %swap3A_1244 {strides = array<i32>} : memref<6x128xi32, #tpu.memory_space<vmem>>, vector<1x16xi32>,
    %get3A_1245 = arith.constant 4 : i32
    %get3A_1246 = arith.index_cast %get3A_1245 : i32 to index
    %get3A_1247 = arith.constant 16 : index
    %get3A_1248 = tpu.vector_load %arg9[%get3A_1246, %get3A_1247] {strides = array<i32>} : memref<6x128xi32, #tpu.memory_space<vmem>>, vector<1x16xi32>,
    %get3A_1249 = vector.shape_cast %get3A_1248 : vector<1x16xi32> to vector<16xi32>
    %and3A_1250 = arith.constant 258048 : i32
    %and3A_1251 = vector.broadcast %and3A_1250 : i32 to vector<16xi32>
    %and3A_1252 = arith.andi %get3A_1249, %and3A_1251 : vector<16xi32>
    %and3A_1253 = arith.constant 384 : i32
    %and3A_1254 = vector.broadcast %and3A_1253 : i32 to vector<16xi32>
    %and3A_1255 = arith.andi %get3A_1249, %and3A_1254 : vector<16xi32>
    %shift_left3A_1256 = arith.constant 3 : i32
    %shift_left3A_1257 = vector.broadcast %shift_left3A_1256 : i32 to vector<16xi32>
    %shift_left3A_1258 = arith.shli %and3A_1255, %shift_left3A_1257 : vector<16xi32>
    %or3A_1259 = arith.ori %and3A_1252, %shift_left3A_1258 : vector<16xi32>
    %and3A_1260 = arith.constant 3584 : i32
    %and3A_1261 = vector.broadcast %and3A_1260 : i32 to vector<16xi32>
    %and3A_1262 = arith.andi %get3A_1249, %and3A_1261 : vector<16xi32>
    %shift_right_arithmetic3A_1263 = arith.constant 2 : i32
    %shift_right_arithmetic3A_1264 = vector.broadcast %shift_right_arithmetic3A_1263 : i32 to vector<16xi32>
    %shift_right_arithmetic3A_1265 = arith.shrsi %and3A_1262, %shift_right_arithmetic3A_1264 : vector<16xi32>
    %or3A_1266 = arith.ori %or3A_1259, %shift_right_arithmetic3A_1265 : vector<16xi32>
    %and3A_1267 = arith.constant 127 : i32
    %and3A_1268 = vector.broadcast %and3A_1267 : i32 to vector<16xi32>
    %and3A_1269 = arith.andi %get3A_1249, %and3A_1268 : vector<16xi32>
    %or3A_1270 = arith.ori %or3A_1266, %and3A_1269 : vector<16xi32>
    %add3A_1271 = vector.broadcast %mul3A_4 : i32 to vector<16xi32>
    %add3A_1272 = arith.addi %or3A_1270, %add3A_1271 : vector<16xi32>
    %swap3A_1273 = arith.constant 4 : i32
    %swap3A_1274 = arith.index_cast %swap3A_1273 : i32 to index
    %swap3A_1275 = arith.constant 16 : index
    %swap3A_1276 = tpu.vector_load %arg10[%swap3A_1274, %swap3A_1275] {strides = array<i32>} : memref<6x128xi32, #tpu.memory_space<vmem>>, vector<1x16xi32>,
    %swap3A_1277 = vector.shape_cast %swap3A_1276 : vector<1x16xi32> to vector<16xi32>
    %swap3A_1278 = vector.shape_cast %add3A_1272 : vector<16xi32> to vector<1x16xi32>
    tpu.vector_store %arg10[%swap3A_1274, %swap3A_1275], %swap3A_1278 {strides = array<i32>} : memref<6x128xi32, #tpu.memory_space<vmem>>, vector<1x16xi32>,
    %get3A_1279 = arith.constant 4 : i32
    %get3A_1280 = arith.index_cast %get3A_1279 : i32 to index
    %get3A_1281 = arith.constant 32 : index
    %get3A_1282 = tpu.vector_load %arg9[%get3A_1280, %get3A_1281] {strides = array<i32>} : memref<6x128xi32, #tpu.memory_space<vmem>>, vector<1x16xi32>,
    %get3A_1283 = vector.shape_cast %get3A_1282 : vector<1x16xi32> to vector<16xi32>
    %and3A_1284 = arith.constant 258048 : i32
    %and3A_1285 = vector.broadcast %and3A_1284 : i32 to vector<16xi32>
    %and3A_1286 = arith.andi %get3A_1283, %and3A_1285 : vector<16xi32>
    %and3A_1287 = arith.constant 384 : i32
    %and3A_1288 = vector.broadcast %and3A_1287 : i32 to vector<16xi32>
    %and3A_1289 = arith.andi %get3A_1283, %and3A_1288 : vector<16xi32>
    %shift_left3A_1290 = arith.constant 3 : i32
    %shift_left3A_1291 = vector.broadcast %shift_left3A_1290 : i32 to vector<16xi32>
    %shift_left3A_1292 = arith.shli %and3A_1289, %shift_left3A_1291 : vector<16xi32>
    %or3A_1293 = arith.ori %and3A_1286, %shift_left3A_1292 : vector<16xi32>
    %and3A_1294 = arith.constant 3584 : i32
    %and3A_1295 = vector.broadcast %and3A_1294 : i32 to vector<16xi32>
    %and3A_1296 = arith.andi %get3A_1283, %and3A_1295 : vector<16xi32>
    %shift_right_arithmetic3A_1297 = arith.constant 2 : i32
    %shift_right_arithmetic3A_1298 = vector.broadcast %shift_right_arithmetic3A_1297 : i32 to vector<16xi32>
    %shift_right_arithmetic3A_1299 = arith.shrsi %and3A_1296, %shift_right_arithmetic3A_1298 : vector<16xi32>
    %or3A_1300 = arith.ori %or3A_1293, %shift_right_arithmetic3A_1299 : vector<16xi32>
    %and3A_1301 = arith.constant 127 : i32
    %and3A_1302 = vector.broadcast %and3A_1301 : i32 to vector<16xi32>
    %and3A_1303 = arith.andi %get3A_1283, %and3A_1302 : vector<16xi32>
    %or3A_1304 = arith.ori %or3A_1300, %and3A_1303 : vector<16xi32>
    %add3A_1305 = vector.broadcast %mul3A_4 : i32 to vector<16xi32>
    %add3A_1306 = arith.addi %or3A_1304, %add3A_1305 : vector<16xi32>
    %swap3A_1307 = arith.constant 4 : i32
    %swap3A_1308 = arith.index_cast %swap3A_1307 : i32 to index
    %swap3A_1309 = arith.constant 32 : index
    %swap3A_1310 = tpu.vector_load %arg10[%swap3A_1308, %swap3A_1309] {strides = array<i32>} : memref<6x128xi32, #tpu.memory_space<vmem>>, vector<1x16xi32>,
    %swap3A_1311 = vector.shape_cast %swap3A_1310 : vector<1x16xi32> to vector<16xi32>
    %swap3A_1312 = vector.shape_cast %add3A_1306 : vector<16xi32> to vector<1x16xi32>
    tpu.vector_store %arg10[%swap3A_1308, %swap3A_1309], %swap3A_1312 {strides = array<i32>} : memref<6x128xi32, #tpu.memory_space<vmem>>, vector<1x16xi32>,
    %get3A_1313 = arith.constant 4 : i32
    %get3A_1314 = arith.index_cast %get3A_1313 : i32 to index
    %get3A_1315 = arith.constant 48 : index
    %get3A_1316 = tpu.vector_load %arg9[%get3A_1314, %get3A_1315] {strides = array<i32>} : memref<6x128xi32, #tpu.memory_space<vmem>>, vector<1x16xi32>,
    %get3A_1317 = vector.shape_cast %get3A_1316 : vector<1x16xi32> to vector<16xi32>
    %and3A_1318 = arith.constant 258048 : i32
    %and3A_1319 = vector.broadcast %and3A_1318 : i32 to vector<16xi32>
    %and3A_1320 = arith.andi %get3A_1317, %and3A_1319 : vector<16xi32>
    %and3A_1321 = arith.constant 384 : i32
    %and3A_1322 = vector.broadcast %and3A_1321 : i32 to vector<16xi32>
    %and3A_1323 = arith.andi %get3A_1317, %and3A_1322 : vector<16xi32>
    %shift_left3A_1324 = arith.constant 3 : i32
    %shift_left3A_1325 = vector.broadcast %shift_left3A_1324 : i32 to vector<16xi32>
    %shift_left3A_1326 = arith.shli %and3A_1323, %shift_left3A_1325 : vector<16xi32>
    %or3A_1327 = arith.ori %and3A_1320, %shift_left3A_1326 : vector<16xi32>
    %and3A_1328 = arith.constant 3584 : i32
    %and3A_1329 = vector.broadcast %and3A_1328 : i32 to vector<16xi32>
    %and3A_1330 = arith.andi %get3A_1317, %and3A_1329 : vector<16xi32>
    %shift_right_arithmetic3A_1331 = arith.constant 2 : i32
    %shift_right_arithmetic3A_1332 = vector.broadcast %shift_right_arithmetic3A_1331 : i32 to vector<16xi32>
    %shift_right_arithmetic3A_1333 = arith.shrsi %and3A_1330, %shift_right_arithmetic3A_1332 : vector<16xi32>
    %or3A_1334 = arith.ori %or3A_1327, %shift_right_arithmetic3A_1333 : vector<16xi32>
    %and3A_1335 = arith.constant 127 : i32
    %and3A_1336 = vector.broadcast %and3A_1335 : i32 to vector<16xi32>
    %and3A_1337 = arith.andi %get3A_1317, %and3A_1336 : vector<16xi32>
    %or3A_1338 = arith.ori %or3A_1334, %and3A_1337 : vector<16xi32>
    %add3A_1339 = vector.broadcast %mul3A_4 : i32 to vector<16xi32>
    %add3A_1340 = arith.addi %or3A_1338, %add3A_1339 : vector<16xi32>
    %swap3A_1341 = arith.constant 4 : i32
    %swap3A_1342 = arith.index_cast %swap3A_1341 : i32 to index
    %swap3A_1343 = arith.constant 48 : index
    %swap3A_1344 = tpu.vector_load %arg10[%swap3A_1342, %swap3A_1343] {strides = array<i32>} : memref<6x128xi32, #tpu.memory_space<vmem>>, vector<1x16xi32>,
    %swap3A_1345 = vector.shape_cast %swap3A_1344 : vector<1x16xi32> to vector<16xi32>
    %swap3A_1346 = vector.shape_cast %add3A_1340 : vector<16xi32> to vector<1x16xi32>
    tpu.vector_store %arg10[%swap3A_1342, %swap3A_1343], %swap3A_1346 {strides = array<i32>} : memref<6x128xi32, #tpu.memory_space<vmem>>, vector<1x16xi32>,
    %get3A_1347 = arith.constant 4 : i32
    %get3A_1348 = arith.index_cast %get3A_1347 : i32 to index
    %get3A_1349 = arith.constant 64 : index
    %get3A_1350 = tpu.vector_load %arg9[%get3A_1348, %get3A_1349] {strides = array<i32>} : memref<6x128xi32, #tpu.memory_space<vmem>>, vector<1x16xi32>,
    %get3A_1351 = vector.shape_cast %get3A_1350 : vector<1x16xi32> to vector<16xi32>
    %and3A_1352 = arith.constant 258048 : i32
    %and3A_1353 = vector.broadcast %and3A_1352 : i32 to vector<16xi32>
    %and3A_1354 = arith.andi %get3A_1351, %and3A_1353 : vector<16xi32>
    %and3A_1355 = arith.constant 384 : i32
    %and3A_1356 = vector.broadcast %and3A_1355 : i32 to vector<16xi32>
    %and3A_1357 = arith.andi %get3A_1351, %and3A_1356 : vector<16xi32>
    %shift_left3A_1358 = arith.constant 3 : i32
    %shift_left3A_1359 = vector.broadcast %shift_left3A_1358 : i32 to vector<16xi32>
    %shift_left3A_1360 = arith.shli %and3A_1357, %shift_left3A_1359 : vector<16xi32>
    %or3A_1361 = arith.ori %and3A_1354, %shift_left3A_1360 : vector<16xi32>
    %and3A_1362 = arith.constant 3584 : i32
    %and3A_1363 = vector.broadcast %and3A_1362 : i32 to vector<16xi32>
    %and3A_1364 = arith.andi %get3A_1351, %and3A_1363 : vector<16xi32>
    %shift_right_arithmetic3A_1365 = arith.constant 2 : i32
    %shift_right_arithmetic3A_1366 = vector.broadcast %shift_right_arithmetic3A_1365 : i32 to vector<16xi32>
    %shift_right_arithmetic3A_1367 = arith.shrsi %and3A_1364, %shift_right_arithmetic3A_1366 : vector<16xi32>
    %or3A_1368 = arith.ori %or3A_1361, %shift_right_arithmetic3A_1367 : vector<16xi32>
    %and3A_1369 = arith.constant 127 : i32
    %and3A_1370 = vector.broadcast %and3A_1369 : i32 to vector<16xi32>
    %and3A_1371 = arith.andi %get3A_1351, %and3A_1370 : vector<16xi32>
    %or3A_1372 = arith.ori %or3A_1368, %and3A_1371 : vector<16xi32>
    %add3A_1373 = vector.broadcast %mul3A_4 : i32 to vector<16xi32>
    %add3A_1374 = arith.addi %or3A_1372, %add3A_1373 : vector<16xi32>
    %swap3A_1375 = arith.constant 4 : i32
    %swap3A_1376 = arith.index_cast %swap3A_1375 : i32 to index
    %swap3A_1377 = arith.constant 64 : index
    %swap3A_1378 = tpu.vector_load %arg10[%swap3A_1376, %swap3A_1377] {strides = array<i32>} : memref<6x128xi32, #tpu.memory_space<vmem>>, vector<1x16xi32>,
    %swap3A_1379 = vector.shape_cast %swap3A_1378 : vector<1x16xi32> to vector<16xi32>
    %swap3A_1380 = vector.shape_cast %add3A_1374 : vector<16xi32> to vector<1x16xi32>
    tpu.vector_store %arg10[%swap3A_1376, %swap3A_1377], %swap3A_1380 {strides = array<i32>} : memref<6x128xi32, #tpu.memory_space<vmem>>, vector<1x16xi32>,
    %get3A_1381 = arith.constant 4 : i32
    %get3A_1382 = arith.index_cast %get3A_1381 : i32 to index
    %get3A_1383 = arith.constant 80 : index
    %get3A_1384 = tpu.vector_load %arg9[%get3A_1382, %get3A_1383] {strides = array<i32>} : memref<6x128xi32, #tpu.memory_space<vmem>>, vector<1x16xi32>,
    %get3A_1385 = vector.shape_cast %get3A_1384 : vector<1x16xi32> to vector<16xi32>
    %and3A_1386 = arith.constant 258048 : i32
    %and3A_1387 = vector.broadcast %and3A_1386 : i32 to vector<16xi32>
    %and3A_1388 = arith.andi %get3A_1385, %and3A_1387 : vector<16xi32>
    %and3A_1389 = arith.constant 384 : i32
    %and3A_1390 = vector.broadcast %and3A_1389 : i32 to vector<16xi32>
    %and3A_1391 = arith.andi %get3A_1385, %and3A_1390 : vector<16xi32>
    %shift_left3A_1392 = arith.constant 3 : i32
    %shift_left3A_1393 = vector.broadcast %shift_left3A_1392 : i32 to vector<16xi32>
    %shift_left3A_1394 = arith.shli %and3A_1391, %shift_left3A_1393 : vector<16xi32>
    %or3A_1395 = arith.ori %and3A_1388, %shift_left3A_1394 : vector<16xi32>
    %and3A_1396 = arith.constant 3584 : i32
    %and3A_1397 = vector.broadcast %and3A_1396 : i32 to vector<16xi32>
    %and3A_1398 = arith.andi %get3A_1385, %and3A_1397 : vector<16xi32>
    %shift_right_arithmetic3A_1399 = arith.constant 2 : i32
    %shift_right_arithmetic3A_1400 = vector.broadcast %shift_right_arithmetic3A_1399 : i32 to vector<16xi32>
    %shift_right_arithmetic3A_1401 = arith.shrsi %and3A_1398, %shift_right_arithmetic3A_1400 : vector<16xi32>
    %or3A_1402 = arith.ori %or3A_1395, %shift_right_arithmetic3A_1401 : vector<16xi32>
    %and3A_1403 = arith.constant 127 : i32
    %and3A_1404 = vector.broadcast %and3A_1403 : i32 to vector<16xi32>
    %and3A_1405 = arith.andi %get3A_1385, %and3A_1404 : vector<16xi32>
    %or3A_1406 = arith.ori %or3A_1402, %and3A_1405 : vector<16xi32>
    %add3A_1407 = vector.broadcast %mul3A_4 : i32 to vector<16xi32>
    %add3A_1408 = arith.addi %or3A_1406, %add3A_1407 : vector<16xi32>
    %swap3A_1409 = arith.constant 4 : i32
    %swap3A_1410 = arith.index_cast %swap3A_1409 : i32 to index
    %swap3A_1411 = arith.constant 80 : index
    %swap3A_1412 = tpu.vector_load %arg10[%swap3A_1410, %swap3A_1411] {strides = array<i32>} : memref<6x128xi32, #tpu.memory_space<vmem>>, vector<1x16xi32>,
    %swap3A_1413 = vector.shape_cast %swap3A_1412 : vector<1x16xi32> to vector<16xi32>
    %swap3A_1414 = vector.shape_cast %add3A_1408 : vector<16xi32> to vector<1x16xi32>
    tpu.vector_store %arg10[%swap3A_1410, %swap3A_1411], %swap3A_1414 {strides = array<i32>} : memref<6x128xi32, #tpu.memory_space<vmem>>, vector<1x16xi32>,
    %get3A_1415 = arith.constant 4 : i32
    %get3A_1416 = arith.index_cast %get3A_1415 : i32 to index
    %get3A_1417 = arith.constant 96 : index
    %get3A_1418 = tpu.vector_load %arg9[%get3A_1416, %get3A_1417] {strides = array<i32>} : memref<6x128xi32, #tpu.memory_space<vmem>>, vector<1x16xi32>,
    %get3A_1419 = vector.shape_cast %get3A_1418 : vector<1x16xi32> to vector<16xi32>
    %and3A_1420 = arith.constant 258048 : i32
    %and3A_1421 = vector.broadcast %and3A_1420 : i32 to vector<16xi32>
    %and3A_1422 = arith.andi %get3A_1419, %and3A_1421 : vector<16xi32>
    %and3A_1423 = arith.constant 384 : i32
    %and3A_1424 = vector.broadcast %and3A_1423 : i32 to vector<16xi32>
    %and3A_1425 = arith.andi %get3A_1419, %and3A_1424 : vector<16xi32>
    %shift_left3A_1426 = arith.constant 3 : i32
    %shift_left3A_1427 = vector.broadcast %shift_left3A_1426 : i32 to vector<16xi32>
    %shift_left3A_1428 = arith.shli %and3A_1425, %shift_left3A_1427 : vector<16xi32>
    %or3A_1429 = arith.ori %and3A_1422, %shift_left3A_1428 : vector<16xi32>
    %and3A_1430 = arith.constant 3584 : i32
    %and3A_1431 = vector.broadcast %and3A_1430 : i32 to vector<16xi32>
    %and3A_1432 = arith.andi %get3A_1419, %and3A_1431 : vector<16xi32>
    %shift_right_arithmetic3A_1433 = arith.constant 2 : i32
    %shift_right_arithmetic3A_1434 = vector.broadcast %shift_right_arithmetic3A_1433 : i32 to vector<16xi32>
    %shift_right_arithmetic3A_1435 = arith.shrsi %and3A_1432, %shift_right_arithmetic3A_1434 : vector<16xi32>
    %or3A_1436 = arith.ori %or3A_1429, %shift_right_arithmetic3A_1435 : vector<16xi32>
    %and3A_1437 = arith.constant 127 : i32
    %and3A_1438 = vector.broadcast %and3A_1437 : i32 to vector<16xi32>
    %and3A_1439 = arith.andi %get3A_1419, %and3A_1438 : vector<16xi32>
    %or3A_1440 = arith.ori %or3A_1436, %and3A_1439 : vector<16xi32>
    %add3A_1441 = vector.broadcast %mul3A_4 : i32 to vector<16xi32>
    %add3A_1442 = arith.addi %or3A_1440, %add3A_1441 : vector<16xi32>
    %swap3A_1443 = arith.constant 4 : i32
    %swap3A_1444 = arith.index_cast %swap3A_1443 : i32 to index
    %swap3A_1445 = arith.constant 96 : index
    %swap3A_1446 = tpu.vector_load %arg10[%swap3A_1444, %swap3A_1445] {strides = array<i32>} : memref<6x128xi32, #tpu.memory_space<vmem>>, vector<1x16xi32>,
    %swap3A_1447 = vector.shape_cast %swap3A_1446 : vector<1x16xi32> to vector<16xi32>
    %swap3A_1448 = vector.shape_cast %add3A_1442 : vector<16xi32> to vector<1x16xi32>
    tpu.vector_store %arg10[%swap3A_1444, %swap3A_1445], %swap3A_1448 {strides = array<i32>} : memref<6x128xi32, #tpu.memory_space<vmem>>, vector<1x16xi32>,
    %get3A_1449 = arith.constant 4 : i32
    %get3A_1450 = arith.index_cast %get3A_1449 : i32 to index
    %get3A_1451 = arith.constant 112 : index
    %get3A_1452 = tpu.vector_load %arg9[%get3A_1450, %get3A_1451] {strides = array<i32>} : memref<6x128xi32, #tpu.memory_space<vmem>>, vector<1x16xi32>,
    %get3A_1453 = vector.shape_cast %get3A_1452 : vector<1x16xi32> to vector<16xi32>
    %and3A_1454 = arith.constant 258048 : i32
    %and3A_1455 = vector.broadcast %and3A_1454 : i32 to vector<16xi32>
    %and3A_1456 = arith.andi %get3A_1453, %and3A_1455 : vector<16xi32>
    %and3A_1457 = arith.constant 384 : i32
    %and3A_1458 = vector.broadcast %and3A_1457 : i32 to vector<16xi32>
    %and3A_1459 = arith.andi %get3A_1453, %and3A_1458 : vector<16xi32>
    %shift_left3A_1460 = arith.constant 3 : i32
    %shift_left3A_1461 = vector.broadcast %shift_left3A_1460 : i32 to vector<16xi32>
    %shift_left3A_1462 = arith.shli %and3A_1459, %shift_left3A_1461 : vector<16xi32>
    %or3A_1463 = arith.ori %and3A_1456, %shift_left3A_1462 : vector<16xi32>
    %and3A_1464 = arith.constant 3584 : i32
    %and3A_1465 = vector.broadcast %and3A_1464 : i32 to vector<16xi32>
    %and3A_1466 = arith.andi %get3A_1453, %and3A_1465 : vector<16xi32>
    %shift_right_arithmetic3A_1467 = arith.constant 2 : i32
    %shift_right_arithmetic3A_1468 = vector.broadcast %shift_right_arithmetic3A_1467 : i32 to vector<16xi32>
    %shift_right_arithmetic3A_1469 = arith.shrsi %and3A_1466, %shift_right_arithmetic3A_1468 : vector<16xi32>
    %or3A_1470 = arith.ori %or3A_1463, %shift_right_arithmetic3A_1469 : vector<16xi32>
    %and3A_1471 = arith.constant 127 : i32
    %and3A_1472 = vector.broadcast %and3A_1471 : i32 to vector<16xi32>
    %and3A_1473 = arith.andi %get3A_1453, %and3A_1472 : vector<16xi32>
    %or3A_1474 = arith.ori %or3A_1470, %and3A_1473 : vector<16xi32>
    %add3A_1475 = vector.broadcast %mul3A_4 : i32 to vector<16xi32>
    %add3A_1476 = arith.addi %or3A_1474, %add3A_1475 : vector<16xi32>
    %swap3A_1477 = arith.constant 4 : i32
    %swap3A_1478 = arith.index_cast %swap3A_1477 : i32 to index
    %swap3A_1479 = arith.constant 112 : index
    %swap3A_1480 = tpu.vector_load %arg10[%swap3A_1478, %swap3A_1479] {strides = array<i32>} : memref<6x128xi32, #tpu.memory_space<vmem>>, vector<1x16xi32>,
    %swap3A_1481 = vector.shape_cast %swap3A_1480 : vector<1x16xi32> to vector<16xi32>
    %swap3A_1482 = vector.shape_cast %add3A_1476 : vector<16xi32> to vector<1x16xi32>
    tpu.vector_store %arg10[%swap3A_1478, %swap3A_1479], %swap3A_1482 {strides = array<i32>} : memref<6x128xi32, #tpu.memory_space<vmem>>, vector<1x16xi32>,
    %get3A_1483 = arith.constant 5 : i32
    %get3A_1484 = arith.index_cast %get3A_1483 : i32 to index
    %get3A_1485 = arith.constant 0 : index
    %get3A_1486 = tpu.vector_load %arg9[%get3A_1484, %get3A_1485] {strides = array<i32>} : memref<6x128xi32, #tpu.memory_space<vmem>>, vector<1x16xi32>,
    %get3A_1487 = vector.shape_cast %get3A_1486 : vector<1x16xi32> to vector<16xi32>
    %and3A_1488 = arith.constant 258048 : i32
    %and3A_1489 = vector.broadcast %and3A_1488 : i32 to vector<16xi32>
    %and3A_1490 = arith.andi %get3A_1487, %and3A_1489 : vector<16xi32>
    %and3A_1491 = arith.constant 384 : i32
    %and3A_1492 = vector.broadcast %and3A_1491 : i32 to vector<16xi32>
    %and3A_1493 = arith.andi %get3A_1487, %and3A_1492 : vector<16xi32>
    %shift_left3A_1494 = arith.constant 3 : i32
    %shift_left3A_1495 = vector.broadcast %shift_left3A_1494 : i32 to vector<16xi32>
    %shift_left3A_1496 = arith.shli %and3A_1493, %shift_left3A_1495 : vector<16xi32>
    %or3A_1497 = arith.ori %and3A_1490, %shift_left3A_1496 : vector<16xi32>
    %and3A_1498 = arith.constant 3584 : i32
    %and3A_1499 = vector.broadcast %and3A_1498 : i32 to vector<16xi32>
    %and3A_1500 = arith.andi %get3A_1487, %and3A_1499 : vector<16xi32>
    %shift_right_arithmetic3A_1501 = arith.constant 2 : i32
    %shift_right_arithmetic3A_1502 = vector.broadcast %shift_right_arithmetic3A_1501 : i32 to vector<16xi32>
    %shift_right_arithmetic3A_1503 = arith.shrsi %and3A_1500, %shift_right_arithmetic3A_1502 : vector<16xi32>
    %or3A_1504 = arith.ori %or3A_1497, %shift_right_arithmetic3A_1503 : vector<16xi32>
    %and3A_1505 = arith.constant 127 : i32
    %and3A_1506 = vector.broadcast %and3A_1505 : i32 to vector<16xi32>
    %and3A_1507 = arith.andi %get3A_1487, %and3A_1506 : vector<16xi32>
    %or3A_1508 = arith.ori %or3A_1504, %and3A_1507 : vector<16xi32>
    %add3A_1509 = vector.broadcast %mul3A_4 : i32 to vector<16xi32>
    %add3A_1510 = arith.addi %or3A_1508, %add3A_1509 : vector<16xi32>
    %swap3A_1511 = arith.constant 5 : i32
    %swap3A_1512 = arith.index_cast %swap3A_1511 : i32 to index
    %swap3A_1513 = arith.constant 0 : index
    %swap3A_1514 = tpu.vector_load %arg10[%swap3A_1512, %swap3A_1513] {strides = array<i32>} : memref<6x128xi32, #tpu.memory_space<vmem>>, vector<1x16xi32>,
    %swap3A_1515 = vector.shape_cast %swap3A_1514 : vector<1x16xi32> to vector<16xi32>
    %swap3A_1516 = vector.shape_cast %add3A_1510 : vector<16xi32> to vector<1x16xi32>
    tpu.vector_store %arg10[%swap3A_1512, %swap3A_1513], %swap3A_1516 {strides = array<i32>} : memref<6x128xi32, #tpu.memory_space<vmem>>, vector<1x16xi32>,
    %get3A_1517 = arith.constant 5 : i32
    %get3A_1518 = arith.index_cast %get3A_1517 : i32 to index
    %get3A_1519 = arith.constant 16 : index
    %get3A_1520 = tpu.vector_load %arg9[%get3A_1518, %get3A_1519] {strides = array<i32>} : memref<6x128xi32, #tpu.memory_space<vmem>>, vector<1x16xi32>,
    %get3A_1521 = vector.shape_cast %get3A_1520 : vector<1x16xi32> to vector<16xi32>
    %and3A_1522 = arith.constant 258048 : i32
    %and3A_1523 = vector.broadcast %and3A_1522 : i32 to vector<16xi32>
    %and3A_1524 = arith.andi %get3A_1521, %and3A_1523 : vector<16xi32>
    %and3A_1525 = arith.constant 384 : i32
    %and3A_1526 = vector.broadcast %and3A_1525 : i32 to vector<16xi32>
    %and3A_1527 = arith.andi %get3A_1521, %and3A_1526 : vector<16xi32>
    %shift_left3A_1528 = arith.constant 3 : i32
    %shift_left3A_1529 = vector.broadcast %shift_left3A_1528 : i32 to vector<16xi32>
    %shift_left3A_1530 = arith.shli %and3A_1527, %shift_left3A_1529 : vector<16xi32>
    %or3A_1531 = arith.ori %and3A_1524, %shift_left3A_1530 : vector<16xi32>
    %and3A_1532 = arith.constant 3584 : i32
    %and3A_1533 = vector.broadcast %and3A_1532 : i32 to vector<16xi32>
    %and3A_1534 = arith.andi %get3A_1521, %and3A_1533 : vector<16xi32>
    %shift_right_arithmetic3A_1535 = arith.constant 2 : i32
    %shift_right_arithmetic3A_1536 = vector.broadcast %shift_right_arithmetic3A_1535 : i32 to vector<16xi32>
    %shift_right_arithmetic3A_1537 = arith.shrsi %and3A_1534, %shift_right_arithmetic3A_1536 : vector<16xi32>
    %or3A_1538 = arith.ori %or3A_1531, %shift_right_arithmetic3A_1537 : vector<16xi32>
    %and3A_1539 = arith.constant 127 : i32
    %and3A_1540 = vector.broadcast %and3A_1539 : i32 to vector<16xi32>
    %and3A_1541 = arith.andi %get3A_1521, %and3A_1540 : vector<16xi32>
    %or3A_1542 = arith.ori %or3A_1538, %and3A_1541 : vector<16xi32>
    %add3A_1543 = vector.broadcast %mul3A_4 : i32 to vector<16xi32>
    %add3A_1544 = arith.addi %or3A_1542, %add3A_1543 : vector<16xi32>
    %swap3A_1545 = arith.constant 5 : i32
    %swap3A_1546 = arith.index_cast %swap3A_1545 : i32 to index
    %swap3A_1547 = arith.constant 16 : index
    %swap3A_1548 = tpu.vector_load %arg10[%swap3A_1546, %swap3A_1547] {strides = array<i32>} : memref<6x128xi32, #tpu.memory_space<vmem>>, vector<1x16xi32>,
    %swap3A_1549 = vector.shape_cast %swap3A_1548 : vector<1x16xi32> to vector<16xi32>
    %swap3A_1550 = vector.shape_cast %add3A_1544 : vector<16xi32> to vector<1x16xi32>
    tpu.vector_store %arg10[%swap3A_1546, %swap3A_1547], %swap3A_1550 {strides = array<i32>} : memref<6x128xi32, #tpu.memory_space<vmem>>, vector<1x16xi32>,
    %get3A_1551 = arith.constant 5 : i32
    %get3A_1552 = arith.index_cast %get3A_1551 : i32 to index
    %get3A_1553 = arith.constant 32 : index
    %get3A_1554 = tpu.vector_load %arg9[%get3A_1552, %get3A_1553] {strides = array<i32>} : memref<6x128xi32, #tpu.memory_space<vmem>>, vector<1x16xi32>,
    %get3A_1555 = vector.shape_cast %get3A_1554 : vector<1x16xi32> to vector<16xi32>
    %and3A_1556 = arith.constant 258048 : i32
    %and3A_1557 = vector.broadcast %and3A_1556 : i32 to vector<16xi32>
    %and3A_1558 = arith.andi %get3A_1555, %and3A_1557 : vector<16xi32>
    %and3A_1559 = arith.constant 384 : i32
    %and3A_1560 = vector.broadcast %and3A_1559 : i32 to vector<16xi32>
    %and3A_1561 = arith.andi %get3A_1555, %and3A_1560 : vector<16xi32>
    %shift_left3A_1562 = arith.constant 3 : i32
    %shift_left3A_1563 = vector.broadcast %shift_left3A_1562 : i32 to vector<16xi32>
    %shift_left3A_1564 = arith.shli %and3A_1561, %shift_left3A_1563 : vector<16xi32>
    %or3A_1565 = arith.ori %and3A_1558, %shift_left3A_1564 : vector<16xi32>
    %and3A_1566 = arith.constant 3584 : i32
    %and3A_1567 = vector.broadcast %and3A_1566 : i32 to vector<16xi32>
    %and3A_1568 = arith.andi %get3A_1555, %and3A_1567 : vector<16xi32>
    %shift_right_arithmetic3A_1569 = arith.constant 2 : i32
    %shift_right_arithmetic3A_1570 = vector.broadcast %shift_right_arithmetic3A_1569 : i32 to vector<16xi32>
    %shift_right_arithmetic3A_1571 = arith.shrsi %and3A_1568, %shift_right_arithmetic3A_1570 : vector<16xi32>
    %or3A_1572 = arith.ori %or3A_1565, %shift_right_arithmetic3A_1571 : vector<16xi32>
    %and3A_1573 = arith.constant 127 : i32
    %and3A_1574 = vector.broadcast %and3A_1573 : i32 to vector<16xi32>
    %and3A_1575 = arith.andi %get3A_1555, %and3A_1574 : vector<16xi32>
    %or3A_1576 = arith.ori %or3A_1572, %and3A_1575 : vector<16xi32>
    %add3A_1577 = vector.broadcast %mul3A_4 : i32 to vector<16xi32>
    %add3A_1578 = arith.addi %or3A_1576, %add3A_1577 : vector<16xi32>
    %swap3A_1579 = arith.constant 5 : i32
    %swap3A_1580 = arith.index_cast %swap3A_1579 : i32 to index
    %swap3A_1581 = arith.constant 32 : index
    %swap3A_1582 = tpu.vector_load %arg10[%swap3A_1580, %swap3A_1581] {strides = array<i32>} : memref<6x128xi32, #tpu.memory_space<vmem>>, vector<1x16xi32>,
    %swap3A_1583 = vector.shape_cast %swap3A_1582 : vector<1x16xi32> to vector<16xi32>
    %swap3A_1584 = vector.shape_cast %add3A_1578 : vector<16xi32> to vector<1x16xi32>
    tpu.vector_store %arg10[%swap3A_1580, %swap3A_1581], %swap3A_1584 {strides = array<i32>} : memref<6x128xi32, #tpu.memory_space<vmem>>, vector<1x16xi32>,
    %get3A_1585 = arith.constant 5 : i32
    %get3A_1586 = arith.index_cast %get3A_1585 : i32 to index
    %get3A_1587 = arith.constant 48 : index
    %get3A_1588 = tpu.vector_load %arg9[%get3A_1586, %get3A_1587] {strides = array<i32>} : memref<6x128xi32, #tpu.memory_space<vmem>>, vector<1x16xi32>,
    %get3A_1589 = vector.shape_cast %get3A_1588 : vector<1x16xi32> to vector<16xi32>
    %and3A_1590 = arith.constant 258048 : i32
    %and3A_1591 = vector.broadcast %and3A_1590 : i32 to vector<16xi32>
    %and3A_1592 = arith.andi %get3A_1589, %and3A_1591 : vector<16xi32>
    %and3A_1593 = arith.constant 384 : i32
    %and3A_1594 = vector.broadcast %and3A_1593 : i32 to vector<16xi32>
    %and3A_1595 = arith.andi %get3A_1589, %and3A_1594 : vector<16xi32>
    %shift_left3A_1596 = arith.constant 3 : i32
    %shift_left3A_1597 = vector.broadcast %shift_left3A_1596 : i32 to vector<16xi32>
    %shift_left3A_1598 = arith.shli %and3A_1595, %shift_left3A_1597 : vector<16xi32>
    %or3A_1599 = arith.ori %and3A_1592, %shift_left3A_1598 : vector<16xi32>
    %and3A_1600 = arith.constant 3584 : i32
    %and3A_1601 = vector.broadcast %and3A_1600 : i32 to vector<16xi32>
    %and3A_1602 = arith.andi %get3A_1589, %and3A_1601 : vector<16xi32>
    %shift_right_arithmetic3A_1603 = arith.constant 2 : i32
    %shift_right_arithmetic3A_1604 = vector.broadcast %shift_right_arithmetic3A_1603 : i32 to vector<16xi32>
    %shift_right_arithmetic3A_1605 = arith.shrsi %and3A_1602, %shift_right_arithmetic3A_1604 : vector<16xi32>
    %or3A_1606 = arith.ori %or3A_1599, %shift_right_arithmetic3A_1605 : vector<16xi32>
    %and3A_1607 = arith.constant 127 : i32
    %and3A_1608 = vector.broadcast %and3A_1607 : i32 to vector<16xi32>
    %and3A_1609 = arith.andi %get3A_1589, %and3A_1608 : vector<16xi32>
    %or3A_1610 = arith.ori %or3A_1606, %and3A_1609 : vector<16xi32>
    %add3A_1611 = vector.broadcast %mul3A_4 : i32 to vector<16xi32>
    %add3A_1612 = arith.addi %or3A_1610, %add3A_1611 : vector<16xi32>
    %swap3A_1613 = arith.constant 5 : i32
    %swap3A_1614 = arith.index_cast %swap3A_1613 : i32 to index
    %swap3A_1615 = arith.constant 48 : index
    %swap3A_1616 = tpu.vector_load %arg10[%swap3A_1614, %swap3A_1615] {strides = array<i32>} : memref<6x128xi32, #tpu.memory_space<vmem>>, vector<1x16xi32>,
    %swap3A_1617 = vector.shape_cast %swap3A_1616 : vector<1x16xi32> to vector<16xi32>
    %swap3A_1618 = vector.shape_cast %add3A_1612 : vector<16xi32> to vector<1x16xi32>
    tpu.vector_store %arg10[%swap3A_1614, %swap3A_1615], %swap3A_1618 {strides = array<i32>} : memref<6x128xi32, #tpu.memory_space<vmem>>, vector<1x16xi32>,
    %get3A_1619 = arith.constant 5 : i32
    %get3A_1620 = arith.index_cast %get3A_1619 : i32 to index
    %get3A_1621 = arith.constant 64 : index
    %get3A_1622 = tpu.vector_load %arg9[%get3A_1620, %get3A_1621] {strides = array<i32>} : memref<6x128xi32, #tpu.memory_space<vmem>>, vector<1x16xi32>,
    %get3A_1623 = vector.shape_cast %get3A_1622 : vector<1x16xi32> to vector<16xi32>
    %and3A_1624 = arith.constant 258048 : i32
    %and3A_1625 = vector.broadcast %and3A_1624 : i32 to vector<16xi32>
    %and3A_1626 = arith.andi %get3A_1623, %and3A_1625 : vector<16xi32>
    %and3A_1627 = arith.constant 384 : i32
    %and3A_1628 = vector.broadcast %and3A_1627 : i32 to vector<16xi32>
    %and3A_1629 = arith.andi %get3A_1623, %and3A_1628 : vector<16xi32>
    %shift_left3A_1630 = arith.constant 3 : i32
    %shift_left3A_1631 = vector.broadcast %shift_left3A_1630 : i32 to vector<16xi32>
    %shift_left3A_1632 = arith.shli %and3A_1629, %shift_left3A_1631 : vector<16xi32>
    %or3A_1633 = arith.ori %and3A_1626, %shift_left3A_1632 : vector<16xi32>
    %and3A_1634 = arith.constant 3584 : i32
    %and3A_1635 = vector.broadcast %and3A_1634 : i32 to vector<16xi32>
    %and3A_1636 = arith.andi %get3A_1623, %and3A_1635 : vector<16xi32>
    %shift_right_arithmetic3A_1637 = arith.constant 2 : i32
    %shift_right_arithmetic3A_1638 = vector.broadcast %shift_right_arithmetic3A_1637 : i32 to vector<16xi32>
    %shift_right_arithmetic3A_1639 = arith.shrsi %and3A_1636, %shift_right_arithmetic3A_1638 : vector<16xi32>
    %or3A_1640 = arith.ori %or3A_1633, %shift_right_arithmetic3A_1639 : vector<16xi32>
    %and3A_1641 = arith.constant 127 : i32
    %and3A_1642 = vector.broadcast %and3A_1641 : i32 to vector<16xi32>
    %and3A_1643 = arith.andi %get3A_1623, %and3A_1642 : vector<16xi32>
    %or3A_1644 = arith.ori %or3A_1640, %and3A_1643 : vector<16xi32>
    %add3A_1645 = vector.broadcast %mul3A_4 : i32 to vector<16xi32>
    %add3A_1646 = arith.addi %or3A_1644, %add3A_1645 : vector<16xi32>
    %swap3A_1647 = arith.constant 5 : i32
    %swap3A_1648 = arith.index_cast %swap3A_1647 : i32 to index
    %swap3A_1649 = arith.constant 64 : index
    %swap3A_1650 = tpu.vector_load %arg10[%swap3A_1648, %swap3A_1649] {strides = array<i32>} : memref<6x128xi32, #tpu.memory_space<vmem>>, vector<1x16xi32>,
    %swap3A_1651 = vector.shape_cast %swap3A_1650 : vector<1x16xi32> to vector<16xi32>
    %swap3A_1652 = vector.shape_cast %add3A_1646 : vector<16xi32> to vector<1x16xi32>
    tpu.vector_store %arg10[%swap3A_1648, %swap3A_1649], %swap3A_1652 {strides = array<i32>} : memref<6x128xi32, #tpu.memory_space<vmem>>, vector<1x16xi32>,
    %get3A_1653 = arith.constant 5 : i32
    %get3A_1654 = arith.index_cast %get3A_1653 : i32 to index
    %get3A_1655 = arith.constant 80 : index
    %get3A_1656 = tpu.vector_load %arg9[%get3A_1654, %get3A_1655] {strides = array<i32>} : memref<6x128xi32, #tpu.memory_space<vmem>>, vector<1x16xi32>,
    %get3A_1657 = vector.shape_cast %get3A_1656 : vector<1x16xi32> to vector<16xi32>
    %and3A_1658 = arith.constant 258048 : i32
    %and3A_1659 = vector.broadcast %and3A_1658 : i32 to vector<16xi32>
    %and3A_1660 = arith.andi %get3A_1657, %and3A_1659 : vector<16xi32>
    %and3A_1661 = arith.constant 384 : i32
    %and3A_1662 = vector.broadcast %and3A_1661 : i32 to vector<16xi32>
    %and3A_1663 = arith.andi %get3A_1657, %and3A_1662 : vector<16xi32>
    %shift_left3A_1664 = arith.constant 3 : i32
    %shift_left3A_1665 = vector.broadcast %shift_left3A_1664 : i32 to vector<16xi32>
    %shift_left3A_1666 = arith.shli %and3A_1663, %shift_left3A_1665 : vector<16xi32>
    %or3A_1667 = arith.ori %and3A_1660, %shift_left3A_1666 : vector<16xi32>
    %and3A_1668 = arith.constant 3584 : i32
    %and3A_1669 = vector.broadcast %and3A_1668 : i32 to vector<16xi32>
    %and3A_1670 = arith.andi %get3A_1657, %and3A_1669 : vector<16xi32>
    %shift_right_arithmetic3A_1671 = arith.constant 2 : i32
    %shift_right_arithmetic3A_1672 = vector.broadcast %shift_right_arithmetic3A_1671 : i32 to vector<16xi32>
    %shift_right_arithmetic3A_1673 = arith.shrsi %and3A_1670, %shift_right_arithmetic3A_1672 : vector<16xi32>
    %or3A_1674 = arith.ori %or3A_1667, %shift_right_arithmetic3A_1673 : vector<16xi32>
    %and3A_1675 = arith.constant 127 : i32
    %and3A_1676 = vector.broadcast %and3A_1675 : i32 to vector<16xi32>
    %and3A_1677 = arith.andi %get3A_1657, %and3A_1676 : vector<16xi32>
    %or3A_1678 = arith.ori %or3A_1674, %and3A_1677 : vector<16xi32>
    %add3A_1679 = vector.broadcast %mul3A_4 : i32 to vector<16xi32>
    %add3A_1680 = arith.addi %or3A_1678, %add3A_1679 : vector<16xi32>
    %swap3A_1681 = arith.constant 5 : i32
    %swap3A_1682 = arith.index_cast %swap3A_1681 : i32 to index
    %swap3A_1683 = arith.constant 80 : index
    %swap3A_1684 = tpu.vector_load %arg10[%swap3A_1682, %swap3A_1683] {strides = array<i32>} : memref<6x128xi32, #tpu.memory_space<vmem>>, vector<1x16xi32>,
    %swap3A_1685 = vector.shape_cast %swap3A_1684 : vector<1x16xi32> to vector<16xi32>
    %swap3A_1686 = vector.shape_cast %add3A_1680 : vector<16xi32> to vector<1x16xi32>
    tpu.vector_store %arg10[%swap3A_1682, %swap3A_1683], %swap3A_1686 {strides = array<i32>} : memref<6x128xi32, #tpu.memory_space<vmem>>, vector<1x16xi32>,
    %get3A_1687 = arith.constant 5 : i32
    %get3A_1688 = arith.index_cast %get3A_1687 : i32 to index
    %get3A_1689 = arith.constant 96 : index
    %get3A_1690 = tpu.vector_load %arg9[%get3A_1688, %get3A_1689] {strides = array<i32>} : memref<6x128xi32, #tpu.memory_space<vmem>>, vector<1x16xi32>,
    %get3A_1691 = vector.shape_cast %get3A_1690 : vector<1x16xi32> to vector<16xi32>
    %and3A_1692 = arith.constant 258048 : i32
    %and3A_1693 = vector.broadcast %and3A_1692 : i32 to vector<16xi32>
    %and3A_1694 = arith.andi %get3A_1691, %and3A_1693 : vector<16xi32>
    %and3A_1695 = arith.constant 384 : i32
    %and3A_1696 = vector.broadcast %and3A_1695 : i32 to vector<16xi32>
    %and3A_1697 = arith.andi %get3A_1691, %and3A_1696 : vector<16xi32>
    %shift_left3A_1698 = arith.constant 3 : i32
    %shift_left3A_1699 = vector.broadcast %shift_left3A_1698 : i32 to vector<16xi32>
    %shift_left3A_1700 = arith.shli %and3A_1697, %shift_left3A_1699 : vector<16xi32>
    %or3A_1701 = arith.ori %and3A_1694, %shift_left3A_1700 : vector<16xi32>
    %and3A_1702 = arith.constant 3584 : i32
    %and3A_1703 = vector.broadcast %and3A_1702 : i32 to vector<16xi32>
    %and3A_1704 = arith.andi %get3A_1691, %and3A_1703 : vector<16xi32>
    %shift_right_arithmetic3A_1705 = arith.constant 2 : i32
    %shift_right_arithmetic3A_1706 = vector.broadcast %shift_right_arithmetic3A_1705 : i32 to vector<16xi32>
    %shift_right_arithmetic3A_1707 = arith.shrsi %and3A_1704, %shift_right_arithmetic3A_1706 : vector<16xi32>
    %or3A_1708 = arith.ori %or3A_1701, %shift_right_arithmetic3A_1707 : vector<16xi32>
    %and3A_1709 = arith.constant 127 : i32
    %and3A_1710 = vector.broadcast %and3A_1709 : i32 to vector<16xi32>
    %and3A_1711 = arith.andi %get3A_1691, %and3A_1710 : vector<16xi32>
    %or3A_1712 = arith.ori %or3A_1708, %and3A_1711 : vector<16xi32>
    %add3A_1713 = vector.broadcast %mul3A_4 : i32 to vector<16xi32>
    %add3A_1714 = arith.addi %or3A_1712, %add3A_1713 : vector<16xi32>
    %swap3A_1715 = arith.constant 5 : i32
    %swap3A_1716 = arith.index_cast %swap3A_1715 : i32 to index
    %swap3A_1717 = arith.constant 96 : index
    %swap3A_1718 = tpu.vector_load %arg10[%swap3A_1716, %swap3A_1717] {strides = array<i32>} : memref<6x128xi32, #tpu.memory_space<vmem>>, vector<1x16xi32>,
    %swap3A_1719 = vector.shape_cast %swap3A_1718 : vector<1x16xi32> to vector<16xi32>
    %swap3A_1720 = vector.shape_cast %add3A_1714 : vector<16xi32> to vector<1x16xi32>
    tpu.vector_store %arg10[%swap3A_1716, %swap3A_1717], %swap3A_1720 {strides = array<i32>} : memref<6x128xi32, #tpu.memory_space<vmem>>, vector<1x16xi32>,
    %get3A_1721 = arith.constant 5 : i32
    %get3A_1722 = arith.index_cast %get3A_1721 : i32 to index
    %get3A_1723 = arith.constant 112 : index
    %get3A_1724 = tpu.vector_load %arg9[%get3A_1722, %get3A_1723] {strides = array<i32>} : memref<6x128xi32, #tpu.memory_space<vmem>>, vector<1x16xi32>,
    %get3A_1725 = vector.shape_cast %get3A_1724 : vector<1x16xi32> to vector<16xi32>
    %and3A_1726 = arith.constant 258048 : i32
    %and3A_1727 = vector.broadcast %and3A_1726 : i32 to vector<16xi32>
    %and3A_1728 = arith.andi %get3A_1725, %and3A_1727 : vector<16xi32>
    %and3A_1729 = arith.constant 384 : i32
    %and3A_1730 = vector.broadcast %and3A_1729 : i32 to vector<16xi32>
    %and3A_1731 = arith.andi %get3A_1725, %and3A_1730 : vector<16xi32>
    %shift_left3A_1732 = arith.constant 3 : i32
    %shift_left3A_1733 = vector.broadcast %shift_left3A_1732 : i32 to vector<16xi32>
    %shift_left3A_1734 = arith.shli %and3A_1731, %shift_left3A_1733 : vector<16xi32>
    %or3A_1735 = arith.ori %and3A_1728, %shift_left3A_1734 : vector<16xi32>
    %and3A_1736 = arith.constant 3584 : i32
    %and3A_1737 = vector.broadcast %and3A_1736 : i32 to vector<16xi32>
    %and3A_1738 = arith.andi %get3A_1725, %and3A_1737 : vector<16xi32>
    %shift_right_arithmetic3A_1739 = arith.constant 2 : i32
    %shift_right_arithmetic3A_1740 = vector.broadcast %shift_right_arithmetic3A_1739 : i32 to vector<16xi32>
    %shift_right_arithmetic3A_1741 = arith.shrsi %and3A_1738, %shift_right_arithmetic3A_1740 : vector<16xi32>
    %or3A_1742 = arith.ori %or3A_1735, %shift_right_arithmetic3A_1741 : vector<16xi32>
    %and3A_1743 = arith.constant 127 : i32
    %and3A_1744 = vector.broadcast %and3A_1743 : i32 to vector<16xi32>
    %and3A_1745 = arith.andi %get3A_1725, %and3A_1744 : vector<16xi32>
    %or3A_1746 = arith.ori %or3A_1742, %and3A_1745 : vector<16xi32>
    %add3A_1747 = vector.broadcast %mul3A_4 : i32 to vector<16xi32>
    %add3A_1748 = arith.addi %or3A_1746, %add3A_1747 : vector<16xi32>
    %swap3A_1749 = arith.constant 5 : i32
    %swap3A_1750 = arith.index_cast %swap3A_1749 : i32 to index
    %swap3A_1751 = arith.constant 112 : index
    %swap3A_1752 = tpu.vector_load %arg10[%swap3A_1750, %swap3A_1751] {strides = array<i32>} : memref<6x128xi32, #tpu.memory_space<vmem>>, vector<1x16xi32>,
    %swap3A_1753 = vector.shape_cast %swap3A_1752 : vector<1x16xi32> to vector<16xi32>
    %swap3A_1754 = vector.shape_cast %add3A_1748 : vector<16xi32> to vector<1x16xi32>
    tpu.vector_store %arg10[%swap3A_1750, %swap3A_1751], %swap3A_1754 {strides = array<i32>} : memref<6x128xi32, #tpu.memory_space<vmem>>, vector<1x16xi32>,
    %dma_start3A_1755 = arith.constant 4 : i32
    %dma_start3A_1756 = arith.constant 4 : i32
    %dma_start3A_1757 = arith.constant 0 : i32
    %dma_start3A_1758 = tpu.memref_slice %arg11[%dma_start3A_1756, %dma_start3A_1757] : memref<6x128xf32, #tpu.memory_space<vmem>> -> memref<1x128xf32, #tpu.memory_space<vmem>>
    %dma_start3A_1759 = tpu.memref_squeeze %dma_start3A_1758 : memref<1x128xf32, #tpu.memory_space<vmem>> -> memref<128xf32, #tpu.memory_space<vmem>>
    %dma_start3A_1760 = arith.constant 0 : i32
    %dma_start3A_1761 = tpu.memref_slice %arg10[%dma_start3A_1755, %dma_start3A_1760] : memref<6x128xi32, #tpu.memory_space<vmem>> -> memref<1x128xi32, #tpu.memory_space<vmem>>
    %dma_start3A_1762 = tpu.memref_squeeze %dma_start3A_1761 : memref<1x128xi32, #tpu.memory_space<vmem>> -> memref<128xi32, #tpu.memory_space<vmem>>
    %dma_start3A_1763 = arith.constant 0 : i32
    %dma_start3A_1764 = tpu.memref_slice %arg4[%dma_start3A_1763] : memref<8388608xf32, #tpu.memory_space<hbm>> -> memref<8388608xf32, #tpu.memory_space<hbm>>
    tpu.enqueue_indirect_dma source(%dma_start3A_1764 : memref<8388608xf32, #tpu.memory_space<hbm>>) target(%dma_start3A_1759 : memref<128xf32, #tpu.memory_space<vmem>>) offsets(%dma_start3A_1762 : memref<128xi32, #tpu.memory_space<vmem>>) semaphore(%arg17 : memref<!tpu.dma_semaphore, #tpu.memory_space<semaphore_mem>>)
    %dma_start3A_1765 = arith.constant 5 : i32
    %dma_start3A_1766 = arith.constant 5 : i32
    %dma_start3A_1767 = arith.constant 0 : i32
    %dma_start3A_1768 = tpu.memref_slice %arg11[%dma_start3A_1766, %dma_start3A_1767] : memref<6x128xf32, #tpu.memory_space<vmem>> -> memref<1x128xf32, #tpu.memory_space<vmem>>
    %dma_start3A_1769 = tpu.memref_squeeze %dma_start3A_1768 : memref<1x128xf32, #tpu.memory_space<vmem>> -> memref<128xf32, #tpu.memory_space<vmem>>
    %dma_start3A_1770 = arith.constant 0 : i32
    %dma_start3A_1771 = tpu.memref_slice %arg10[%dma_start3A_1765, %dma_start3A_1770] : memref<6x128xi32, #tpu.memory_space<vmem>> -> memref<1x128xi32, #tpu.memory_space<vmem>>
    %dma_start3A_1772 = tpu.memref_squeeze %dma_start3A_1771 : memref<1x128xi32, #tpu.memory_space<vmem>> -> memref<128xi32, #tpu.memory_space<vmem>>
    %dma_start3A_1773 = arith.constant 0 : i32
    %dma_start3A_1774 = tpu.memref_slice %arg4[%dma_start3A_1773] : memref<8388608xf32, #tpu.memory_space<hbm>> -> memref<8388608xf32, #tpu.memory_space<hbm>>
    tpu.enqueue_indirect_dma source(%dma_start3A_1774 : memref<8388608xf32, #tpu.memory_space<hbm>>) target(%dma_start3A_1769 : memref<128xf32, #tpu.memory_space<vmem>>) offsets(%dma_start3A_1772 : memref<128xi32, #tpu.memory_space<vmem>>) semaphore(%arg17 : memref<!tpu.dma_semaphore, #tpu.memory_space<semaphore_mem>>)
    %dma_wait3A_1775 = arith.constant 0 : i32
    %dma_wait3A_1776 = arith.constant 0 : i32
    %dma_wait3A_1777 = arith.constant 0 : i32
    %dma_wait3A_1778 = tpu.memref_slice %arg11[%dma_wait3A_1776, %dma_wait3A_1777] : memref<6x128xf32, #tpu.memory_space<vmem>> -> memref<1x128xf32, #tpu.memory_space<vmem>>
    %dma_wait3A_1779 = tpu.memref_squeeze %dma_wait3A_1778 : memref<1x128xf32, #tpu.memory_space<vmem>> -> memref<128xf32, #tpu.memory_space<vmem>>
    %dma_wait3A_1780 = arith.constant 0 : i32
    %dma_wait3A_1781 = tpu.memref_slice %arg10[%dma_wait3A_1775, %dma_wait3A_1780] : memref<6x128xi32, #tpu.memory_space<vmem>> -> memref<1x128xi32, #tpu.memory_space<vmem>>
    %dma_wait3A_1782 = tpu.memref_squeeze %dma_wait3A_1781 : memref<1x128xi32, #tpu.memory_space<vmem>> -> memref<128xi32, #tpu.memory_space<vmem>>
    %dma_wait3A_1783 = arith.constant 0 : i32
    %dma_wait3A_1784 = tpu.memref_slice %arg2[%dma_wait3A_1783] : memref<8388608xf32, #tpu.memory_space<hbm>> -> memref<8388608xf32, #tpu.memory_space<hbm>>
    tpu.wait_indirect_dma semaphore(%arg15 : memref<!tpu.dma_semaphore, #tpu.memory_space<semaphore_mem>>) src(%dma_wait3A_1784 : memref<8388608xf32, #tpu.memory_space<hbm>>) dst(%dma_wait3A_1779 : memref<128xf32, #tpu.memory_space<vmem>>)
    %dma_wait3A_1785 = arith.constant 1 : i32
    %dma_wait3A_1786 = arith.constant 1 : i32
    %dma_wait3A_1787 = arith.constant 0 : i32
    %dma_wait3A_1788 = tpu.memref_slice %arg11[%dma_wait3A_1786, %dma_wait3A_1787] : memref<6x128xf32, #tpu.memory_space<vmem>> -> memref<1x128xf32, #tpu.memory_space<vmem>>
    %dma_wait3A_1789 = tpu.memref_squeeze %dma_wait3A_1788 : memref<1x128xf32, #tpu.memory_space<vmem>> -> memref<128xf32, #tpu.memory_space<vmem>>
    %dma_wait3A_1790 = arith.constant 0 : i32
    %dma_wait3A_1791 = tpu.memref_slice %arg10[%dma_wait3A_1785, %dma_wait3A_1790] : memref<6x128xi32, #tpu.memory_space<vmem>> -> memref<1x128xi32, #tpu.memory_space<vmem>>
    %dma_wait3A_1792 = tpu.memref_squeeze %dma_wait3A_1791 : memref<1x128xi32, #tpu.memory_space<vmem>> -> memref<128xi32, #tpu.memory_space<vmem>>
    %dma_wait3A_1793 = arith.constant 0 : i32
    %dma_wait3A_1794 = tpu.memref_slice %arg2[%dma_wait3A_1793] : memref<8388608xf32, #tpu.memory_space<hbm>> -> memref<8388608xf32, #tpu.memory_space<hbm>>
    tpu.wait_indirect_dma semaphore(%arg15 : memref<!tpu.dma_semaphore, #tpu.memory_space<semaphore_mem>>) src(%dma_wait3A_1794 : memref<8388608xf32, #tpu.memory_space<hbm>>) dst(%dma_wait3A_1789 : memref<128xf32, #tpu.memory_space<vmem>>)
    %dma_start3A_1795 = arith.constant 0 : i32
    %dma_start3A_1796 = arith.constant 0 : i32
    %dma_start3A_1797 = arith.constant 0 : i32
    %dma_start3A_1798 = tpu.memref_slice %arg11[%dma_start3A_1796, %dma_start3A_1797] : memref<6x128xf32, #tpu.memory_space<vmem>> -> memref<2x128xf32, #tpu.memory_space<vmem>>
    %dma_start3A_1799 = arith.constant 0 : i32
    %dma_start3A_1800 = arith.constant 0 : i32
    %dma_start3A_1801 = tpu.memref_slice %arg8[%dma_start3A_1795, %add3A, %dma_start3A_1799, %dma_start3A_1800] : memref<3x32x2x128xf32, #tpu.memory_space<hbm>> -> memref<1x1x2x128xf32, #tpu.memory_space<hbm>>
    %dma_start3A_1802 = tpu.memref_squeeze %dma_start3A_1801 : memref<1x1x2x128xf32, #tpu.memory_space<hbm>> -> memref<2x128xf32, #tpu.memory_space<hbm>>
    %dma_start3A_1803 = arith.constant 0 : i32
    %dma_start3A_1804 = arith.constant 0 : i32
    %dma_start3A_1805 = tpu.memref_slice %arg8[%dma_start3A_1795, %add3A, %dma_start3A_1803, %dma_start3A_1804] : memref<3x32x2x128xf32, #tpu.memory_space<hbm>> -> memref<1x1x2x128xf32, #tpu.memory_space<hbm>>
    %dma_start3A_1806 = tpu.memref_squeeze %dma_start3A_1805 : memref<1x1x2x128xf32, #tpu.memory_space<hbm>> -> memref<2x128xf32, #tpu.memory_space<hbm>>
    %dma_start3A_1807 = arith.constant 0 : i32
    %dma_start3A_1808 = arith.constant 0 : i32
    %dma_start3A_1809 = tpu.memref_slice %arg11[%dma_start3A_1807, %dma_start3A_1808] : memref<6x128xf32, #tpu.memory_space<vmem>> -> memref<2x128xf32, #tpu.memory_space<vmem>>
    tpu.enqueue_dma source(%dma_start3A_1809 : memref<2x128xf32, #tpu.memory_space<vmem>>) target(%dma_start3A_1806 : memref<2x128xf32, #tpu.memory_space<hbm>>) target_semaphore(%arg18 : memref<!tpu.dma_semaphore, #tpu.memory_space<semaphore_mem>>)
    %dma_wait3A_1810 = arith.constant 2 : i32
    %dma_wait3A_1811 = arith.constant 2 : i32
    %dma_wait3A_1812 = arith.constant 0 : i32
    %dma_wait3A_1813 = tpu.memref_slice %arg11[%dma_wait3A_1811, %dma_wait3A_1812] : memref<6x128xf32, #tpu.memory_space<vmem>> -> memref<1x128xf32, #tpu.memory_space<vmem>>
    %dma_wait3A_1814 = tpu.memref_squeeze %dma_wait3A_1813 : memref<1x128xf32, #tpu.memory_space<vmem>> -> memref<128xf32, #tpu.memory_space<vmem>>
    %dma_wait3A_1815 = arith.constant 0 : i32
    %dma_wait3A_1816 = tpu.memref_slice %arg10[%dma_wait3A_1810, %dma_wait3A_1815] : memref<6x128xi32, #tpu.memory_space<vmem>> -> memref<1x128xi32, #tpu.memory_space<vmem>>
    %dma_wait3A_1817 = tpu.memref_squeeze %dma_wait3A_1816 : memref<1x128xi32, #tpu.memory_space<vmem>> -> memref<128xi32, #tpu.memory_space<vmem>>
    %dma_wait3A_1818 = arith.constant 0 : i32
    %dma_wait3A_1819 = tpu.memref_slice %arg3[%dma_wait3A_1818] : memref<8388608xf32, #tpu.memory_space<hbm>> -> memref<8388608xf32, #tpu.memory_space<hbm>>
    tpu.wait_indirect_dma semaphore(%arg16 : memref<!tpu.dma_semaphore, #tpu.memory_space<semaphore_mem>>) src(%dma_wait3A_1819 : memref<8388608xf32, #tpu.memory_space<hbm>>) dst(%dma_wait3A_1814 : memref<128xf32, #tpu.memory_space<vmem>>)
    %dma_wait3A_1820 = arith.constant 3 : i32
    %dma_wait3A_1821 = arith.constant 3 : i32
    %dma_wait3A_1822 = arith.constant 0 : i32
    %dma_wait3A_1823 = tpu.memref_slice %arg11[%dma_wait3A_1821, %dma_wait3A_1822] : memref<6x128xf32, #tpu.memory_space<vmem>> -> memref<1x128xf32, #tpu.memory_space<vmem>>
    %dma_wait3A_1824 = tpu.memref_squeeze %dma_wait3A_1823 : memref<1x128xf32, #tpu.memory_space<vmem>> -> memref<128xf32, #tpu.memory_space<vmem>>
    %dma_wait3A_1825 = arith.constant 0 : i32
    %dma_wait3A_1826 = tpu.memref_slice %arg10[%dma_wait3A_1820, %dma_wait3A_1825] : memref<6x128xi32, #tpu.memory_space<vmem>> -> memref<1x128xi32, #tpu.memory_space<vmem>>
    %dma_wait3A_1827 = tpu.memref_squeeze %dma_wait3A_1826 : memref<1x128xi32, #tpu.memory_space<vmem>> -> memref<128xi32, #tpu.memory_space<vmem>>
    %dma_wait3A_1828 = arith.constant 0 : i32
    %dma_wait3A_1829 = tpu.memref_slice %arg3[%dma_wait3A_1828] : memref<8388608xf32, #tpu.memory_space<hbm>> -> memref<8388608xf32, #tpu.memory_space<hbm>>
    tpu.wait_indirect_dma semaphore(%arg16 : memref<!tpu.dma_semaphore, #tpu.memory_space<semaphore_mem>>) src(%dma_wait3A_1829 : memref<8388608xf32, #tpu.memory_space<hbm>>) dst(%dma_wait3A_1824 : memref<128xf32, #tpu.memory_space<vmem>>)
    %dma_start3A_1830 = arith.constant 1 : i32
    %dma_start3A_1831 = arith.constant 2 : i32
    %dma_start3A_1832 = arith.constant 0 : i32
    %dma_start3A_1833 = tpu.memref_slice %arg11[%dma_start3A_1831, %dma_start3A_1832] : memref<6x128xf32, #tpu.memory_space<vmem>> -> memref<2x128xf32, #tpu.memory_space<vmem>>
    %dma_start3A_1834 = arith.constant 0 : i32
    %dma_start3A_1835 = arith.constant 0 : i32
    %dma_start3A_1836 = tpu.memref_slice %arg8[%dma_start3A_1830, %add3A, %dma_start3A_1834, %dma_start3A_1835] : memref<3x32x2x128xf32, #tpu.memory_space<hbm>> -> memref<1x1x2x128xf32, #tpu.memory_space<hbm>>
    %dma_start3A_1837 = tpu.memref_squeeze %dma_start3A_1836 : memref<1x1x2x128xf32, #tpu.memory_space<hbm>> -> memref<2x128xf32, #tpu.memory_space<hbm>>
    %dma_start3A_1838 = arith.constant 0 : i32
    %dma_start3A_1839 = arith.constant 0 : i32
    %dma_start3A_1840 = tpu.memref_slice %arg8[%dma_start3A_1830, %add3A, %dma_start3A_1838, %dma_start3A_1839] : memref<3x32x2x128xf32, #tpu.memory_space<hbm>> -> memref<1x1x2x128xf32, #tpu.memory_space<hbm>>
    %dma_start3A_1841 = tpu.memref_squeeze %dma_start3A_1840 : memref<1x1x2x128xf32, #tpu.memory_space<hbm>> -> memref<2x128xf32, #tpu.memory_space<hbm>>
    %dma_start3A_1842 = arith.constant 2 : i32
    %dma_start3A_1843 = arith.constant 0 : i32
    %dma_start3A_1844 = tpu.memref_slice %arg11[%dma_start3A_1842, %dma_start3A_1843] : memref<6x128xf32, #tpu.memory_space<vmem>> -> memref<2x128xf32, #tpu.memory_space<vmem>>
    tpu.enqueue_dma source(%dma_start3A_1844 : memref<2x128xf32, #tpu.memory_space<vmem>>) target(%dma_start3A_1841 : memref<2x128xf32, #tpu.memory_space<hbm>>) target_semaphore(%arg18 : memref<!tpu.dma_semaphore, #tpu.memory_space<semaphore_mem>>)
    %dma_wait3A_1845 = arith.constant 4 : i32
    %dma_wait3A_1846 = arith.constant 4 : i32
    %dma_wait3A_1847 = arith.constant 0 : i32
    %dma_wait3A_1848 = tpu.memref_slice %arg11[%dma_wait3A_1846, %dma_wait3A_1847] : memref<6x128xf32, #tpu.memory_space<vmem>> -> memref<1x128xf32, #tpu.memory_space<vmem>>
    %dma_wait3A_1849 = tpu.memref_squeeze %dma_wait3A_1848 : memref<1x128xf32, #tpu.memory_space<vmem>> -> memref<128xf32, #tpu.memory_space<vmem>>
    %dma_wait3A_1850 = arith.constant 0 : i32
    %dma_wait3A_1851 = tpu.memref_slice %arg10[%dma_wait3A_1845, %dma_wait3A_1850] : memref<6x128xi32, #tpu.memory_space<vmem>> -> memref<1x128xi32, #tpu.memory_space<vmem>>
    %dma_wait3A_1852 = tpu.memref_squeeze %dma_wait3A_1851 : memref<1x128xi32, #tpu.memory_space<vmem>> -> memref<128xi32, #tpu.memory_space<vmem>>
    %dma_wait3A_1853 = arith.constant 0 : i32
    %dma_wait3A_1854 = tpu.memref_slice %arg4[%dma_wait3A_1853] : memref<8388608xf32, #tpu.memory_space<hbm>> -> memref<8388608xf32, #tpu.memory_space<hbm>>
    tpu.wait_indirect_dma semaphore(%arg17 : memref<!tpu.dma_semaphore, #tpu.memory_space<semaphore_mem>>) src(%dma_wait3A_1854 : memref<8388608xf32, #tpu.memory_space<hbm>>) dst(%dma_wait3A_1849 : memref<128xf32, #tpu.memory_space<vmem>>)
    %dma_wait3A_1855 = arith.constant 5 : i32
    %dma_wait3A_1856 = arith.constant 5 : i32
    %dma_wait3A_1857 = arith.constant 0 : i32
    %dma_wait3A_1858 = tpu.memref_slice %arg11[%dma_wait3A_1856, %dma_wait3A_1857] : memref<6x128xf32, #tpu.memory_space<vmem>> -> memref<1x128xf32, #tpu.memory_space<vmem>>
    %dma_wait3A_1859 = tpu.memref_squeeze %dma_wait3A_1858 : memref<1x128xf32, #tpu.memory_space<vmem>> -> memref<128xf32, #tpu.memory_space<vmem>>
    %dma_wait3A_1860 = arith.constant 0 : i32
    %dma_wait3A_1861 = tpu.memref_slice %arg10[%dma_wait3A_1855, %dma_wait3A_1860] : memref<6x128xi32, #tpu.memory_space<vmem>> -> memref<1x128xi32, #tpu.memory_space<vmem>>
    %dma_wait3A_1862 = tpu.memref_squeeze %dma_wait3A_1861 : memref<1x128xi32, #tpu.memory_space<vmem>> -> memref<128xi32, #tpu.memory_space<vmem>>
    %dma_wait3A_1863 = arith.constant 0 : i32
    %dma_wait3A_1864 = tpu.memref_slice %arg4[%dma_wait3A_1863] : memref<8388608xf32, #tpu.memory_space<hbm>> -> memref<8388608xf32, #tpu.memory_space<hbm>>
    tpu.wait_indirect_dma semaphore(%arg17 : memref<!tpu.dma_semaphore, #tpu.memory_space<semaphore_mem>>) src(%dma_wait3A_1864 : memref<8388608xf32, #tpu.memory_space<hbm>>) dst(%dma_wait3A_1859 : memref<128xf32, #tpu.memory_space<vmem>>)
    %dma_start3A_1865 = arith.constant 2 : i32
    %dma_start3A_1866 = arith.constant 4 : i32
    %dma_start3A_1867 = arith.constant 0 : i32
    %dma_start3A_1868 = tpu.memref_slice %arg11[%dma_start3A_1866, %dma_start3A_1867] : memref<6x128xf32, #tpu.memory_space<vmem>> -> memref<2x128xf32, #tpu.memory_space<vmem>>
    %dma_start3A_1869 = arith.constant 0 : i32
    %dma_start3A_1870 = arith.constant 0 : i32
    %dma_start3A_1871 = tpu.memref_slice %arg8[%dma_start3A_1865, %add3A, %dma_start3A_1869, %dma_start3A_1870] : memref<3x32x2x128xf32, #tpu.memory_space<hbm>> -> memref<1x1x2x128xf32, #tpu.memory_space<hbm>>
    %dma_start3A_1872 = tpu.memref_squeeze %dma_start3A_1871 : memref<1x1x2x128xf32, #tpu.memory_space<hbm>> -> memref<2x128xf32, #tpu.memory_space<hbm>>
    %dma_start3A_1873 = arith.constant 0 : i32
    %dma_start3A_1874 = arith.constant 0 : i32
    %dma_start3A_1875 = tpu.memref_slice %arg8[%dma_start3A_1865, %add3A, %dma_start3A_1873, %dma_start3A_1874] : memref<3x32x2x128xf32, #tpu.memory_space<hbm>> -> memref<1x1x2x128xf32, #tpu.memory_space<hbm>>
    %dma_start3A_1876 = tpu.memref_squeeze %dma_start3A_1875 : memref<1x1x2x128xf32, #tpu.memory_space<hbm>> -> memref<2x128xf32, #tpu.memory_space<hbm>>
    %dma_start3A_1877 = arith.constant 4 : i32
    %dma_start3A_1878 = arith.constant 0 : i32
    %dma_start3A_1879 = tpu.memref_slice %arg11[%dma_start3A_1877, %dma_start3A_1878] : memref<6x128xf32, #tpu.memory_space<vmem>> -> memref<2x128xf32, #tpu.memory_space<vmem>>
    tpu.enqueue_dma source(%dma_start3A_1879 : memref<2x128xf32, #tpu.memory_space<vmem>>) target(%dma_start3A_1876 : memref<2x128xf32, #tpu.memory_space<hbm>>) target_semaphore(%arg18 : memref<!tpu.dma_semaphore, #tpu.memory_space<semaphore_mem>>)
    %dma_wait3A_1880 = arith.constant 0 : i32
    %dma_wait3A_1881 = arith.constant 0 : i32
    %dma_wait3A_1882 = arith.constant 0 : i32
    %dma_wait3A_1883 = tpu.memref_slice %arg11[%dma_wait3A_1881, %dma_wait3A_1882] : memref<6x128xf32, #tpu.memory_space<vmem>> -> memref<2x128xf32, #tpu.memory_space<vmem>>
    %dma_wait3A_1884 = arith.constant 0 : i32
    %dma_wait3A_1885 = arith.constant 0 : i32
    %dma_wait3A_1886 = tpu.memref_slice %arg8[%dma_wait3A_1880, %add3A, %dma_wait3A_1884, %dma_wait3A_1885] : memref<3x32x2x128xf32, #tpu.memory_space<hbm>> -> memref<1x1x2x128xf32, #tpu.memory_space<hbm>>
    %dma_wait3A_1887 = tpu.memref_squeeze %dma_wait3A_1886 : memref<1x1x2x128xf32, #tpu.memory_space<hbm>> -> memref<2x128xf32, #tpu.memory_space<hbm>>
    %dma_wait3A_1888 = arith.constant 0 : i32
    %dma_wait3A_1889 = arith.constant 0 : i32
    %dma_wait3A_1890 = tpu.memref_slice %arg8[%dma_wait3A_1880, %add3A, %dma_wait3A_1888, %dma_wait3A_1889] : memref<3x32x2x128xf32, #tpu.memory_space<hbm>> -> memref<1x1x2x128xf32, #tpu.memory_space<hbm>>
    %dma_wait3A_1891 = tpu.memref_squeeze %dma_wait3A_1890 : memref<1x1x2x128xf32, #tpu.memory_space<hbm>> -> memref<2x128xf32, #tpu.memory_space<hbm>>
    %dma_wait3A_1892 = arith.constant 0 : i32
    %dma_wait3A_1893 = arith.constant 0 : i32
    %dma_wait3A_1894 = tpu.memref_slice %arg11[%dma_wait3A_1892, %dma_wait3A_1893] : memref<6x128xf32, #tpu.memory_space<vmem>> -> memref<2x128xf32, #tpu.memory_space<vmem>>
    tpu.wait_dma2 semaphore(%arg18 : memref<!tpu.dma_semaphore, #tpu.memory_space<semaphore_mem>>) src(%dma_wait3A_1894 : memref<2x128xf32, #tpu.memory_space<vmem>>) dst(%dma_wait3A_1891 : memref<2x128xf32, #tpu.memory_space<hbm>>)
    %dma_wait3A_1895 = arith.constant 1 : i32
    %dma_wait3A_1896 = arith.constant 2 : i32
    %dma_wait3A_1897 = arith.constant 0 : i32
    %dma_wait3A_1898 = tpu.memref_slice %arg11[%dma_wait3A_1896, %dma_wait3A_1897] : memref<6x128xf32, #tpu.memory_space<vmem>> -> memref<2x128xf32, #tpu.memory_space<vmem>>
    %dma_wait3A_1899 = arith.constant 0 : i32
    %dma_wait3A_1900 = arith.constant 0 : i32
    %dma_wait3A_1901 = tpu.memref_slice %arg8[%dma_wait3A_1895, %add3A, %dma_wait3A_1899, %dma_wait3A_1900] : memref<3x32x2x128xf32, #tpu.memory_space<hbm>> -> memref<1x1x2x128xf32, #tpu.memory_space<hbm>>
    %dma_wait3A_1902 = tpu.memref_squeeze %dma_wait3A_1901 : memref<1x1x2x128xf32, #tpu.memory_space<hbm>> -> memref<2x128xf32, #tpu.memory_space<hbm>>
    %dma_wait3A_1903 = arith.constant 0 : i32
    %dma_wait3A_1904 = arith.constant 0 : i32
    %dma_wait3A_1905 = tpu.memref_slice %arg8[%dma_wait3A_1895, %add3A, %dma_wait3A_1903, %dma_wait3A_1904] : memref<3x32x2x128xf32, #tpu.memory_space<hbm>> -> memref<1x1x2x128xf32, #tpu.memory_space<hbm>>
    %dma_wait3A_1906 = tpu.memref_squeeze %dma_wait3A_1905 : memref<1x1x2x128xf32, #tpu.memory_space<hbm>> -> memref<2x128xf32, #tpu.memory_space<hbm>>
    %dma_wait3A_1907 = arith.constant 2 : i32
    %dma_wait3A_1908 = arith.constant 0 : i32
    %dma_wait3A_1909 = tpu.memref_slice %arg11[%dma_wait3A_1907, %dma_wait3A_1908] : memref<6x128xf32, #tpu.memory_space<vmem>> -> memref<2x128xf32, #tpu.memory_space<vmem>>
    tpu.wait_dma2 semaphore(%arg18 : memref<!tpu.dma_semaphore, #tpu.memory_space<semaphore_mem>>) src(%dma_wait3A_1909 : memref<2x128xf32, #tpu.memory_space<vmem>>) dst(%dma_wait3A_1906 : memref<2x128xf32, #tpu.memory_space<hbm>>)
    %dma_wait3A_1910 = arith.constant 2 : i32
    %dma_wait3A_1911 = arith.constant 4 : i32
    %dma_wait3A_1912 = arith.constant 0 : i32
    %dma_wait3A_1913 = tpu.memref_slice %arg11[%dma_wait3A_1911, %dma_wait3A_1912] : memref<6x128xf32, #tpu.memory_space<vmem>> -> memref<2x128xf32, #tpu.memory_space<vmem>>
    %dma_wait3A_1914 = arith.constant 0 : i32
    %dma_wait3A_1915 = arith.constant 0 : i32
    %dma_wait3A_1916 = tpu.memref_slice %arg8[%dma_wait3A_1910, %add3A, %dma_wait3A_1914, %dma_wait3A_1915] : memref<3x32x2x128xf32, #tpu.memory_space<hbm>> -> memref<1x1x2x128xf32, #tpu.memory_space<hbm>>
    %dma_wait3A_1917 = tpu.memref_squeeze %dma_wait3A_1916 : memref<1x1x2x128xf32, #tpu.memory_space<hbm>> -> memref<2x128xf32, #tpu.memory_space<hbm>>
    %dma_wait3A_1918 = arith.constant 0 : i32
    %dma_wait3A_1919 = arith.constant 0 : i32
    %dma_wait3A_1920 = tpu.memref_slice %arg8[%dma_wait3A_1910, %add3A, %dma_wait3A_1918, %dma_wait3A_1919] : memref<3x32x2x128xf32, #tpu.memory_space<hbm>> -> memref<1x1x2x128xf32, #tpu.memory_space<hbm>>
    %dma_wait3A_1921 = tpu.memref_squeeze %dma_wait3A_1920 : memref<1x1x2x128xf32, #tpu.memory_space<hbm>> -> memref<2x128xf32, #tpu.memory_space<hbm>>
    %dma_wait3A_1922 = arith.constant 4 : i32
    %dma_wait3A_1923 = arith.constant 0 : i32
    %dma_wait3A_1924 = tpu.memref_slice %arg11[%dma_wait3A_1922, %dma_wait3A_1923] : memref<6x128xf32, #tpu.memory_space<vmem>> -> memref<2x128xf32, #tpu.memory_space<vmem>>
    tpu.wait_dma2 semaphore(%arg18 : memref<!tpu.dma_semaphore, #tpu.memory_space<semaphore_mem>>) src(%dma_wait3A_1924 : memref<2x128xf32, #tpu.memory_space<vmem>>) dst(%dma_wait3A_1921 : memref<2x128xf32, #tpu.memory_space<hbm>>)
    return
  }
}

module attributes {stable_mosaic.version = 14 : i64} {
  func.func @_loss_body(%arg0: i32, %arg1: memref<3x32x2x128xf32, #tpu.memory_space<vmem>>, %arg2: memref<32x256xf32, #tpu.memory_space<vmem>>, %arg3: memref<1x1xf32, #tpu.memory_space<smem>>, %arg4: memref<1x1xf32, #tpu.memory_space<smem>>) attributes {dimension_semantics = [#tpu.dimension_semantics<arbitrary>], iteration_bounds = array<i64: 1>, scalar_prefetch = 0 : i64, scratch_operands = 0 : i64, tpu.core_type = #tpu.core_type<tc>, window_params = [{transform_indices = @transform_0, window_bounds = array<i64: 3, 32, 2, 128>}, {transform_indices = @transform_1, window_bounds = array<i64: 32, 256>}, {transform_indices = @transform_2, window_bounds = array<i64: 1, 1>}, {transform_indices = @transform_3, window_bounds = array<i64: 1, 1>}]} {
    %get3A = arith.constant 0 : index
    %get3A_0 = arith.constant 0 : index
    %get3A_1 = arith.constant 0 : index
    %get3A_2 = arith.constant 0 : index
    %get3A_3 = vector.load %arg1[%get3A, %get3A_0, %get3A_1, %get3A_2] : memref<3x32x2x128xf32, #tpu.memory_space<vmem>>, vector<3x32x2x128xf32>
    %slice3A = vector.extract_strided_slice %get3A_3 {offsets = [0, 0, 0, 0], sizes = [1, 32, 1, 128], strides = [1, 1, 1, 1]} : vector<3x32x2x128xf32> to vector<1x32x1x128xf32>
    %squeeze3A = vector.shape_cast %slice3A : vector<1x32x1x128xf32> to vector<32x128xf32>
    %slice3A_4 = vector.extract_strided_slice %get3A_3 {offsets = [0, 0, 1, 0], sizes = [1, 32, 1, 128], strides = [1, 1, 1, 1]} : vector<3x32x2x128xf32> to vector<1x32x1x128xf32>
    %squeeze3A_5 = vector.shape_cast %slice3A_4 : vector<1x32x1x128xf32> to vector<32x128xf32>
    %concatenate3A = tpu.concatenate %squeeze3A, %squeeze3A_5 in 1 : vector<32x128xf32>, vector<32x128xf32> -> vector<32x256xf32>
    %slice3A_6 = vector.extract_strided_slice %get3A_3 {offsets = [1, 0, 0, 0], sizes = [1, 32, 1, 128], strides = [1, 1, 1, 1]} : vector<3x32x2x128xf32> to vector<1x32x1x128xf32>
    %squeeze3A_7 = vector.shape_cast %slice3A_6 : vector<1x32x1x128xf32> to vector<32x128xf32>
    %slice3A_8 = vector.extract_strided_slice %get3A_3 {offsets = [1, 0, 1, 0], sizes = [1, 32, 1, 128], strides = [1, 1, 1, 1]} : vector<3x32x2x128xf32> to vector<1x32x1x128xf32>
    %squeeze3A_9 = vector.shape_cast %slice3A_8 : vector<1x32x1x128xf32> to vector<32x128xf32>
    %concatenate3A_10 = tpu.concatenate %squeeze3A_7, %squeeze3A_9 in 1 : vector<32x128xf32>, vector<32x128xf32> -> vector<32x256xf32>
    %slice3A_11 = vector.extract_strided_slice %get3A_3 {offsets = [2, 0, 0, 0], sizes = [1, 32, 1, 128], strides = [1, 1, 1, 1]} : vector<3x32x2x128xf32> to vector<1x32x1x128xf32>
    %squeeze3A_12 = vector.shape_cast %slice3A_11 : vector<1x32x1x128xf32> to vector<32x128xf32>
    %slice3A_13 = vector.extract_strided_slice %get3A_3 {offsets = [2, 0, 1, 0], sizes = [1, 32, 1, 128], strides = [1, 1, 1, 1]} : vector<3x32x2x128xf32> to vector<1x32x1x128xf32>
    %squeeze3A_14 = vector.shape_cast %slice3A_13 : vector<1x32x1x128xf32> to vector<32x128xf32>
    %concatenate3A_15 = tpu.concatenate %squeeze3A_12, %squeeze3A_14 in 1 : vector<32x128xf32>, vector<32x128xf32> -> vector<32x256xf32>
    %add3A = arith.addf %concatenate3A, %concatenate3A_10 : vector<32x256xf32>
    %add3A_16 = arith.addf %add3A, %concatenate3A_15 : vector<32x256xf32>
    %mul3A = arith.constant 0.333333343 : f32
    %mul3A_17 = vector.broadcast %mul3A : f32 to vector<32x256xf32>
    %mul3A_18 = arith.mulf %add3A_16, %mul3A_17 : vector<32x256xf32>
    %get3A_19 = arith.constant 0 : index
    %get3A_20 = arith.constant 0 : index
    %get3A_21 = vector.load %arg2[%get3A_19, %get3A_20] : memref<32x256xf32, #tpu.memory_space<vmem>>, vector<32x256xf32>
    %sub3A = arith.subf %concatenate3A, %mul3A_18 : vector<32x256xf32>
    %square3A = arith.mulf %sub3A, %sub3A : vector<32x256xf32>
    %sub3A_22 = arith.subf %concatenate3A_10, %mul3A_18 : vector<32x256xf32>
    %square3A_23 = arith.mulf %sub3A_22, %sub3A_22 : vector<32x256xf32>
    %add3A_24 = arith.addf %square3A, %square3A_23 : vector<32x256xf32>
    %sub3A_25 = arith.subf %concatenate3A_15, %mul3A_18 : vector<32x256xf32>
    %square3A_26 = arith.mulf %sub3A_25, %sub3A_25 : vector<32x256xf32>
    %add3A_27 = arith.addf %add3A_24, %square3A_26 : vector<32x256xf32>
    %mul3A_28 = arith.mulf %add3A_27, %get3A_21 : vector<32x256xf32>
    %broadcast_in_dim3A = arith.constant 1.000000e+00 : f32
    %broadcast_in_dim3A_29 = vector.broadcast %broadcast_in_dim3A : f32 to vector<1x256xf32>
    %reduce_sum3A = arith.constant dense<0.000000e+00> : vector<32xf32>
    %reduce_sum3A_30 = vector.multi_reduction <add>, %get3A_21, %reduce_sum3A [1] : vector<32x256xf32> to vector<32xf32>
    %broadcast_in_dim3A_31 = vector.shape_cast %reduce_sum3A_30 : vector<32xf32> to vector<32x1xf32>
    %add3A_32 = arith.constant 9.99999974E-5 : f32
    %add3A_33 = vector.broadcast %add3A_32 : f32 to vector<32x1xf32>
    %add3A_34 = arith.addf %broadcast_in_dim3A_31, %add3A_33 : vector<32x1xf32>
    %div3A = arith.constant 1.000000e+00 : f32
    %div3A_35 = vector.broadcast %div3A : f32 to vector<32x1xf32>
    %div3A_36 = arith.divf %div3A_35, %add3A_34 : vector<32x1xf32>
    %reduce_sum3A_37 = arith.constant dense<0.000000e+00> : vector<32xf32>
    %reduce_sum3A_38 = vector.multi_reduction <add>, %mul3A_28, %reduce_sum3A_37 [1] : vector<32x256xf32> to vector<32xf32>
    %broadcast_in_dim3A_39 = vector.shape_cast %reduce_sum3A_38 : vector<32xf32> to vector<32x1xf32>
    %mul3A_40 = arith.mulf %broadcast_in_dim3A_39, %div3A_36 : vector<32x1xf32>
    %reduce_sum3A_41 = vector.shape_cast %mul3A_40 : vector<32x1xf32> to vector<1x32x1xf32>
    %reduce_sum3A_42 = arith.constant dense<0.000000e+00> : vector<1xf32>
    %reduce_sum3A_43 = vector.multi_reduction <add>, %reduce_sum3A_41, %reduce_sum3A_42 [1, 2] : vector<1x32x1xf32> to vector<1xf32>
    %reduce_sum3A_44 = vector.shape_cast %reduce_sum3A_43 : vector<1xf32> to vector<1x1x1xf32>
    %reduce_sum3A_45 = vector.extract %reduce_sum3A_44[0, 0, 0] : f32 from vector<1x1x1xf32>
    %iota3A = tpu.iota {dimensions = array<i32: 1>} : vector<1x256xi32>
    %convert_element_type3A = arith.sitofp %iota3A : vector<1x256xi32> to vector<1x256xf32>
    %mul3A_46 = arith.constant 6.400000e+01 : f32
    %mul3A_47 = vector.broadcast %mul3A_46 : f32 to vector<1x256xf32>
    %mul3A_48 = arith.mulf %convert_element_type3A, %mul3A_47 : vector<1x256xf32>
    %add3A_49 = arith.constant 1.000000e+07 : f32
    %add3A_50 = vector.broadcast %add3A_49 : f32 to vector<1x256xf32>
    %add3A_51 = arith.addf %mul3A_48, %add3A_50 : vector<1x256xf32>
    %gt3A = arith.constant 0.000000e+00 : f32
    %gt3A_52 = vector.broadcast %gt3A : f32 to vector<32x256xf32>
    %gt3A_53 = arith.cmpf ogt, %get3A_21, %gt3A_52 : vector<32x256xf32>
    %broadcast_in_dim3A_54 = vector.shape_cast %add3A_51 : vector<1x256xf32> to vector<1x256xf32>
    %broadcast_in_dim3A_55 = vector.broadcast %broadcast_in_dim3A_54 : vector<1x256xf32> to vector<32x256xf32>
    %select_n3A = arith.select %gt3A_53, %mul3A_18, %broadcast_in_dim3A_55 : vector<32x256xi1>, vector<32x256xf32>
    %gt3A_56 = arith.constant 0.000000e+00 : f32
    %gt3A_57 = vector.broadcast %gt3A_56 : f32 to vector<32x256xf32>
    %gt3A_58 = arith.cmpf ogt, %get3A_21, %gt3A_57 : vector<32x256xf32>
    %add3A_59 = arith.constant 1.600000e+01 : f32
    %add3A_60 = vector.broadcast %add3A_59 : f32 to vector<1x256xf32>
    %add3A_61 = arith.addf %add3A_51, %add3A_60 : vector<1x256xf32>
    %broadcast_in_dim3A_62 = vector.shape_cast %add3A_61 : vector<1x256xf32> to vector<1x256xf32>
    %broadcast_in_dim3A_63 = vector.broadcast %broadcast_in_dim3A_62 : vector<1x256xf32> to vector<32x256xf32>
    %select_n3A_64 = arith.select %gt3A_58, %mul3A_18, %broadcast_in_dim3A_63 : vector<32x256xi1>, vector<32x256xf32>
    %broadcast_in_dim3A_65 = arith.constant 0.000000e+00 : f32
    %broadcast_in_dim3A_66 = vector.broadcast %broadcast_in_dim3A_65 : f32 to vector<256x256xf32>
    %slice3A_67 = vector.extract_strided_slice %broadcast_in_dim3A_31 {offsets = [0, 0], sizes = [1, 1], strides = [1, 1]} : vector<32x1xf32> to vector<1x1xf32>
    %squeeze3A_68 = vector.extract %slice3A_67[0, 0] : f32 from vector<1x1xf32>
    %sub3A_69 = arith.constant 1.000000e+00 : f32
    %sub3A_70 = arith.subf %squeeze3A_68, %sub3A_69 : f32
    %mul3A_71 = arith.mulf %sub3A_70, %squeeze3A_68 : f32
    %add3A_72 = arith.constant 9.99999974E-5 : f32
    %add3A_73 = arith.addf %mul3A_71, %add3A_72 : f32
    %div3A_74 = arith.constant 1.000000e+00 : f32
    %div3A_75 = arith.divf %div3A_74, %add3A_73 : f32
    %slice3A_76 = vector.extract_strided_slice %select_n3A {offsets = [0, 0], sizes = [1, 256], strides = [1, 1]} : vector<32x256xf32> to vector<1x256xf32>
    %slice3A_77 = vector.extract_strided_slice %select_n3A_64 {offsets = [0, 0], sizes = [1, 256], strides = [1, 1]} : vector<32x256xf32> to vector<1x256xf32>
    %dot_general3A = arith.constant dense<0.000000e+00> : vector<256x256xf32>
    %dot_general3A_78 = tpu.matmul %slice3A_77, %broadcast_in_dim3A_29, %dot_general3A {dimension_numbers = #tpu.dot_dimension_numbers<[0], [0], [1], [1], [0, 1, 1, 1], [], []>, transpose_lhs_hint = false} : vector<1x256xf32>, vector<1x256xf32>, vector<256x256xf32> -> vector<256x256xf32>
    %sub3A_79 = vector.broadcast %slice3A_76 : vector<1x256xf32> to vector<256x256xf32>
    %sub3A_80 = arith.subf %sub3A_79, %dot_general3A_78 : vector<256x256xf32>
    %abs3A = math.absf %sub3A_80 : vector<256x256xf32>
    %sub3A_81 = arith.constant 1.000000e+00 : f32
    %sub3A_82 = vector.broadcast %sub3A_81 : f32 to vector<256x256xf32>
    %sub3A_83 = arith.subf %sub3A_82, %abs3A : vector<256x256xf32>
    %max3A = arith.constant 0.000000e+00 : f32
    %max3A_84 = vector.broadcast %max3A : f32 to vector<256x256xf32>
    %max3A_85 = arith.maximumf %sub3A_83, %max3A_84 : vector<256x256xf32>
    %mul3A_86 = vector.broadcast %div3A_75 : f32 to vector<256x256xf32>
    %mul3A_87 = arith.mulf %max3A_85, %mul3A_86 : vector<256x256xf32>
    %add3A_88 = arith.addf %broadcast_in_dim3A_66, %mul3A_87 : vector<256x256xf32>
    %neg3A = arith.constant 0.000000e+00 : f32
    %neg3A_89 = arith.subf %neg3A, %squeeze3A_68 : f32
    %mul3A_90 = arith.mulf %neg3A_89, %squeeze3A_68 : f32
    %slice3A_91 = vector.extract_strided_slice %div3A_36 {offsets = [0, 0], sizes = [1, 1], strides = [1, 1]} : vector<32x1xf32> to vector<1x1xf32>
    %squeeze3A_92 = vector.extract %slice3A_91[0, 0] : f32 from vector<1x1xf32>
    %mul3A_93 = arith.mulf %mul3A_90, %squeeze3A_92 : f32
    %mul3A_94 = arith.mulf %mul3A_93, %div3A_75 : f32
    %add3A_95 = arith.constant 0.000000e+00 : f32
    %add3A_96 = arith.addf %add3A_95, %mul3A_94 : f32
    %slice3A_97 = vector.extract_strided_slice %broadcast_in_dim3A_31 {offsets = [1, 0], sizes = [1, 1], strides = [1, 1]} : vector<32x1xf32> to vector<1x1xf32>
    %squeeze3A_98 = vector.extract %slice3A_97[0, 0] : f32 from vector<1x1xf32>
    %sub3A_99 = arith.constant 1.000000e+00 : f32
    %sub3A_100 = arith.subf %squeeze3A_98, %sub3A_99 : f32
    %mul3A_101 = arith.mulf %sub3A_100, %squeeze3A_98 : f32
    %add3A_102 = arith.constant 9.99999974E-5 : f32
    %add3A_103 = arith.addf %mul3A_101, %add3A_102 : f32
    %div3A_104 = arith.constant 1.000000e+00 : f32
    %div3A_105 = arith.divf %div3A_104, %add3A_103 : f32
    %slice3A_106 = vector.extract_strided_slice %select_n3A {offsets = [1, 0], sizes = [1, 256], strides = [1, 1]} : vector<32x256xf32> to vector<1x256xf32>
    %slice3A_107 = vector.extract_strided_slice %select_n3A_64 {offsets = [1, 0], sizes = [1, 256], strides = [1, 1]} : vector<32x256xf32> to vector<1x256xf32>
    %dot_general3A_108 = arith.constant dense<0.000000e+00> : vector<256x256xf32>
    %dot_general3A_109 = tpu.matmul %slice3A_107, %broadcast_in_dim3A_29, %dot_general3A_108 {dimension_numbers = #tpu.dot_dimension_numbers<[0], [0], [1], [1], [0, 1, 1, 1], [], []>, transpose_lhs_hint = false} : vector<1x256xf32>, vector<1x256xf32>, vector<256x256xf32> -> vector<256x256xf32>
    %sub3A_110 = vector.broadcast %slice3A_106 : vector<1x256xf32> to vector<256x256xf32>
    %sub3A_111 = arith.subf %sub3A_110, %dot_general3A_109 : vector<256x256xf32>
    %abs3A_112 = math.absf %sub3A_111 : vector<256x256xf32>
    %sub3A_113 = arith.constant 1.000000e+00 : f32
    %sub3A_114 = vector.broadcast %sub3A_113 : f32 to vector<256x256xf32>
    %sub3A_115 = arith.subf %sub3A_114, %abs3A_112 : vector<256x256xf32>
    %max3A_116 = arith.constant 0.000000e+00 : f32
    %max3A_117 = vector.broadcast %max3A_116 : f32 to vector<256x256xf32>
    %max3A_118 = arith.maximumf %sub3A_115, %max3A_117 : vector<256x256xf32>
    %mul3A_119 = vector.broadcast %div3A_105 : f32 to vector<256x256xf32>
    %mul3A_120 = arith.mulf %max3A_118, %mul3A_119 : vector<256x256xf32>
    %add3A_121 = arith.addf %add3A_88, %mul3A_120 : vector<256x256xf32>
    %neg3A_122 = arith.constant 0.000000e+00 : f32
    %neg3A_123 = arith.subf %neg3A_122, %squeeze3A_98 : f32
    %mul3A_124 = arith.mulf %neg3A_123, %squeeze3A_98 : f32
    %slice3A_125 = vector.extract_strided_slice %div3A_36 {offsets = [1, 0], sizes = [1, 1], strides = [1, 1]} : vector<32x1xf32> to vector<1x1xf32>
    %squeeze3A_126 = vector.extract %slice3A_125[0, 0] : f32 from vector<1x1xf32>
    %mul3A_127 = arith.mulf %mul3A_124, %squeeze3A_126 : f32
    %mul3A_128 = arith.mulf %mul3A_127, %div3A_105 : f32
    %add3A_129 = arith.addf %add3A_96, %mul3A_128 : f32
    %slice3A_130 = vector.extract_strided_slice %broadcast_in_dim3A_31 {offsets = [2, 0], sizes = [1, 1], strides = [1, 1]} : vector<32x1xf32> to vector<1x1xf32>
    %squeeze3A_131 = vector.extract %slice3A_130[0, 0] : f32 from vector<1x1xf32>
    %sub3A_132 = arith.constant 1.000000e+00 : f32
    %sub3A_133 = arith.subf %squeeze3A_131, %sub3A_132 : f32
    %mul3A_134 = arith.mulf %sub3A_133, %squeeze3A_131 : f32
    %add3A_135 = arith.constant 9.99999974E-5 : f32
    %add3A_136 = arith.addf %mul3A_134, %add3A_135 : f32
    %div3A_137 = arith.constant 1.000000e+00 : f32
    %div3A_138 = arith.divf %div3A_137, %add3A_136 : f32
    %slice3A_139 = vector.extract_strided_slice %select_n3A {offsets = [2, 0], sizes = [1, 256], strides = [1, 1]} : vector<32x256xf32> to vector<1x256xf32>
    %slice3A_140 = vector.extract_strided_slice %select_n3A_64 {offsets = [2, 0], sizes = [1, 256], strides = [1, 1]} : vector<32x256xf32> to vector<1x256xf32>
    %dot_general3A_141 = arith.constant dense<0.000000e+00> : vector<256x256xf32>
    %dot_general3A_142 = tpu.matmul %slice3A_140, %broadcast_in_dim3A_29, %dot_general3A_141 {dimension_numbers = #tpu.dot_dimension_numbers<[0], [0], [1], [1], [0, 1, 1, 1], [], []>, transpose_lhs_hint = false} : vector<1x256xf32>, vector<1x256xf32>, vector<256x256xf32> -> vector<256x256xf32>
    %sub3A_143 = vector.broadcast %slice3A_139 : vector<1x256xf32> to vector<256x256xf32>
    %sub3A_144 = arith.subf %sub3A_143, %dot_general3A_142 : vector<256x256xf32>
    %abs3A_145 = math.absf %sub3A_144 : vector<256x256xf32>
    %sub3A_146 = arith.constant 1.000000e+00 : f32
    %sub3A_147 = vector.broadcast %sub3A_146 : f32 to vector<256x256xf32>
    %sub3A_148 = arith.subf %sub3A_147, %abs3A_145 : vector<256x256xf32>
    %max3A_149 = arith.constant 0.000000e+00 : f32
    %max3A_150 = vector.broadcast %max3A_149 : f32 to vector<256x256xf32>
    %max3A_151 = arith.maximumf %sub3A_148, %max3A_150 : vector<256x256xf32>
    %mul3A_152 = vector.broadcast %div3A_138 : f32 to vector<256x256xf32>
    %mul3A_153 = arith.mulf %max3A_151, %mul3A_152 : vector<256x256xf32>
    %add3A_154 = arith.addf %add3A_121, %mul3A_153 : vector<256x256xf32>
    %neg3A_155 = arith.constant 0.000000e+00 : f32
    %neg3A_156 = arith.subf %neg3A_155, %squeeze3A_131 : f32
    %mul3A_157 = arith.mulf %neg3A_156, %squeeze3A_131 : f32
    %slice3A_158 = vector.extract_strided_slice %div3A_36 {offsets = [2, 0], sizes = [1, 1], strides = [1, 1]} : vector<32x1xf32> to vector<1x1xf32>
    %squeeze3A_159 = vector.extract %slice3A_158[0, 0] : f32 from vector<1x1xf32>
    %mul3A_160 = arith.mulf %mul3A_157, %squeeze3A_159 : f32
    %mul3A_161 = arith.mulf %mul3A_160, %div3A_138 : f32
    %add3A_162 = arith.addf %add3A_129, %mul3A_161 : f32
    %slice3A_163 = vector.extract_strided_slice %broadcast_in_dim3A_31 {offsets = [3, 0], sizes = [1, 1], strides = [1, 1]} : vector<32x1xf32> to vector<1x1xf32>
    %squeeze3A_164 = vector.extract %slice3A_163[0, 0] : f32 from vector<1x1xf32>
    %sub3A_165 = arith.constant 1.000000e+00 : f32
    %sub3A_166 = arith.subf %squeeze3A_164, %sub3A_165 : f32
    %mul3A_167 = arith.mulf %sub3A_166, %squeeze3A_164 : f32
    %add3A_168 = arith.constant 9.99999974E-5 : f32
    %add3A_169 = arith.addf %mul3A_167, %add3A_168 : f32
    %div3A_170 = arith.constant 1.000000e+00 : f32
    %div3A_171 = arith.divf %div3A_170, %add3A_169 : f32
    %slice3A_172 = vector.extract_strided_slice %select_n3A {offsets = [3, 0], sizes = [1, 256], strides = [1, 1]} : vector<32x256xf32> to vector<1x256xf32>
    %slice3A_173 = vector.extract_strided_slice %select_n3A_64 {offsets = [3, 0], sizes = [1, 256], strides = [1, 1]} : vector<32x256xf32> to vector<1x256xf32>
    %dot_general3A_174 = arith.constant dense<0.000000e+00> : vector<256x256xf32>
    %dot_general3A_175 = tpu.matmul %slice3A_173, %broadcast_in_dim3A_29, %dot_general3A_174 {dimension_numbers = #tpu.dot_dimension_numbers<[0], [0], [1], [1], [0, 1, 1, 1], [], []>, transpose_lhs_hint = false} : vector<1x256xf32>, vector<1x256xf32>, vector<256x256xf32> -> vector<256x256xf32>
    %sub3A_176 = vector.broadcast %slice3A_172 : vector<1x256xf32> to vector<256x256xf32>
    %sub3A_177 = arith.subf %sub3A_176, %dot_general3A_175 : vector<256x256xf32>
    %abs3A_178 = math.absf %sub3A_177 : vector<256x256xf32>
    %sub3A_179 = arith.constant 1.000000e+00 : f32
    %sub3A_180 = vector.broadcast %sub3A_179 : f32 to vector<256x256xf32>
    %sub3A_181 = arith.subf %sub3A_180, %abs3A_178 : vector<256x256xf32>
    %max3A_182 = arith.constant 0.000000e+00 : f32
    %max3A_183 = vector.broadcast %max3A_182 : f32 to vector<256x256xf32>
    %max3A_184 = arith.maximumf %sub3A_181, %max3A_183 : vector<256x256xf32>
    %mul3A_185 = vector.broadcast %div3A_171 : f32 to vector<256x256xf32>
    %mul3A_186 = arith.mulf %max3A_184, %mul3A_185 : vector<256x256xf32>
    %add3A_187 = arith.addf %add3A_154, %mul3A_186 : vector<256x256xf32>
    %neg3A_188 = arith.constant 0.000000e+00 : f32
    %neg3A_189 = arith.subf %neg3A_188, %squeeze3A_164 : f32
    %mul3A_190 = arith.mulf %neg3A_189, %squeeze3A_164 : f32
    %slice3A_191 = vector.extract_strided_slice %div3A_36 {offsets = [3, 0], sizes = [1, 1], strides = [1, 1]} : vector<32x1xf32> to vector<1x1xf32>
    %squeeze3A_192 = vector.extract %slice3A_191[0, 0] : f32 from vector<1x1xf32>
    %mul3A_193 = arith.mulf %mul3A_190, %squeeze3A_192 : f32
    %mul3A_194 = arith.mulf %mul3A_193, %div3A_171 : f32
    %add3A_195 = arith.addf %add3A_162, %mul3A_194 : f32
    %slice3A_196 = vector.extract_strided_slice %broadcast_in_dim3A_31 {offsets = [4, 0], sizes = [1, 1], strides = [1, 1]} : vector<32x1xf32> to vector<1x1xf32>
    %squeeze3A_197 = vector.extract %slice3A_196[0, 0] : f32 from vector<1x1xf32>
    %sub3A_198 = arith.constant 1.000000e+00 : f32
    %sub3A_199 = arith.subf %squeeze3A_197, %sub3A_198 : f32
    %mul3A_200 = arith.mulf %sub3A_199, %squeeze3A_197 : f32
    %add3A_201 = arith.constant 9.99999974E-5 : f32
    %add3A_202 = arith.addf %mul3A_200, %add3A_201 : f32
    %div3A_203 = arith.constant 1.000000e+00 : f32
    %div3A_204 = arith.divf %div3A_203, %add3A_202 : f32
    %slice3A_205 = vector.extract_strided_slice %select_n3A {offsets = [4, 0], sizes = [1, 256], strides = [1, 1]} : vector<32x256xf32> to vector<1x256xf32>
    %slice3A_206 = vector.extract_strided_slice %select_n3A_64 {offsets = [4, 0], sizes = [1, 256], strides = [1, 1]} : vector<32x256xf32> to vector<1x256xf32>
    %dot_general3A_207 = arith.constant dense<0.000000e+00> : vector<256x256xf32>
    %dot_general3A_208 = tpu.matmul %slice3A_206, %broadcast_in_dim3A_29, %dot_general3A_207 {dimension_numbers = #tpu.dot_dimension_numbers<[0], [0], [1], [1], [0, 1, 1, 1], [], []>, transpose_lhs_hint = false} : vector<1x256xf32>, vector<1x256xf32>, vector<256x256xf32> -> vector<256x256xf32>
    %sub3A_209 = vector.broadcast %slice3A_205 : vector<1x256xf32> to vector<256x256xf32>
    %sub3A_210 = arith.subf %sub3A_209, %dot_general3A_208 : vector<256x256xf32>
    %abs3A_211 = math.absf %sub3A_210 : vector<256x256xf32>
    %sub3A_212 = arith.constant 1.000000e+00 : f32
    %sub3A_213 = vector.broadcast %sub3A_212 : f32 to vector<256x256xf32>
    %sub3A_214 = arith.subf %sub3A_213, %abs3A_211 : vector<256x256xf32>
    %max3A_215 = arith.constant 0.000000e+00 : f32
    %max3A_216 = vector.broadcast %max3A_215 : f32 to vector<256x256xf32>
    %max3A_217 = arith.maximumf %sub3A_214, %max3A_216 : vector<256x256xf32>
    %mul3A_218 = vector.broadcast %div3A_204 : f32 to vector<256x256xf32>
    %mul3A_219 = arith.mulf %max3A_217, %mul3A_218 : vector<256x256xf32>
    %add3A_220 = arith.addf %add3A_187, %mul3A_219 : vector<256x256xf32>
    %neg3A_221 = arith.constant 0.000000e+00 : f32
    %neg3A_222 = arith.subf %neg3A_221, %squeeze3A_197 : f32
    %mul3A_223 = arith.mulf %neg3A_222, %squeeze3A_197 : f32
    %slice3A_224 = vector.extract_strided_slice %div3A_36 {offsets = [4, 0], sizes = [1, 1], strides = [1, 1]} : vector<32x1xf32> to vector<1x1xf32>
    %squeeze3A_225 = vector.extract %slice3A_224[0, 0] : f32 from vector<1x1xf32>
    %mul3A_226 = arith.mulf %mul3A_223, %squeeze3A_225 : f32
    %mul3A_227 = arith.mulf %mul3A_226, %div3A_204 : f32
    %add3A_228 = arith.addf %add3A_195, %mul3A_227 : f32
    %slice3A_229 = vector.extract_strided_slice %broadcast_in_dim3A_31 {offsets = [5, 0], sizes = [1, 1], strides = [1, 1]} : vector<32x1xf32> to vector<1x1xf32>
    %squeeze3A_230 = vector.extract %slice3A_229[0, 0] : f32 from vector<1x1xf32>
    %sub3A_231 = arith.constant 1.000000e+00 : f32
    %sub3A_232 = arith.subf %squeeze3A_230, %sub3A_231 : f32
    %mul3A_233 = arith.mulf %sub3A_232, %squeeze3A_230 : f32
    %add3A_234 = arith.constant 9.99999974E-5 : f32
    %add3A_235 = arith.addf %mul3A_233, %add3A_234 : f32
    %div3A_236 = arith.constant 1.000000e+00 : f32
    %div3A_237 = arith.divf %div3A_236, %add3A_235 : f32
    %slice3A_238 = vector.extract_strided_slice %select_n3A {offsets = [5, 0], sizes = [1, 256], strides = [1, 1]} : vector<32x256xf32> to vector<1x256xf32>
    %slice3A_239 = vector.extract_strided_slice %select_n3A_64 {offsets = [5, 0], sizes = [1, 256], strides = [1, 1]} : vector<32x256xf32> to vector<1x256xf32>
    %dot_general3A_240 = arith.constant dense<0.000000e+00> : vector<256x256xf32>
    %dot_general3A_241 = tpu.matmul %slice3A_239, %broadcast_in_dim3A_29, %dot_general3A_240 {dimension_numbers = #tpu.dot_dimension_numbers<[0], [0], [1], [1], [0, 1, 1, 1], [], []>, transpose_lhs_hint = false} : vector<1x256xf32>, vector<1x256xf32>, vector<256x256xf32> -> vector<256x256xf32>
    %sub3A_242 = vector.broadcast %slice3A_238 : vector<1x256xf32> to vector<256x256xf32>
    %sub3A_243 = arith.subf %sub3A_242, %dot_general3A_241 : vector<256x256xf32>
    %abs3A_244 = math.absf %sub3A_243 : vector<256x256xf32>
    %sub3A_245 = arith.constant 1.000000e+00 : f32
    %sub3A_246 = vector.broadcast %sub3A_245 : f32 to vector<256x256xf32>
    %sub3A_247 = arith.subf %sub3A_246, %abs3A_244 : vector<256x256xf32>
    %max3A_248 = arith.constant 0.000000e+00 : f32
    %max3A_249 = vector.broadcast %max3A_248 : f32 to vector<256x256xf32>
    %max3A_250 = arith.maximumf %sub3A_247, %max3A_249 : vector<256x256xf32>
    %mul3A_251 = vector.broadcast %div3A_237 : f32 to vector<256x256xf32>
    %mul3A_252 = arith.mulf %max3A_250, %mul3A_251 : vector<256x256xf32>
    %add3A_253 = arith.addf %add3A_220, %mul3A_252 : vector<256x256xf32>
    %neg3A_254 = arith.constant 0.000000e+00 : f32
    %neg3A_255 = arith.subf %neg3A_254, %squeeze3A_230 : f32
    %mul3A_256 = arith.mulf %neg3A_255, %squeeze3A_230 : f32
    %slice3A_257 = vector.extract_strided_slice %div3A_36 {offsets = [5, 0], sizes = [1, 1], strides = [1, 1]} : vector<32x1xf32> to vector<1x1xf32>
    %squeeze3A_258 = vector.extract %slice3A_257[0, 0] : f32 from vector<1x1xf32>
    %mul3A_259 = arith.mulf %mul3A_256, %squeeze3A_258 : f32
    %mul3A_260 = arith.mulf %mul3A_259, %div3A_237 : f32
    %add3A_261 = arith.addf %add3A_228, %mul3A_260 : f32
    %slice3A_262 = vector.extract_strided_slice %broadcast_in_dim3A_31 {offsets = [6, 0], sizes = [1, 1], strides = [1, 1]} : vector<32x1xf32> to vector<1x1xf32>
    %squeeze3A_263 = vector.extract %slice3A_262[0, 0] : f32 from vector<1x1xf32>
    %sub3A_264 = arith.constant 1.000000e+00 : f32
    %sub3A_265 = arith.subf %squeeze3A_263, %sub3A_264 : f32
    %mul3A_266 = arith.mulf %sub3A_265, %squeeze3A_263 : f32
    %add3A_267 = arith.constant 9.99999974E-5 : f32
    %add3A_268 = arith.addf %mul3A_266, %add3A_267 : f32
    %div3A_269 = arith.constant 1.000000e+00 : f32
    %div3A_270 = arith.divf %div3A_269, %add3A_268 : f32
    %slice3A_271 = vector.extract_strided_slice %select_n3A {offsets = [6, 0], sizes = [1, 256], strides = [1, 1]} : vector<32x256xf32> to vector<1x256xf32>
    %slice3A_272 = vector.extract_strided_slice %select_n3A_64 {offsets = [6, 0], sizes = [1, 256], strides = [1, 1]} : vector<32x256xf32> to vector<1x256xf32>
    %dot_general3A_273 = arith.constant dense<0.000000e+00> : vector<256x256xf32>
    %dot_general3A_274 = tpu.matmul %slice3A_272, %broadcast_in_dim3A_29, %dot_general3A_273 {dimension_numbers = #tpu.dot_dimension_numbers<[0], [0], [1], [1], [0, 1, 1, 1], [], []>, transpose_lhs_hint = false} : vector<1x256xf32>, vector<1x256xf32>, vector<256x256xf32> -> vector<256x256xf32>
    %sub3A_275 = vector.broadcast %slice3A_271 : vector<1x256xf32> to vector<256x256xf32>
    %sub3A_276 = arith.subf %sub3A_275, %dot_general3A_274 : vector<256x256xf32>
    %abs3A_277 = math.absf %sub3A_276 : vector<256x256xf32>
    %sub3A_278 = arith.constant 1.000000e+00 : f32
    %sub3A_279 = vector.broadcast %sub3A_278 : f32 to vector<256x256xf32>
    %sub3A_280 = arith.subf %sub3A_279, %abs3A_277 : vector<256x256xf32>
    %max3A_281 = arith.constant 0.000000e+00 : f32
    %max3A_282 = vector.broadcast %max3A_281 : f32 to vector<256x256xf32>
    %max3A_283 = arith.maximumf %sub3A_280, %max3A_282 : vector<256x256xf32>
    %mul3A_284 = vector.broadcast %div3A_270 : f32 to vector<256x256xf32>
    %mul3A_285 = arith.mulf %max3A_283, %mul3A_284 : vector<256x256xf32>
    %add3A_286 = arith.addf %add3A_253, %mul3A_285 : vector<256x256xf32>
    %neg3A_287 = arith.constant 0.000000e+00 : f32
    %neg3A_288 = arith.subf %neg3A_287, %squeeze3A_263 : f32
    %mul3A_289 = arith.mulf %neg3A_288, %squeeze3A_263 : f32
    %slice3A_290 = vector.extract_strided_slice %div3A_36 {offsets = [6, 0], sizes = [1, 1], strides = [1, 1]} : vector<32x1xf32> to vector<1x1xf32>
    %squeeze3A_291 = vector.extract %slice3A_290[0, 0] : f32 from vector<1x1xf32>
    %mul3A_292 = arith.mulf %mul3A_289, %squeeze3A_291 : f32
    %mul3A_293 = arith.mulf %mul3A_292, %div3A_270 : f32
    %add3A_294 = arith.addf %add3A_261, %mul3A_293 : f32
    %slice3A_295 = vector.extract_strided_slice %broadcast_in_dim3A_31 {offsets = [7, 0], sizes = [1, 1], strides = [1, 1]} : vector<32x1xf32> to vector<1x1xf32>
    %squeeze3A_296 = vector.extract %slice3A_295[0, 0] : f32 from vector<1x1xf32>
    %sub3A_297 = arith.constant 1.000000e+00 : f32
    %sub3A_298 = arith.subf %squeeze3A_296, %sub3A_297 : f32
    %mul3A_299 = arith.mulf %sub3A_298, %squeeze3A_296 : f32
    %add3A_300 = arith.constant 9.99999974E-5 : f32
    %add3A_301 = arith.addf %mul3A_299, %add3A_300 : f32
    %div3A_302 = arith.constant 1.000000e+00 : f32
    %div3A_303 = arith.divf %div3A_302, %add3A_301 : f32
    %slice3A_304 = vector.extract_strided_slice %select_n3A {offsets = [7, 0], sizes = [1, 256], strides = [1, 1]} : vector<32x256xf32> to vector<1x256xf32>
    %slice3A_305 = vector.extract_strided_slice %select_n3A_64 {offsets = [7, 0], sizes = [1, 256], strides = [1, 1]} : vector<32x256xf32> to vector<1x256xf32>
    %dot_general3A_306 = arith.constant dense<0.000000e+00> : vector<256x256xf32>
    %dot_general3A_307 = tpu.matmul %slice3A_305, %broadcast_in_dim3A_29, %dot_general3A_306 {dimension_numbers = #tpu.dot_dimension_numbers<[0], [0], [1], [1], [0, 1, 1, 1], [], []>, transpose_lhs_hint = false} : vector<1x256xf32>, vector<1x256xf32>, vector<256x256xf32> -> vector<256x256xf32>
    %sub3A_308 = vector.broadcast %slice3A_304 : vector<1x256xf32> to vector<256x256xf32>
    %sub3A_309 = arith.subf %sub3A_308, %dot_general3A_307 : vector<256x256xf32>
    %abs3A_310 = math.absf %sub3A_309 : vector<256x256xf32>
    %sub3A_311 = arith.constant 1.000000e+00 : f32
    %sub3A_312 = vector.broadcast %sub3A_311 : f32 to vector<256x256xf32>
    %sub3A_313 = arith.subf %sub3A_312, %abs3A_310 : vector<256x256xf32>
    %max3A_314 = arith.constant 0.000000e+00 : f32
    %max3A_315 = vector.broadcast %max3A_314 : f32 to vector<256x256xf32>
    %max3A_316 = arith.maximumf %sub3A_313, %max3A_315 : vector<256x256xf32>
    %mul3A_317 = vector.broadcast %div3A_303 : f32 to vector<256x256xf32>
    %mul3A_318 = arith.mulf %max3A_316, %mul3A_317 : vector<256x256xf32>
    %add3A_319 = arith.addf %add3A_286, %mul3A_318 : vector<256x256xf32>
    %neg3A_320 = arith.constant 0.000000e+00 : f32
    %neg3A_321 = arith.subf %neg3A_320, %squeeze3A_296 : f32
    %mul3A_322 = arith.mulf %neg3A_321, %squeeze3A_296 : f32
    %slice3A_323 = vector.extract_strided_slice %div3A_36 {offsets = [7, 0], sizes = [1, 1], strides = [1, 1]} : vector<32x1xf32> to vector<1x1xf32>
    %squeeze3A_324 = vector.extract %slice3A_323[0, 0] : f32 from vector<1x1xf32>
    %mul3A_325 = arith.mulf %mul3A_322, %squeeze3A_324 : f32
    %mul3A_326 = arith.mulf %mul3A_325, %div3A_303 : f32
    %add3A_327 = arith.addf %add3A_294, %mul3A_326 : f32
    %slice3A_328 = vector.extract_strided_slice %broadcast_in_dim3A_31 {offsets = [8, 0], sizes = [1, 1], strides = [1, 1]} : vector<32x1xf32> to vector<1x1xf32>
    %squeeze3A_329 = vector.extract %slice3A_328[0, 0] : f32 from vector<1x1xf32>
    %sub3A_330 = arith.constant 1.000000e+00 : f32
    %sub3A_331 = arith.subf %squeeze3A_329, %sub3A_330 : f32
    %mul3A_332 = arith.mulf %sub3A_331, %squeeze3A_329 : f32
    %add3A_333 = arith.constant 9.99999974E-5 : f32
    %add3A_334 = arith.addf %mul3A_332, %add3A_333 : f32
    %div3A_335 = arith.constant 1.000000e+00 : f32
    %div3A_336 = arith.divf %div3A_335, %add3A_334 : f32
    %slice3A_337 = vector.extract_strided_slice %select_n3A {offsets = [8, 0], sizes = [1, 256], strides = [1, 1]} : vector<32x256xf32> to vector<1x256xf32>
    %slice3A_338 = vector.extract_strided_slice %select_n3A_64 {offsets = [8, 0], sizes = [1, 256], strides = [1, 1]} : vector<32x256xf32> to vector<1x256xf32>
    %dot_general3A_339 = arith.constant dense<0.000000e+00> : vector<256x256xf32>
    %dot_general3A_340 = tpu.matmul %slice3A_338, %broadcast_in_dim3A_29, %dot_general3A_339 {dimension_numbers = #tpu.dot_dimension_numbers<[0], [0], [1], [1], [0, 1, 1, 1], [], []>, transpose_lhs_hint = false} : vector<1x256xf32>, vector<1x256xf32>, vector<256x256xf32> -> vector<256x256xf32>
    %sub3A_341 = vector.broadcast %slice3A_337 : vector<1x256xf32> to vector<256x256xf32>
    %sub3A_342 = arith.subf %sub3A_341, %dot_general3A_340 : vector<256x256xf32>
    %abs3A_343 = math.absf %sub3A_342 : vector<256x256xf32>
    %sub3A_344 = arith.constant 1.000000e+00 : f32
    %sub3A_345 = vector.broadcast %sub3A_344 : f32 to vector<256x256xf32>
    %sub3A_346 = arith.subf %sub3A_345, %abs3A_343 : vector<256x256xf32>
    %max3A_347 = arith.constant 0.000000e+00 : f32
    %max3A_348 = vector.broadcast %max3A_347 : f32 to vector<256x256xf32>
    %max3A_349 = arith.maximumf %sub3A_346, %max3A_348 : vector<256x256xf32>
    %mul3A_350 = vector.broadcast %div3A_336 : f32 to vector<256x256xf32>
    %mul3A_351 = arith.mulf %max3A_349, %mul3A_350 : vector<256x256xf32>
    %add3A_352 = arith.addf %add3A_319, %mul3A_351 : vector<256x256xf32>
    %neg3A_353 = arith.constant 0.000000e+00 : f32
    %neg3A_354 = arith.subf %neg3A_353, %squeeze3A_329 : f32
    %mul3A_355 = arith.mulf %neg3A_354, %squeeze3A_329 : f32
    %slice3A_356 = vector.extract_strided_slice %div3A_36 {offsets = [8, 0], sizes = [1, 1], strides = [1, 1]} : vector<32x1xf32> to vector<1x1xf32>
    %squeeze3A_357 = vector.extract %slice3A_356[0, 0] : f32 from vector<1x1xf32>
    %mul3A_358 = arith.mulf %mul3A_355, %squeeze3A_357 : f32
    %mul3A_359 = arith.mulf %mul3A_358, %div3A_336 : f32
    %add3A_360 = arith.addf %add3A_327, %mul3A_359 : f32
    %slice3A_361 = vector.extract_strided_slice %broadcast_in_dim3A_31 {offsets = [9, 0], sizes = [1, 1], strides = [1, 1]} : vector<32x1xf32> to vector<1x1xf32>
    %squeeze3A_362 = vector.extract %slice3A_361[0, 0] : f32 from vector<1x1xf32>
    %sub3A_363 = arith.constant 1.000000e+00 : f32
    %sub3A_364 = arith.subf %squeeze3A_362, %sub3A_363 : f32
    %mul3A_365 = arith.mulf %sub3A_364, %squeeze3A_362 : f32
    %add3A_366 = arith.constant 9.99999974E-5 : f32
    %add3A_367 = arith.addf %mul3A_365, %add3A_366 : f32
    %div3A_368 = arith.constant 1.000000e+00 : f32
    %div3A_369 = arith.divf %div3A_368, %add3A_367 : f32
    %slice3A_370 = vector.extract_strided_slice %select_n3A {offsets = [9, 0], sizes = [1, 256], strides = [1, 1]} : vector<32x256xf32> to vector<1x256xf32>
    %slice3A_371 = vector.extract_strided_slice %select_n3A_64 {offsets = [9, 0], sizes = [1, 256], strides = [1, 1]} : vector<32x256xf32> to vector<1x256xf32>
    %dot_general3A_372 = arith.constant dense<0.000000e+00> : vector<256x256xf32>
    %dot_general3A_373 = tpu.matmul %slice3A_371, %broadcast_in_dim3A_29, %dot_general3A_372 {dimension_numbers = #tpu.dot_dimension_numbers<[0], [0], [1], [1], [0, 1, 1, 1], [], []>, transpose_lhs_hint = false} : vector<1x256xf32>, vector<1x256xf32>, vector<256x256xf32> -> vector<256x256xf32>
    %sub3A_374 = vector.broadcast %slice3A_370 : vector<1x256xf32> to vector<256x256xf32>
    %sub3A_375 = arith.subf %sub3A_374, %dot_general3A_373 : vector<256x256xf32>
    %abs3A_376 = math.absf %sub3A_375 : vector<256x256xf32>
    %sub3A_377 = arith.constant 1.000000e+00 : f32
    %sub3A_378 = vector.broadcast %sub3A_377 : f32 to vector<256x256xf32>
    %sub3A_379 = arith.subf %sub3A_378, %abs3A_376 : vector<256x256xf32>
    %max3A_380 = arith.constant 0.000000e+00 : f32
    %max3A_381 = vector.broadcast %max3A_380 : f32 to vector<256x256xf32>
    %max3A_382 = arith.maximumf %sub3A_379, %max3A_381 : vector<256x256xf32>
    %mul3A_383 = vector.broadcast %div3A_369 : f32 to vector<256x256xf32>
    %mul3A_384 = arith.mulf %max3A_382, %mul3A_383 : vector<256x256xf32>
    %add3A_385 = arith.addf %add3A_352, %mul3A_384 : vector<256x256xf32>
    %neg3A_386 = arith.constant 0.000000e+00 : f32
    %neg3A_387 = arith.subf %neg3A_386, %squeeze3A_362 : f32
    %mul3A_388 = arith.mulf %neg3A_387, %squeeze3A_362 : f32
    %slice3A_389 = vector.extract_strided_slice %div3A_36 {offsets = [9, 0], sizes = [1, 1], strides = [1, 1]} : vector<32x1xf32> to vector<1x1xf32>
    %squeeze3A_390 = vector.extract %slice3A_389[0, 0] : f32 from vector<1x1xf32>
    %mul3A_391 = arith.mulf %mul3A_388, %squeeze3A_390 : f32
    %mul3A_392 = arith.mulf %mul3A_391, %div3A_369 : f32
    %add3A_393 = arith.addf %add3A_360, %mul3A_392 : f32
    %slice3A_394 = vector.extract_strided_slice %broadcast_in_dim3A_31 {offsets = [10, 0], sizes = [1, 1], strides = [1, 1]} : vector<32x1xf32> to vector<1x1xf32>
    %squeeze3A_395 = vector.extract %slice3A_394[0, 0] : f32 from vector<1x1xf32>
    %sub3A_396 = arith.constant 1.000000e+00 : f32
    %sub3A_397 = arith.subf %squeeze3A_395, %sub3A_396 : f32
    %mul3A_398 = arith.mulf %sub3A_397, %squeeze3A_395 : f32
    %add3A_399 = arith.constant 9.99999974E-5 : f32
    %add3A_400 = arith.addf %mul3A_398, %add3A_399 : f32
    %div3A_401 = arith.constant 1.000000e+00 : f32
    %div3A_402 = arith.divf %div3A_401, %add3A_400 : f32
    %slice3A_403 = vector.extract_strided_slice %select_n3A {offsets = [10, 0], sizes = [1, 256], strides = [1, 1]} : vector<32x256xf32> to vector<1x256xf32>
    %slice3A_404 = vector.extract_strided_slice %select_n3A_64 {offsets = [10, 0], sizes = [1, 256], strides = [1, 1]} : vector<32x256xf32> to vector<1x256xf32>
    %dot_general3A_405 = arith.constant dense<0.000000e+00> : vector<256x256xf32>
    %dot_general3A_406 = tpu.matmul %slice3A_404, %broadcast_in_dim3A_29, %dot_general3A_405 {dimension_numbers = #tpu.dot_dimension_numbers<[0], [0], [1], [1], [0, 1, 1, 1], [], []>, transpose_lhs_hint = false} : vector<1x256xf32>, vector<1x256xf32>, vector<256x256xf32> -> vector<256x256xf32>
    %sub3A_407 = vector.broadcast %slice3A_403 : vector<1x256xf32> to vector<256x256xf32>
    %sub3A_408 = arith.subf %sub3A_407, %dot_general3A_406 : vector<256x256xf32>
    %abs3A_409 = math.absf %sub3A_408 : vector<256x256xf32>
    %sub3A_410 = arith.constant 1.000000e+00 : f32
    %sub3A_411 = vector.broadcast %sub3A_410 : f32 to vector<256x256xf32>
    %sub3A_412 = arith.subf %sub3A_411, %abs3A_409 : vector<256x256xf32>
    %max3A_413 = arith.constant 0.000000e+00 : f32
    %max3A_414 = vector.broadcast %max3A_413 : f32 to vector<256x256xf32>
    %max3A_415 = arith.maximumf %sub3A_412, %max3A_414 : vector<256x256xf32>
    %mul3A_416 = vector.broadcast %div3A_402 : f32 to vector<256x256xf32>
    %mul3A_417 = arith.mulf %max3A_415, %mul3A_416 : vector<256x256xf32>
    %add3A_418 = arith.addf %add3A_385, %mul3A_417 : vector<256x256xf32>
    %neg3A_419 = arith.constant 0.000000e+00 : f32
    %neg3A_420 = arith.subf %neg3A_419, %squeeze3A_395 : f32
    %mul3A_421 = arith.mulf %neg3A_420, %squeeze3A_395 : f32
    %slice3A_422 = vector.extract_strided_slice %div3A_36 {offsets = [10, 0], sizes = [1, 1], strides = [1, 1]} : vector<32x1xf32> to vector<1x1xf32>
    %squeeze3A_423 = vector.extract %slice3A_422[0, 0] : f32 from vector<1x1xf32>
    %mul3A_424 = arith.mulf %mul3A_421, %squeeze3A_423 : f32
    %mul3A_425 = arith.mulf %mul3A_424, %div3A_402 : f32
    %add3A_426 = arith.addf %add3A_393, %mul3A_425 : f32
    %slice3A_427 = vector.extract_strided_slice %broadcast_in_dim3A_31 {offsets = [11, 0], sizes = [1, 1], strides = [1, 1]} : vector<32x1xf32> to vector<1x1xf32>
    %squeeze3A_428 = vector.extract %slice3A_427[0, 0] : f32 from vector<1x1xf32>
    %sub3A_429 = arith.constant 1.000000e+00 : f32
    %sub3A_430 = arith.subf %squeeze3A_428, %sub3A_429 : f32
    %mul3A_431 = arith.mulf %sub3A_430, %squeeze3A_428 : f32
    %add3A_432 = arith.constant 9.99999974E-5 : f32
    %add3A_433 = arith.addf %mul3A_431, %add3A_432 : f32
    %div3A_434 = arith.constant 1.000000e+00 : f32
    %div3A_435 = arith.divf %div3A_434, %add3A_433 : f32
    %slice3A_436 = vector.extract_strided_slice %select_n3A {offsets = [11, 0], sizes = [1, 256], strides = [1, 1]} : vector<32x256xf32> to vector<1x256xf32>
    %slice3A_437 = vector.extract_strided_slice %select_n3A_64 {offsets = [11, 0], sizes = [1, 256], strides = [1, 1]} : vector<32x256xf32> to vector<1x256xf32>
    %dot_general3A_438 = arith.constant dense<0.000000e+00> : vector<256x256xf32>
    %dot_general3A_439 = tpu.matmul %slice3A_437, %broadcast_in_dim3A_29, %dot_general3A_438 {dimension_numbers = #tpu.dot_dimension_numbers<[0], [0], [1], [1], [0, 1, 1, 1], [], []>, transpose_lhs_hint = false} : vector<1x256xf32>, vector<1x256xf32>, vector<256x256xf32> -> vector<256x256xf32>
    %sub3A_440 = vector.broadcast %slice3A_436 : vector<1x256xf32> to vector<256x256xf32>
    %sub3A_441 = arith.subf %sub3A_440, %dot_general3A_439 : vector<256x256xf32>
    %abs3A_442 = math.absf %sub3A_441 : vector<256x256xf32>
    %sub3A_443 = arith.constant 1.000000e+00 : f32
    %sub3A_444 = vector.broadcast %sub3A_443 : f32 to vector<256x256xf32>
    %sub3A_445 = arith.subf %sub3A_444, %abs3A_442 : vector<256x256xf32>
    %max3A_446 = arith.constant 0.000000e+00 : f32
    %max3A_447 = vector.broadcast %max3A_446 : f32 to vector<256x256xf32>
    %max3A_448 = arith.maximumf %sub3A_445, %max3A_447 : vector<256x256xf32>
    %mul3A_449 = vector.broadcast %div3A_435 : f32 to vector<256x256xf32>
    %mul3A_450 = arith.mulf %max3A_448, %mul3A_449 : vector<256x256xf32>
    %add3A_451 = arith.addf %add3A_418, %mul3A_450 : vector<256x256xf32>
    %neg3A_452 = arith.constant 0.000000e+00 : f32
    %neg3A_453 = arith.subf %neg3A_452, %squeeze3A_428 : f32
    %mul3A_454 = arith.mulf %neg3A_453, %squeeze3A_428 : f32
    %slice3A_455 = vector.extract_strided_slice %div3A_36 {offsets = [11, 0], sizes = [1, 1], strides = [1, 1]} : vector<32x1xf32> to vector<1x1xf32>
    %squeeze3A_456 = vector.extract %slice3A_455[0, 0] : f32 from vector<1x1xf32>
    %mul3A_457 = arith.mulf %mul3A_454, %squeeze3A_456 : f32
    %mul3A_458 = arith.mulf %mul3A_457, %div3A_435 : f32
    %add3A_459 = arith.addf %add3A_426, %mul3A_458 : f32
    %slice3A_460 = vector.extract_strided_slice %broadcast_in_dim3A_31 {offsets = [12, 0], sizes = [1, 1], strides = [1, 1]} : vector<32x1xf32> to vector<1x1xf32>
    %squeeze3A_461 = vector.extract %slice3A_460[0, 0] : f32 from vector<1x1xf32>
    %sub3A_462 = arith.constant 1.000000e+00 : f32
    %sub3A_463 = arith.subf %squeeze3A_461, %sub3A_462 : f32
    %mul3A_464 = arith.mulf %sub3A_463, %squeeze3A_461 : f32
    %add3A_465 = arith.constant 9.99999974E-5 : f32
    %add3A_466 = arith.addf %mul3A_464, %add3A_465 : f32
    %div3A_467 = arith.constant 1.000000e+00 : f32
    %div3A_468 = arith.divf %div3A_467, %add3A_466 : f32
    %slice3A_469 = vector.extract_strided_slice %select_n3A {offsets = [12, 0], sizes = [1, 256], strides = [1, 1]} : vector<32x256xf32> to vector<1x256xf32>
    %slice3A_470 = vector.extract_strided_slice %select_n3A_64 {offsets = [12, 0], sizes = [1, 256], strides = [1, 1]} : vector<32x256xf32> to vector<1x256xf32>
    %dot_general3A_471 = arith.constant dense<0.000000e+00> : vector<256x256xf32>
    %dot_general3A_472 = tpu.matmul %slice3A_470, %broadcast_in_dim3A_29, %dot_general3A_471 {dimension_numbers = #tpu.dot_dimension_numbers<[0], [0], [1], [1], [0, 1, 1, 1], [], []>, transpose_lhs_hint = false} : vector<1x256xf32>, vector<1x256xf32>, vector<256x256xf32> -> vector<256x256xf32>
    %sub3A_473 = vector.broadcast %slice3A_469 : vector<1x256xf32> to vector<256x256xf32>
    %sub3A_474 = arith.subf %sub3A_473, %dot_general3A_472 : vector<256x256xf32>
    %abs3A_475 = math.absf %sub3A_474 : vector<256x256xf32>
    %sub3A_476 = arith.constant 1.000000e+00 : f32
    %sub3A_477 = vector.broadcast %sub3A_476 : f32 to vector<256x256xf32>
    %sub3A_478 = arith.subf %sub3A_477, %abs3A_475 : vector<256x256xf32>
    %max3A_479 = arith.constant 0.000000e+00 : f32
    %max3A_480 = vector.broadcast %max3A_479 : f32 to vector<256x256xf32>
    %max3A_481 = arith.maximumf %sub3A_478, %max3A_480 : vector<256x256xf32>
    %mul3A_482 = vector.broadcast %div3A_468 : f32 to vector<256x256xf32>
    %mul3A_483 = arith.mulf %max3A_481, %mul3A_482 : vector<256x256xf32>
    %add3A_484 = arith.addf %add3A_451, %mul3A_483 : vector<256x256xf32>
    %neg3A_485 = arith.constant 0.000000e+00 : f32
    %neg3A_486 = arith.subf %neg3A_485, %squeeze3A_461 : f32
    %mul3A_487 = arith.mulf %neg3A_486, %squeeze3A_461 : f32
    %slice3A_488 = vector.extract_strided_slice %div3A_36 {offsets = [12, 0], sizes = [1, 1], strides = [1, 1]} : vector<32x1xf32> to vector<1x1xf32>
    %squeeze3A_489 = vector.extract %slice3A_488[0, 0] : f32 from vector<1x1xf32>
    %mul3A_490 = arith.mulf %mul3A_487, %squeeze3A_489 : f32
    %mul3A_491 = arith.mulf %mul3A_490, %div3A_468 : f32
    %add3A_492 = arith.addf %add3A_459, %mul3A_491 : f32
    %slice3A_493 = vector.extract_strided_slice %broadcast_in_dim3A_31 {offsets = [13, 0], sizes = [1, 1], strides = [1, 1]} : vector<32x1xf32> to vector<1x1xf32>
    %squeeze3A_494 = vector.extract %slice3A_493[0, 0] : f32 from vector<1x1xf32>
    %sub3A_495 = arith.constant 1.000000e+00 : f32
    %sub3A_496 = arith.subf %squeeze3A_494, %sub3A_495 : f32
    %mul3A_497 = arith.mulf %sub3A_496, %squeeze3A_494 : f32
    %add3A_498 = arith.constant 9.99999974E-5 : f32
    %add3A_499 = arith.addf %mul3A_497, %add3A_498 : f32
    %div3A_500 = arith.constant 1.000000e+00 : f32
    %div3A_501 = arith.divf %div3A_500, %add3A_499 : f32
    %slice3A_502 = vector.extract_strided_slice %select_n3A {offsets = [13, 0], sizes = [1, 256], strides = [1, 1]} : vector<32x256xf32> to vector<1x256xf32>
    %slice3A_503 = vector.extract_strided_slice %select_n3A_64 {offsets = [13, 0], sizes = [1, 256], strides = [1, 1]} : vector<32x256xf32> to vector<1x256xf32>
    %dot_general3A_504 = arith.constant dense<0.000000e+00> : vector<256x256xf32>
    %dot_general3A_505 = tpu.matmul %slice3A_503, %broadcast_in_dim3A_29, %dot_general3A_504 {dimension_numbers = #tpu.dot_dimension_numbers<[0], [0], [1], [1], [0, 1, 1, 1], [], []>, transpose_lhs_hint = false} : vector<1x256xf32>, vector<1x256xf32>, vector<256x256xf32> -> vector<256x256xf32>
    %sub3A_506 = vector.broadcast %slice3A_502 : vector<1x256xf32> to vector<256x256xf32>
    %sub3A_507 = arith.subf %sub3A_506, %dot_general3A_505 : vector<256x256xf32>
    %abs3A_508 = math.absf %sub3A_507 : vector<256x256xf32>
    %sub3A_509 = arith.constant 1.000000e+00 : f32
    %sub3A_510 = vector.broadcast %sub3A_509 : f32 to vector<256x256xf32>
    %sub3A_511 = arith.subf %sub3A_510, %abs3A_508 : vector<256x256xf32>
    %max3A_512 = arith.constant 0.000000e+00 : f32
    %max3A_513 = vector.broadcast %max3A_512 : f32 to vector<256x256xf32>
    %max3A_514 = arith.maximumf %sub3A_511, %max3A_513 : vector<256x256xf32>
    %mul3A_515 = vector.broadcast %div3A_501 : f32 to vector<256x256xf32>
    %mul3A_516 = arith.mulf %max3A_514, %mul3A_515 : vector<256x256xf32>
    %add3A_517 = arith.addf %add3A_484, %mul3A_516 : vector<256x256xf32>
    %neg3A_518 = arith.constant 0.000000e+00 : f32
    %neg3A_519 = arith.subf %neg3A_518, %squeeze3A_494 : f32
    %mul3A_520 = arith.mulf %neg3A_519, %squeeze3A_494 : f32
    %slice3A_521 = vector.extract_strided_slice %div3A_36 {offsets = [13, 0], sizes = [1, 1], strides = [1, 1]} : vector<32x1xf32> to vector<1x1xf32>
    %squeeze3A_522 = vector.extract %slice3A_521[0, 0] : f32 from vector<1x1xf32>
    %mul3A_523 = arith.mulf %mul3A_520, %squeeze3A_522 : f32
    %mul3A_524 = arith.mulf %mul3A_523, %div3A_501 : f32
    %add3A_525 = arith.addf %add3A_492, %mul3A_524 : f32
    %slice3A_526 = vector.extract_strided_slice %broadcast_in_dim3A_31 {offsets = [14, 0], sizes = [1, 1], strides = [1, 1]} : vector<32x1xf32> to vector<1x1xf32>
    %squeeze3A_527 = vector.extract %slice3A_526[0, 0] : f32 from vector<1x1xf32>
    %sub3A_528 = arith.constant 1.000000e+00 : f32
    %sub3A_529 = arith.subf %squeeze3A_527, %sub3A_528 : f32
    %mul3A_530 = arith.mulf %sub3A_529, %squeeze3A_527 : f32
    %add3A_531 = arith.constant 9.99999974E-5 : f32
    %add3A_532 = arith.addf %mul3A_530, %add3A_531 : f32
    %div3A_533 = arith.constant 1.000000e+00 : f32
    %div3A_534 = arith.divf %div3A_533, %add3A_532 : f32
    %slice3A_535 = vector.extract_strided_slice %select_n3A {offsets = [14, 0], sizes = [1, 256], strides = [1, 1]} : vector<32x256xf32> to vector<1x256xf32>
    %slice3A_536 = vector.extract_strided_slice %select_n3A_64 {offsets = [14, 0], sizes = [1, 256], strides = [1, 1]} : vector<32x256xf32> to vector<1x256xf32>
    %dot_general3A_537 = arith.constant dense<0.000000e+00> : vector<256x256xf32>
    %dot_general3A_538 = tpu.matmul %slice3A_536, %broadcast_in_dim3A_29, %dot_general3A_537 {dimension_numbers = #tpu.dot_dimension_numbers<[0], [0], [1], [1], [0, 1, 1, 1], [], []>, transpose_lhs_hint = false} : vector<1x256xf32>, vector<1x256xf32>, vector<256x256xf32> -> vector<256x256xf32>
    %sub3A_539 = vector.broadcast %slice3A_535 : vector<1x256xf32> to vector<256x256xf32>
    %sub3A_540 = arith.subf %sub3A_539, %dot_general3A_538 : vector<256x256xf32>
    %abs3A_541 = math.absf %sub3A_540 : vector<256x256xf32>
    %sub3A_542 = arith.constant 1.000000e+00 : f32
    %sub3A_543 = vector.broadcast %sub3A_542 : f32 to vector<256x256xf32>
    %sub3A_544 = arith.subf %sub3A_543, %abs3A_541 : vector<256x256xf32>
    %max3A_545 = arith.constant 0.000000e+00 : f32
    %max3A_546 = vector.broadcast %max3A_545 : f32 to vector<256x256xf32>
    %max3A_547 = arith.maximumf %sub3A_544, %max3A_546 : vector<256x256xf32>
    %mul3A_548 = vector.broadcast %div3A_534 : f32 to vector<256x256xf32>
    %mul3A_549 = arith.mulf %max3A_547, %mul3A_548 : vector<256x256xf32>
    %add3A_550 = arith.addf %add3A_517, %mul3A_549 : vector<256x256xf32>
    %neg3A_551 = arith.constant 0.000000e+00 : f32
    %neg3A_552 = arith.subf %neg3A_551, %squeeze3A_527 : f32
    %mul3A_553 = arith.mulf %neg3A_552, %squeeze3A_527 : f32
    %slice3A_554 = vector.extract_strided_slice %div3A_36 {offsets = [14, 0], sizes = [1, 1], strides = [1, 1]} : vector<32x1xf32> to vector<1x1xf32>
    %squeeze3A_555 = vector.extract %slice3A_554[0, 0] : f32 from vector<1x1xf32>
    %mul3A_556 = arith.mulf %mul3A_553, %squeeze3A_555 : f32
    %mul3A_557 = arith.mulf %mul3A_556, %div3A_534 : f32
    %add3A_558 = arith.addf %add3A_525, %mul3A_557 : f32
    %slice3A_559 = vector.extract_strided_slice %broadcast_in_dim3A_31 {offsets = [15, 0], sizes = [1, 1], strides = [1, 1]} : vector<32x1xf32> to vector<1x1xf32>
    %squeeze3A_560 = vector.extract %slice3A_559[0, 0] : f32 from vector<1x1xf32>
    %sub3A_561 = arith.constant 1.000000e+00 : f32
    %sub3A_562 = arith.subf %squeeze3A_560, %sub3A_561 : f32
    %mul3A_563 = arith.mulf %sub3A_562, %squeeze3A_560 : f32
    %add3A_564 = arith.constant 9.99999974E-5 : f32
    %add3A_565 = arith.addf %mul3A_563, %add3A_564 : f32
    %div3A_566 = arith.constant 1.000000e+00 : f32
    %div3A_567 = arith.divf %div3A_566, %add3A_565 : f32
    %slice3A_568 = vector.extract_strided_slice %select_n3A {offsets = [15, 0], sizes = [1, 256], strides = [1, 1]} : vector<32x256xf32> to vector<1x256xf32>
    %slice3A_569 = vector.extract_strided_slice %select_n3A_64 {offsets = [15, 0], sizes = [1, 256], strides = [1, 1]} : vector<32x256xf32> to vector<1x256xf32>
    %dot_general3A_570 = arith.constant dense<0.000000e+00> : vector<256x256xf32>
    %dot_general3A_571 = tpu.matmul %slice3A_569, %broadcast_in_dim3A_29, %dot_general3A_570 {dimension_numbers = #tpu.dot_dimension_numbers<[0], [0], [1], [1], [0, 1, 1, 1], [], []>, transpose_lhs_hint = false} : vector<1x256xf32>, vector<1x256xf32>, vector<256x256xf32> -> vector<256x256xf32>
    %sub3A_572 = vector.broadcast %slice3A_568 : vector<1x256xf32> to vector<256x256xf32>
    %sub3A_573 = arith.subf %sub3A_572, %dot_general3A_571 : vector<256x256xf32>
    %abs3A_574 = math.absf %sub3A_573 : vector<256x256xf32>
    %sub3A_575 = arith.constant 1.000000e+00 : f32
    %sub3A_576 = vector.broadcast %sub3A_575 : f32 to vector<256x256xf32>
    %sub3A_577 = arith.subf %sub3A_576, %abs3A_574 : vector<256x256xf32>
    %max3A_578 = arith.constant 0.000000e+00 : f32
    %max3A_579 = vector.broadcast %max3A_578 : f32 to vector<256x256xf32>
    %max3A_580 = arith.maximumf %sub3A_577, %max3A_579 : vector<256x256xf32>
    %mul3A_581 = vector.broadcast %div3A_567 : f32 to vector<256x256xf32>
    %mul3A_582 = arith.mulf %max3A_580, %mul3A_581 : vector<256x256xf32>
    %add3A_583 = arith.addf %add3A_550, %mul3A_582 : vector<256x256xf32>
    %neg3A_584 = arith.constant 0.000000e+00 : f32
    %neg3A_585 = arith.subf %neg3A_584, %squeeze3A_560 : f32
    %mul3A_586 = arith.mulf %neg3A_585, %squeeze3A_560 : f32
    %slice3A_587 = vector.extract_strided_slice %div3A_36 {offsets = [15, 0], sizes = [1, 1], strides = [1, 1]} : vector<32x1xf32> to vector<1x1xf32>
    %squeeze3A_588 = vector.extract %slice3A_587[0, 0] : f32 from vector<1x1xf32>
    %mul3A_589 = arith.mulf %mul3A_586, %squeeze3A_588 : f32
    %mul3A_590 = arith.mulf %mul3A_589, %div3A_567 : f32
    %add3A_591 = arith.addf %add3A_558, %mul3A_590 : f32
    %slice3A_592 = vector.extract_strided_slice %broadcast_in_dim3A_31 {offsets = [16, 0], sizes = [1, 1], strides = [1, 1]} : vector<32x1xf32> to vector<1x1xf32>
    %squeeze3A_593 = vector.extract %slice3A_592[0, 0] : f32 from vector<1x1xf32>
    %sub3A_594 = arith.constant 1.000000e+00 : f32
    %sub3A_595 = arith.subf %squeeze3A_593, %sub3A_594 : f32
    %mul3A_596 = arith.mulf %sub3A_595, %squeeze3A_593 : f32
    %add3A_597 = arith.constant 9.99999974E-5 : f32
    %add3A_598 = arith.addf %mul3A_596, %add3A_597 : f32
    %div3A_599 = arith.constant 1.000000e+00 : f32
    %div3A_600 = arith.divf %div3A_599, %add3A_598 : f32
    %slice3A_601 = vector.extract_strided_slice %select_n3A {offsets = [16, 0], sizes = [1, 256], strides = [1, 1]} : vector<32x256xf32> to vector<1x256xf32>
    %slice3A_602 = vector.extract_strided_slice %select_n3A_64 {offsets = [16, 0], sizes = [1, 256], strides = [1, 1]} : vector<32x256xf32> to vector<1x256xf32>
    %dot_general3A_603 = arith.constant dense<0.000000e+00> : vector<256x256xf32>
    %dot_general3A_604 = tpu.matmul %slice3A_602, %broadcast_in_dim3A_29, %dot_general3A_603 {dimension_numbers = #tpu.dot_dimension_numbers<[0], [0], [1], [1], [0, 1, 1, 1], [], []>, transpose_lhs_hint = false} : vector<1x256xf32>, vector<1x256xf32>, vector<256x256xf32> -> vector<256x256xf32>
    %sub3A_605 = vector.broadcast %slice3A_601 : vector<1x256xf32> to vector<256x256xf32>
    %sub3A_606 = arith.subf %sub3A_605, %dot_general3A_604 : vector<256x256xf32>
    %abs3A_607 = math.absf %sub3A_606 : vector<256x256xf32>
    %sub3A_608 = arith.constant 1.000000e+00 : f32
    %sub3A_609 = vector.broadcast %sub3A_608 : f32 to vector<256x256xf32>
    %sub3A_610 = arith.subf %sub3A_609, %abs3A_607 : vector<256x256xf32>
    %max3A_611 = arith.constant 0.000000e+00 : f32
    %max3A_612 = vector.broadcast %max3A_611 : f32 to vector<256x256xf32>
    %max3A_613 = arith.maximumf %sub3A_610, %max3A_612 : vector<256x256xf32>
    %mul3A_614 = vector.broadcast %div3A_600 : f32 to vector<256x256xf32>
    %mul3A_615 = arith.mulf %max3A_613, %mul3A_614 : vector<256x256xf32>
    %add3A_616 = arith.addf %add3A_583, %mul3A_615 : vector<256x256xf32>
    %neg3A_617 = arith.constant 0.000000e+00 : f32
    %neg3A_618 = arith.subf %neg3A_617, %squeeze3A_593 : f32
    %mul3A_619 = arith.mulf %neg3A_618, %squeeze3A_593 : f32
    %slice3A_620 = vector.extract_strided_slice %div3A_36 {offsets = [16, 0], sizes = [1, 1], strides = [1, 1]} : vector<32x1xf32> to vector<1x1xf32>
    %squeeze3A_621 = vector.extract %slice3A_620[0, 0] : f32 from vector<1x1xf32>
    %mul3A_622 = arith.mulf %mul3A_619, %squeeze3A_621 : f32
    %mul3A_623 = arith.mulf %mul3A_622, %div3A_600 : f32
    %add3A_624 = arith.addf %add3A_591, %mul3A_623 : f32
    %slice3A_625 = vector.extract_strided_slice %broadcast_in_dim3A_31 {offsets = [17, 0], sizes = [1, 1], strides = [1, 1]} : vector<32x1xf32> to vector<1x1xf32>
    %squeeze3A_626 = vector.extract %slice3A_625[0, 0] : f32 from vector<1x1xf32>
    %sub3A_627 = arith.constant 1.000000e+00 : f32
    %sub3A_628 = arith.subf %squeeze3A_626, %sub3A_627 : f32
    %mul3A_629 = arith.mulf %sub3A_628, %squeeze3A_626 : f32
    %add3A_630 = arith.constant 9.99999974E-5 : f32
    %add3A_631 = arith.addf %mul3A_629, %add3A_630 : f32
    %div3A_632 = arith.constant 1.000000e+00 : f32
    %div3A_633 = arith.divf %div3A_632, %add3A_631 : f32
    %slice3A_634 = vector.extract_strided_slice %select_n3A {offsets = [17, 0], sizes = [1, 256], strides = [1, 1]} : vector<32x256xf32> to vector<1x256xf32>
    %slice3A_635 = vector.extract_strided_slice %select_n3A_64 {offsets = [17, 0], sizes = [1, 256], strides = [1, 1]} : vector<32x256xf32> to vector<1x256xf32>
    %dot_general3A_636 = arith.constant dense<0.000000e+00> : vector<256x256xf32>
    %dot_general3A_637 = tpu.matmul %slice3A_635, %broadcast_in_dim3A_29, %dot_general3A_636 {dimension_numbers = #tpu.dot_dimension_numbers<[0], [0], [1], [1], [0, 1, 1, 1], [], []>, transpose_lhs_hint = false} : vector<1x256xf32>, vector<1x256xf32>, vector<256x256xf32> -> vector<256x256xf32>
    %sub3A_638 = vector.broadcast %slice3A_634 : vector<1x256xf32> to vector<256x256xf32>
    %sub3A_639 = arith.subf %sub3A_638, %dot_general3A_637 : vector<256x256xf32>
    %abs3A_640 = math.absf %sub3A_639 : vector<256x256xf32>
    %sub3A_641 = arith.constant 1.000000e+00 : f32
    %sub3A_642 = vector.broadcast %sub3A_641 : f32 to vector<256x256xf32>
    %sub3A_643 = arith.subf %sub3A_642, %abs3A_640 : vector<256x256xf32>
    %max3A_644 = arith.constant 0.000000e+00 : f32
    %max3A_645 = vector.broadcast %max3A_644 : f32 to vector<256x256xf32>
    %max3A_646 = arith.maximumf %sub3A_643, %max3A_645 : vector<256x256xf32>
    %mul3A_647 = vector.broadcast %div3A_633 : f32 to vector<256x256xf32>
    %mul3A_648 = arith.mulf %max3A_646, %mul3A_647 : vector<256x256xf32>
    %add3A_649 = arith.addf %add3A_616, %mul3A_648 : vector<256x256xf32>
    %neg3A_650 = arith.constant 0.000000e+00 : f32
    %neg3A_651 = arith.subf %neg3A_650, %squeeze3A_626 : f32
    %mul3A_652 = arith.mulf %neg3A_651, %squeeze3A_626 : f32
    %slice3A_653 = vector.extract_strided_slice %div3A_36 {offsets = [17, 0], sizes = [1, 1], strides = [1, 1]} : vector<32x1xf32> to vector<1x1xf32>
    %squeeze3A_654 = vector.extract %slice3A_653[0, 0] : f32 from vector<1x1xf32>
    %mul3A_655 = arith.mulf %mul3A_652, %squeeze3A_654 : f32
    %mul3A_656 = arith.mulf %mul3A_655, %div3A_633 : f32
    %add3A_657 = arith.addf %add3A_624, %mul3A_656 : f32
    %slice3A_658 = vector.extract_strided_slice %broadcast_in_dim3A_31 {offsets = [18, 0], sizes = [1, 1], strides = [1, 1]} : vector<32x1xf32> to vector<1x1xf32>
    %squeeze3A_659 = vector.extract %slice3A_658[0, 0] : f32 from vector<1x1xf32>
    %sub3A_660 = arith.constant 1.000000e+00 : f32
    %sub3A_661 = arith.subf %squeeze3A_659, %sub3A_660 : f32
    %mul3A_662 = arith.mulf %sub3A_661, %squeeze3A_659 : f32
    %add3A_663 = arith.constant 9.99999974E-5 : f32
    %add3A_664 = arith.addf %mul3A_662, %add3A_663 : f32
    %div3A_665 = arith.constant 1.000000e+00 : f32
    %div3A_666 = arith.divf %div3A_665, %add3A_664 : f32
    %slice3A_667 = vector.extract_strided_slice %select_n3A {offsets = [18, 0], sizes = [1, 256], strides = [1, 1]} : vector<32x256xf32> to vector<1x256xf32>
    %slice3A_668 = vector.extract_strided_slice %select_n3A_64 {offsets = [18, 0], sizes = [1, 256], strides = [1, 1]} : vector<32x256xf32> to vector<1x256xf32>
    %dot_general3A_669 = arith.constant dense<0.000000e+00> : vector<256x256xf32>
    %dot_general3A_670 = tpu.matmul %slice3A_668, %broadcast_in_dim3A_29, %dot_general3A_669 {dimension_numbers = #tpu.dot_dimension_numbers<[0], [0], [1], [1], [0, 1, 1, 1], [], []>, transpose_lhs_hint = false} : vector<1x256xf32>, vector<1x256xf32>, vector<256x256xf32> -> vector<256x256xf32>
    %sub3A_671 = vector.broadcast %slice3A_667 : vector<1x256xf32> to vector<256x256xf32>
    %sub3A_672 = arith.subf %sub3A_671, %dot_general3A_670 : vector<256x256xf32>
    %abs3A_673 = math.absf %sub3A_672 : vector<256x256xf32>
    %sub3A_674 = arith.constant 1.000000e+00 : f32
    %sub3A_675 = vector.broadcast %sub3A_674 : f32 to vector<256x256xf32>
    %sub3A_676 = arith.subf %sub3A_675, %abs3A_673 : vector<256x256xf32>
    %max3A_677 = arith.constant 0.000000e+00 : f32
    %max3A_678 = vector.broadcast %max3A_677 : f32 to vector<256x256xf32>
    %max3A_679 = arith.maximumf %sub3A_676, %max3A_678 : vector<256x256xf32>
    %mul3A_680 = vector.broadcast %div3A_666 : f32 to vector<256x256xf32>
    %mul3A_681 = arith.mulf %max3A_679, %mul3A_680 : vector<256x256xf32>
    %add3A_682 = arith.addf %add3A_649, %mul3A_681 : vector<256x256xf32>
    %neg3A_683 = arith.constant 0.000000e+00 : f32
    %neg3A_684 = arith.subf %neg3A_683, %squeeze3A_659 : f32
    %mul3A_685 = arith.mulf %neg3A_684, %squeeze3A_659 : f32
    %slice3A_686 = vector.extract_strided_slice %div3A_36 {offsets = [18, 0], sizes = [1, 1], strides = [1, 1]} : vector<32x1xf32> to vector<1x1xf32>
    %squeeze3A_687 = vector.extract %slice3A_686[0, 0] : f32 from vector<1x1xf32>
    %mul3A_688 = arith.mulf %mul3A_685, %squeeze3A_687 : f32
    %mul3A_689 = arith.mulf %mul3A_688, %div3A_666 : f32
    %add3A_690 = arith.addf %add3A_657, %mul3A_689 : f32
    %slice3A_691 = vector.extract_strided_slice %broadcast_in_dim3A_31 {offsets = [19, 0], sizes = [1, 1], strides = [1, 1]} : vector<32x1xf32> to vector<1x1xf32>
    %squeeze3A_692 = vector.extract %slice3A_691[0, 0] : f32 from vector<1x1xf32>
    %sub3A_693 = arith.constant 1.000000e+00 : f32
    %sub3A_694 = arith.subf %squeeze3A_692, %sub3A_693 : f32
    %mul3A_695 = arith.mulf %sub3A_694, %squeeze3A_692 : f32
    %add3A_696 = arith.constant 9.99999974E-5 : f32
    %add3A_697 = arith.addf %mul3A_695, %add3A_696 : f32
    %div3A_698 = arith.constant 1.000000e+00 : f32
    %div3A_699 = arith.divf %div3A_698, %add3A_697 : f32
    %slice3A_700 = vector.extract_strided_slice %select_n3A {offsets = [19, 0], sizes = [1, 256], strides = [1, 1]} : vector<32x256xf32> to vector<1x256xf32>
    %slice3A_701 = vector.extract_strided_slice %select_n3A_64 {offsets = [19, 0], sizes = [1, 256], strides = [1, 1]} : vector<32x256xf32> to vector<1x256xf32>
    %dot_general3A_702 = arith.constant dense<0.000000e+00> : vector<256x256xf32>
    %dot_general3A_703 = tpu.matmul %slice3A_701, %broadcast_in_dim3A_29, %dot_general3A_702 {dimension_numbers = #tpu.dot_dimension_numbers<[0], [0], [1], [1], [0, 1, 1, 1], [], []>, transpose_lhs_hint = false} : vector<1x256xf32>, vector<1x256xf32>, vector<256x256xf32> -> vector<256x256xf32>
    %sub3A_704 = vector.broadcast %slice3A_700 : vector<1x256xf32> to vector<256x256xf32>
    %sub3A_705 = arith.subf %sub3A_704, %dot_general3A_703 : vector<256x256xf32>
    %abs3A_706 = math.absf %sub3A_705 : vector<256x256xf32>
    %sub3A_707 = arith.constant 1.000000e+00 : f32
    %sub3A_708 = vector.broadcast %sub3A_707 : f32 to vector<256x256xf32>
    %sub3A_709 = arith.subf %sub3A_708, %abs3A_706 : vector<256x256xf32>
    %max3A_710 = arith.constant 0.000000e+00 : f32
    %max3A_711 = vector.broadcast %max3A_710 : f32 to vector<256x256xf32>
    %max3A_712 = arith.maximumf %sub3A_709, %max3A_711 : vector<256x256xf32>
    %mul3A_713 = vector.broadcast %div3A_699 : f32 to vector<256x256xf32>
    %mul3A_714 = arith.mulf %max3A_712, %mul3A_713 : vector<256x256xf32>
    %add3A_715 = arith.addf %add3A_682, %mul3A_714 : vector<256x256xf32>
    %neg3A_716 = arith.constant 0.000000e+00 : f32
    %neg3A_717 = arith.subf %neg3A_716, %squeeze3A_692 : f32
    %mul3A_718 = arith.mulf %neg3A_717, %squeeze3A_692 : f32
    %slice3A_719 = vector.extract_strided_slice %div3A_36 {offsets = [19, 0], sizes = [1, 1], strides = [1, 1]} : vector<32x1xf32> to vector<1x1xf32>
    %squeeze3A_720 = vector.extract %slice3A_719[0, 0] : f32 from vector<1x1xf32>
    %mul3A_721 = arith.mulf %mul3A_718, %squeeze3A_720 : f32
    %mul3A_722 = arith.mulf %mul3A_721, %div3A_699 : f32
    %add3A_723 = arith.addf %add3A_690, %mul3A_722 : f32
    %slice3A_724 = vector.extract_strided_slice %broadcast_in_dim3A_31 {offsets = [20, 0], sizes = [1, 1], strides = [1, 1]} : vector<32x1xf32> to vector<1x1xf32>
    %squeeze3A_725 = vector.extract %slice3A_724[0, 0] : f32 from vector<1x1xf32>
    %sub3A_726 = arith.constant 1.000000e+00 : f32
    %sub3A_727 = arith.subf %squeeze3A_725, %sub3A_726 : f32
    %mul3A_728 = arith.mulf %sub3A_727, %squeeze3A_725 : f32
    %add3A_729 = arith.constant 9.99999974E-5 : f32
    %add3A_730 = arith.addf %mul3A_728, %add3A_729 : f32
    %div3A_731 = arith.constant 1.000000e+00 : f32
    %div3A_732 = arith.divf %div3A_731, %add3A_730 : f32
    %slice3A_733 = vector.extract_strided_slice %select_n3A {offsets = [20, 0], sizes = [1, 256], strides = [1, 1]} : vector<32x256xf32> to vector<1x256xf32>
    %slice3A_734 = vector.extract_strided_slice %select_n3A_64 {offsets = [20, 0], sizes = [1, 256], strides = [1, 1]} : vector<32x256xf32> to vector<1x256xf32>
    %dot_general3A_735 = arith.constant dense<0.000000e+00> : vector<256x256xf32>
    %dot_general3A_736 = tpu.matmul %slice3A_734, %broadcast_in_dim3A_29, %dot_general3A_735 {dimension_numbers = #tpu.dot_dimension_numbers<[0], [0], [1], [1], [0, 1, 1, 1], [], []>, transpose_lhs_hint = false} : vector<1x256xf32>, vector<1x256xf32>, vector<256x256xf32> -> vector<256x256xf32>
    %sub3A_737 = vector.broadcast %slice3A_733 : vector<1x256xf32> to vector<256x256xf32>
    %sub3A_738 = arith.subf %sub3A_737, %dot_general3A_736 : vector<256x256xf32>
    %abs3A_739 = math.absf %sub3A_738 : vector<256x256xf32>
    %sub3A_740 = arith.constant 1.000000e+00 : f32
    %sub3A_741 = vector.broadcast %sub3A_740 : f32 to vector<256x256xf32>
    %sub3A_742 = arith.subf %sub3A_741, %abs3A_739 : vector<256x256xf32>
    %max3A_743 = arith.constant 0.000000e+00 : f32
    %max3A_744 = vector.broadcast %max3A_743 : f32 to vector<256x256xf32>
    %max3A_745 = arith.maximumf %sub3A_742, %max3A_744 : vector<256x256xf32>
    %mul3A_746 = vector.broadcast %div3A_732 : f32 to vector<256x256xf32>
    %mul3A_747 = arith.mulf %max3A_745, %mul3A_746 : vector<256x256xf32>
    %add3A_748 = arith.addf %add3A_715, %mul3A_747 : vector<256x256xf32>
    %neg3A_749 = arith.constant 0.000000e+00 : f32
    %neg3A_750 = arith.subf %neg3A_749, %squeeze3A_725 : f32
    %mul3A_751 = arith.mulf %neg3A_750, %squeeze3A_725 : f32
    %slice3A_752 = vector.extract_strided_slice %div3A_36 {offsets = [20, 0], sizes = [1, 1], strides = [1, 1]} : vector<32x1xf32> to vector<1x1xf32>
    %squeeze3A_753 = vector.extract %slice3A_752[0, 0] : f32 from vector<1x1xf32>
    %mul3A_754 = arith.mulf %mul3A_751, %squeeze3A_753 : f32
    %mul3A_755 = arith.mulf %mul3A_754, %div3A_732 : f32
    %add3A_756 = arith.addf %add3A_723, %mul3A_755 : f32
    %slice3A_757 = vector.extract_strided_slice %broadcast_in_dim3A_31 {offsets = [21, 0], sizes = [1, 1], strides = [1, 1]} : vector<32x1xf32> to vector<1x1xf32>
    %squeeze3A_758 = vector.extract %slice3A_757[0, 0] : f32 from vector<1x1xf32>
    %sub3A_759 = arith.constant 1.000000e+00 : f32
    %sub3A_760 = arith.subf %squeeze3A_758, %sub3A_759 : f32
    %mul3A_761 = arith.mulf %sub3A_760, %squeeze3A_758 : f32
    %add3A_762 = arith.constant 9.99999974E-5 : f32
    %add3A_763 = arith.addf %mul3A_761, %add3A_762 : f32
    %div3A_764 = arith.constant 1.000000e+00 : f32
    %div3A_765 = arith.divf %div3A_764, %add3A_763 : f32
    %slice3A_766 = vector.extract_strided_slice %select_n3A {offsets = [21, 0], sizes = [1, 256], strides = [1, 1]} : vector<32x256xf32> to vector<1x256xf32>
    %slice3A_767 = vector.extract_strided_slice %select_n3A_64 {offsets = [21, 0], sizes = [1, 256], strides = [1, 1]} : vector<32x256xf32> to vector<1x256xf32>
    %dot_general3A_768 = arith.constant dense<0.000000e+00> : vector<256x256xf32>
    %dot_general3A_769 = tpu.matmul %slice3A_767, %broadcast_in_dim3A_29, %dot_general3A_768 {dimension_numbers = #tpu.dot_dimension_numbers<[0], [0], [1], [1], [0, 1, 1, 1], [], []>, transpose_lhs_hint = false} : vector<1x256xf32>, vector<1x256xf32>, vector<256x256xf32> -> vector<256x256xf32>
    %sub3A_770 = vector.broadcast %slice3A_766 : vector<1x256xf32> to vector<256x256xf32>
    %sub3A_771 = arith.subf %sub3A_770, %dot_general3A_769 : vector<256x256xf32>
    %abs3A_772 = math.absf %sub3A_771 : vector<256x256xf32>
    %sub3A_773 = arith.constant 1.000000e+00 : f32
    %sub3A_774 = vector.broadcast %sub3A_773 : f32 to vector<256x256xf32>
    %sub3A_775 = arith.subf %sub3A_774, %abs3A_772 : vector<256x256xf32>
    %max3A_776 = arith.constant 0.000000e+00 : f32
    %max3A_777 = vector.broadcast %max3A_776 : f32 to vector<256x256xf32>
    %max3A_778 = arith.maximumf %sub3A_775, %max3A_777 : vector<256x256xf32>
    %mul3A_779 = vector.broadcast %div3A_765 : f32 to vector<256x256xf32>
    %mul3A_780 = arith.mulf %max3A_778, %mul3A_779 : vector<256x256xf32>
    %add3A_781 = arith.addf %add3A_748, %mul3A_780 : vector<256x256xf32>
    %neg3A_782 = arith.constant 0.000000e+00 : f32
    %neg3A_783 = arith.subf %neg3A_782, %squeeze3A_758 : f32
    %mul3A_784 = arith.mulf %neg3A_783, %squeeze3A_758 : f32
    %slice3A_785 = vector.extract_strided_slice %div3A_36 {offsets = [21, 0], sizes = [1, 1], strides = [1, 1]} : vector<32x1xf32> to vector<1x1xf32>
    %squeeze3A_786 = vector.extract %slice3A_785[0, 0] : f32 from vector<1x1xf32>
    %mul3A_787 = arith.mulf %mul3A_784, %squeeze3A_786 : f32
    %mul3A_788 = arith.mulf %mul3A_787, %div3A_765 : f32
    %add3A_789 = arith.addf %add3A_756, %mul3A_788 : f32
    %slice3A_790 = vector.extract_strided_slice %broadcast_in_dim3A_31 {offsets = [22, 0], sizes = [1, 1], strides = [1, 1]} : vector<32x1xf32> to vector<1x1xf32>
    %squeeze3A_791 = vector.extract %slice3A_790[0, 0] : f32 from vector<1x1xf32>
    %sub3A_792 = arith.constant 1.000000e+00 : f32
    %sub3A_793 = arith.subf %squeeze3A_791, %sub3A_792 : f32
    %mul3A_794 = arith.mulf %sub3A_793, %squeeze3A_791 : f32
    %add3A_795 = arith.constant 9.99999974E-5 : f32
    %add3A_796 = arith.addf %mul3A_794, %add3A_795 : f32
    %div3A_797 = arith.constant 1.000000e+00 : f32
    %div3A_798 = arith.divf %div3A_797, %add3A_796 : f32
    %slice3A_799 = vector.extract_strided_slice %select_n3A {offsets = [22, 0], sizes = [1, 256], strides = [1, 1]} : vector<32x256xf32> to vector<1x256xf32>
    %slice3A_800 = vector.extract_strided_slice %select_n3A_64 {offsets = [22, 0], sizes = [1, 256], strides = [1, 1]} : vector<32x256xf32> to vector<1x256xf32>
    %dot_general3A_801 = arith.constant dense<0.000000e+00> : vector<256x256xf32>
    %dot_general3A_802 = tpu.matmul %slice3A_800, %broadcast_in_dim3A_29, %dot_general3A_801 {dimension_numbers = #tpu.dot_dimension_numbers<[0], [0], [1], [1], [0, 1, 1, 1], [], []>, transpose_lhs_hint = false} : vector<1x256xf32>, vector<1x256xf32>, vector<256x256xf32> -> vector<256x256xf32>
    %sub3A_803 = vector.broadcast %slice3A_799 : vector<1x256xf32> to vector<256x256xf32>
    %sub3A_804 = arith.subf %sub3A_803, %dot_general3A_802 : vector<256x256xf32>
    %abs3A_805 = math.absf %sub3A_804 : vector<256x256xf32>
    %sub3A_806 = arith.constant 1.000000e+00 : f32
    %sub3A_807 = vector.broadcast %sub3A_806 : f32 to vector<256x256xf32>
    %sub3A_808 = arith.subf %sub3A_807, %abs3A_805 : vector<256x256xf32>
    %max3A_809 = arith.constant 0.000000e+00 : f32
    %max3A_810 = vector.broadcast %max3A_809 : f32 to vector<256x256xf32>
    %max3A_811 = arith.maximumf %sub3A_808, %max3A_810 : vector<256x256xf32>
    %mul3A_812 = vector.broadcast %div3A_798 : f32 to vector<256x256xf32>
    %mul3A_813 = arith.mulf %max3A_811, %mul3A_812 : vector<256x256xf32>
    %add3A_814 = arith.addf %add3A_781, %mul3A_813 : vector<256x256xf32>
    %neg3A_815 = arith.constant 0.000000e+00 : f32
    %neg3A_816 = arith.subf %neg3A_815, %squeeze3A_791 : f32
    %mul3A_817 = arith.mulf %neg3A_816, %squeeze3A_791 : f32
    %slice3A_818 = vector.extract_strided_slice %div3A_36 {offsets = [22, 0], sizes = [1, 1], strides = [1, 1]} : vector<32x1xf32> to vector<1x1xf32>
    %squeeze3A_819 = vector.extract %slice3A_818[0, 0] : f32 from vector<1x1xf32>
    %mul3A_820 = arith.mulf %mul3A_817, %squeeze3A_819 : f32
    %mul3A_821 = arith.mulf %mul3A_820, %div3A_798 : f32
    %add3A_822 = arith.addf %add3A_789, %mul3A_821 : f32
    %slice3A_823 = vector.extract_strided_slice %broadcast_in_dim3A_31 {offsets = [23, 0], sizes = [1, 1], strides = [1, 1]} : vector<32x1xf32> to vector<1x1xf32>
    %squeeze3A_824 = vector.extract %slice3A_823[0, 0] : f32 from vector<1x1xf32>
    %sub3A_825 = arith.constant 1.000000e+00 : f32
    %sub3A_826 = arith.subf %squeeze3A_824, %sub3A_825 : f32
    %mul3A_827 = arith.mulf %sub3A_826, %squeeze3A_824 : f32
    %add3A_828 = arith.constant 9.99999974E-5 : f32
    %add3A_829 = arith.addf %mul3A_827, %add3A_828 : f32
    %div3A_830 = arith.constant 1.000000e+00 : f32
    %div3A_831 = arith.divf %div3A_830, %add3A_829 : f32
    %slice3A_832 = vector.extract_strided_slice %select_n3A {offsets = [23, 0], sizes = [1, 256], strides = [1, 1]} : vector<32x256xf32> to vector<1x256xf32>
    %slice3A_833 = vector.extract_strided_slice %select_n3A_64 {offsets = [23, 0], sizes = [1, 256], strides = [1, 1]} : vector<32x256xf32> to vector<1x256xf32>
    %dot_general3A_834 = arith.constant dense<0.000000e+00> : vector<256x256xf32>
    %dot_general3A_835 = tpu.matmul %slice3A_833, %broadcast_in_dim3A_29, %dot_general3A_834 {dimension_numbers = #tpu.dot_dimension_numbers<[0], [0], [1], [1], [0, 1, 1, 1], [], []>, transpose_lhs_hint = false} : vector<1x256xf32>, vector<1x256xf32>, vector<256x256xf32> -> vector<256x256xf32>
    %sub3A_836 = vector.broadcast %slice3A_832 : vector<1x256xf32> to vector<256x256xf32>
    %sub3A_837 = arith.subf %sub3A_836, %dot_general3A_835 : vector<256x256xf32>
    %abs3A_838 = math.absf %sub3A_837 : vector<256x256xf32>
    %sub3A_839 = arith.constant 1.000000e+00 : f32
    %sub3A_840 = vector.broadcast %sub3A_839 : f32 to vector<256x256xf32>
    %sub3A_841 = arith.subf %sub3A_840, %abs3A_838 : vector<256x256xf32>
    %max3A_842 = arith.constant 0.000000e+00 : f32
    %max3A_843 = vector.broadcast %max3A_842 : f32 to vector<256x256xf32>
    %max3A_844 = arith.maximumf %sub3A_841, %max3A_843 : vector<256x256xf32>
    %mul3A_845 = vector.broadcast %div3A_831 : f32 to vector<256x256xf32>
    %mul3A_846 = arith.mulf %max3A_844, %mul3A_845 : vector<256x256xf32>
    %add3A_847 = arith.addf %add3A_814, %mul3A_846 : vector<256x256xf32>
    %neg3A_848 = arith.constant 0.000000e+00 : f32
    %neg3A_849 = arith.subf %neg3A_848, %squeeze3A_824 : f32
    %mul3A_850 = arith.mulf %neg3A_849, %squeeze3A_824 : f32
    %slice3A_851 = vector.extract_strided_slice %div3A_36 {offsets = [23, 0], sizes = [1, 1], strides = [1, 1]} : vector<32x1xf32> to vector<1x1xf32>
    %squeeze3A_852 = vector.extract %slice3A_851[0, 0] : f32 from vector<1x1xf32>
    %mul3A_853 = arith.mulf %mul3A_850, %squeeze3A_852 : f32
    %mul3A_854 = arith.mulf %mul3A_853, %div3A_831 : f32
    %add3A_855 = arith.addf %add3A_822, %mul3A_854 : f32
    %slice3A_856 = vector.extract_strided_slice %broadcast_in_dim3A_31 {offsets = [24, 0], sizes = [1, 1], strides = [1, 1]} : vector<32x1xf32> to vector<1x1xf32>
    %squeeze3A_857 = vector.extract %slice3A_856[0, 0] : f32 from vector<1x1xf32>
    %sub3A_858 = arith.constant 1.000000e+00 : f32
    %sub3A_859 = arith.subf %squeeze3A_857, %sub3A_858 : f32
    %mul3A_860 = arith.mulf %sub3A_859, %squeeze3A_857 : f32
    %add3A_861 = arith.constant 9.99999974E-5 : f32
    %add3A_862 = arith.addf %mul3A_860, %add3A_861 : f32
    %div3A_863 = arith.constant 1.000000e+00 : f32
    %div3A_864 = arith.divf %div3A_863, %add3A_862 : f32
    %slice3A_865 = vector.extract_strided_slice %select_n3A {offsets = [24, 0], sizes = [1, 256], strides = [1, 1]} : vector<32x256xf32> to vector<1x256xf32>
    %slice3A_866 = vector.extract_strided_slice %select_n3A_64 {offsets = [24, 0], sizes = [1, 256], strides = [1, 1]} : vector<32x256xf32> to vector<1x256xf32>
    %dot_general3A_867 = arith.constant dense<0.000000e+00> : vector<256x256xf32>
    %dot_general3A_868 = tpu.matmul %slice3A_866, %broadcast_in_dim3A_29, %dot_general3A_867 {dimension_numbers = #tpu.dot_dimension_numbers<[0], [0], [1], [1], [0, 1, 1, 1], [], []>, transpose_lhs_hint = false} : vector<1x256xf32>, vector<1x256xf32>, vector<256x256xf32> -> vector<256x256xf32>
    %sub3A_869 = vector.broadcast %slice3A_865 : vector<1x256xf32> to vector<256x256xf32>
    %sub3A_870 = arith.subf %sub3A_869, %dot_general3A_868 : vector<256x256xf32>
    %abs3A_871 = math.absf %sub3A_870 : vector<256x256xf32>
    %sub3A_872 = arith.constant 1.000000e+00 : f32
    %sub3A_873 = vector.broadcast %sub3A_872 : f32 to vector<256x256xf32>
    %sub3A_874 = arith.subf %sub3A_873, %abs3A_871 : vector<256x256xf32>
    %max3A_875 = arith.constant 0.000000e+00 : f32
    %max3A_876 = vector.broadcast %max3A_875 : f32 to vector<256x256xf32>
    %max3A_877 = arith.maximumf %sub3A_874, %max3A_876 : vector<256x256xf32>
    %mul3A_878 = vector.broadcast %div3A_864 : f32 to vector<256x256xf32>
    %mul3A_879 = arith.mulf %max3A_877, %mul3A_878 : vector<256x256xf32>
    %add3A_880 = arith.addf %add3A_847, %mul3A_879 : vector<256x256xf32>
    %neg3A_881 = arith.constant 0.000000e+00 : f32
    %neg3A_882 = arith.subf %neg3A_881, %squeeze3A_857 : f32
    %mul3A_883 = arith.mulf %neg3A_882, %squeeze3A_857 : f32
    %slice3A_884 = vector.extract_strided_slice %div3A_36 {offsets = [24, 0], sizes = [1, 1], strides = [1, 1]} : vector<32x1xf32> to vector<1x1xf32>
    %squeeze3A_885 = vector.extract %slice3A_884[0, 0] : f32 from vector<1x1xf32>
    %mul3A_886 = arith.mulf %mul3A_883, %squeeze3A_885 : f32
    %mul3A_887 = arith.mulf %mul3A_886, %div3A_864 : f32
    %add3A_888 = arith.addf %add3A_855, %mul3A_887 : f32
    %slice3A_889 = vector.extract_strided_slice %broadcast_in_dim3A_31 {offsets = [25, 0], sizes = [1, 1], strides = [1, 1]} : vector<32x1xf32> to vector<1x1xf32>
    %squeeze3A_890 = vector.extract %slice3A_889[0, 0] : f32 from vector<1x1xf32>
    %sub3A_891 = arith.constant 1.000000e+00 : f32
    %sub3A_892 = arith.subf %squeeze3A_890, %sub3A_891 : f32
    %mul3A_893 = arith.mulf %sub3A_892, %squeeze3A_890 : f32
    %add3A_894 = arith.constant 9.99999974E-5 : f32
    %add3A_895 = arith.addf %mul3A_893, %add3A_894 : f32
    %div3A_896 = arith.constant 1.000000e+00 : f32
    %div3A_897 = arith.divf %div3A_896, %add3A_895 : f32
    %slice3A_898 = vector.extract_strided_slice %select_n3A {offsets = [25, 0], sizes = [1, 256], strides = [1, 1]} : vector<32x256xf32> to vector<1x256xf32>
    %slice3A_899 = vector.extract_strided_slice %select_n3A_64 {offsets = [25, 0], sizes = [1, 256], strides = [1, 1]} : vector<32x256xf32> to vector<1x256xf32>
    %dot_general3A_900 = arith.constant dense<0.000000e+00> : vector<256x256xf32>
    %dot_general3A_901 = tpu.matmul %slice3A_899, %broadcast_in_dim3A_29, %dot_general3A_900 {dimension_numbers = #tpu.dot_dimension_numbers<[0], [0], [1], [1], [0, 1, 1, 1], [], []>, transpose_lhs_hint = false} : vector<1x256xf32>, vector<1x256xf32>, vector<256x256xf32> -> vector<256x256xf32>
    %sub3A_902 = vector.broadcast %slice3A_898 : vector<1x256xf32> to vector<256x256xf32>
    %sub3A_903 = arith.subf %sub3A_902, %dot_general3A_901 : vector<256x256xf32>
    %abs3A_904 = math.absf %sub3A_903 : vector<256x256xf32>
    %sub3A_905 = arith.constant 1.000000e+00 : f32
    %sub3A_906 = vector.broadcast %sub3A_905 : f32 to vector<256x256xf32>
    %sub3A_907 = arith.subf %sub3A_906, %abs3A_904 : vector<256x256xf32>
    %max3A_908 = arith.constant 0.000000e+00 : f32
    %max3A_909 = vector.broadcast %max3A_908 : f32 to vector<256x256xf32>
    %max3A_910 = arith.maximumf %sub3A_907, %max3A_909 : vector<256x256xf32>
    %mul3A_911 = vector.broadcast %div3A_897 : f32 to vector<256x256xf32>
    %mul3A_912 = arith.mulf %max3A_910, %mul3A_911 : vector<256x256xf32>
    %add3A_913 = arith.addf %add3A_880, %mul3A_912 : vector<256x256xf32>
    %neg3A_914 = arith.constant 0.000000e+00 : f32
    %neg3A_915 = arith.subf %neg3A_914, %squeeze3A_890 : f32
    %mul3A_916 = arith.mulf %neg3A_915, %squeeze3A_890 : f32
    %slice3A_917 = vector.extract_strided_slice %div3A_36 {offsets = [25, 0], sizes = [1, 1], strides = [1, 1]} : vector<32x1xf32> to vector<1x1xf32>
    %squeeze3A_918 = vector.extract %slice3A_917[0, 0] : f32 from vector<1x1xf32>
    %mul3A_919 = arith.mulf %mul3A_916, %squeeze3A_918 : f32
    %mul3A_920 = arith.mulf %mul3A_919, %div3A_897 : f32
    %add3A_921 = arith.addf %add3A_888, %mul3A_920 : f32
    %slice3A_922 = vector.extract_strided_slice %broadcast_in_dim3A_31 {offsets = [26, 0], sizes = [1, 1], strides = [1, 1]} : vector<32x1xf32> to vector<1x1xf32>
    %squeeze3A_923 = vector.extract %slice3A_922[0, 0] : f32 from vector<1x1xf32>
    %sub3A_924 = arith.constant 1.000000e+00 : f32
    %sub3A_925 = arith.subf %squeeze3A_923, %sub3A_924 : f32
    %mul3A_926 = arith.mulf %sub3A_925, %squeeze3A_923 : f32
    %add3A_927 = arith.constant 9.99999974E-5 : f32
    %add3A_928 = arith.addf %mul3A_926, %add3A_927 : f32
    %div3A_929 = arith.constant 1.000000e+00 : f32
    %div3A_930 = arith.divf %div3A_929, %add3A_928 : f32
    %slice3A_931 = vector.extract_strided_slice %select_n3A {offsets = [26, 0], sizes = [1, 256], strides = [1, 1]} : vector<32x256xf32> to vector<1x256xf32>
    %slice3A_932 = vector.extract_strided_slice %select_n3A_64 {offsets = [26, 0], sizes = [1, 256], strides = [1, 1]} : vector<32x256xf32> to vector<1x256xf32>
    %dot_general3A_933 = arith.constant dense<0.000000e+00> : vector<256x256xf32>
    %dot_general3A_934 = tpu.matmul %slice3A_932, %broadcast_in_dim3A_29, %dot_general3A_933 {dimension_numbers = #tpu.dot_dimension_numbers<[0], [0], [1], [1], [0, 1, 1, 1], [], []>, transpose_lhs_hint = false} : vector<1x256xf32>, vector<1x256xf32>, vector<256x256xf32> -> vector<256x256xf32>
    %sub3A_935 = vector.broadcast %slice3A_931 : vector<1x256xf32> to vector<256x256xf32>
    %sub3A_936 = arith.subf %sub3A_935, %dot_general3A_934 : vector<256x256xf32>
    %abs3A_937 = math.absf %sub3A_936 : vector<256x256xf32>
    %sub3A_938 = arith.constant 1.000000e+00 : f32
    %sub3A_939 = vector.broadcast %sub3A_938 : f32 to vector<256x256xf32>
    %sub3A_940 = arith.subf %sub3A_939, %abs3A_937 : vector<256x256xf32>
    %max3A_941 = arith.constant 0.000000e+00 : f32
    %max3A_942 = vector.broadcast %max3A_941 : f32 to vector<256x256xf32>
    %max3A_943 = arith.maximumf %sub3A_940, %max3A_942 : vector<256x256xf32>
    %mul3A_944 = vector.broadcast %div3A_930 : f32 to vector<256x256xf32>
    %mul3A_945 = arith.mulf %max3A_943, %mul3A_944 : vector<256x256xf32>
    %add3A_946 = arith.addf %add3A_913, %mul3A_945 : vector<256x256xf32>
    %neg3A_947 = arith.constant 0.000000e+00 : f32
    %neg3A_948 = arith.subf %neg3A_947, %squeeze3A_923 : f32
    %mul3A_949 = arith.mulf %neg3A_948, %squeeze3A_923 : f32
    %slice3A_950 = vector.extract_strided_slice %div3A_36 {offsets = [26, 0], sizes = [1, 1], strides = [1, 1]} : vector<32x1xf32> to vector<1x1xf32>
    %squeeze3A_951 = vector.extract %slice3A_950[0, 0] : f32 from vector<1x1xf32>
    %mul3A_952 = arith.mulf %mul3A_949, %squeeze3A_951 : f32
    %mul3A_953 = arith.mulf %mul3A_952, %div3A_930 : f32
    %add3A_954 = arith.addf %add3A_921, %mul3A_953 : f32
    %slice3A_955 = vector.extract_strided_slice %broadcast_in_dim3A_31 {offsets = [27, 0], sizes = [1, 1], strides = [1, 1]} : vector<32x1xf32> to vector<1x1xf32>
    %squeeze3A_956 = vector.extract %slice3A_955[0, 0] : f32 from vector<1x1xf32>
    %sub3A_957 = arith.constant 1.000000e+00 : f32
    %sub3A_958 = arith.subf %squeeze3A_956, %sub3A_957 : f32
    %mul3A_959 = arith.mulf %sub3A_958, %squeeze3A_956 : f32
    %add3A_960 = arith.constant 9.99999974E-5 : f32
    %add3A_961 = arith.addf %mul3A_959, %add3A_960 : f32
    %div3A_962 = arith.constant 1.000000e+00 : f32
    %div3A_963 = arith.divf %div3A_962, %add3A_961 : f32
    %slice3A_964 = vector.extract_strided_slice %select_n3A {offsets = [27, 0], sizes = [1, 256], strides = [1, 1]} : vector<32x256xf32> to vector<1x256xf32>
    %slice3A_965 = vector.extract_strided_slice %select_n3A_64 {offsets = [27, 0], sizes = [1, 256], strides = [1, 1]} : vector<32x256xf32> to vector<1x256xf32>
    %dot_general3A_966 = arith.constant dense<0.000000e+00> : vector<256x256xf32>
    %dot_general3A_967 = tpu.matmul %slice3A_965, %broadcast_in_dim3A_29, %dot_general3A_966 {dimension_numbers = #tpu.dot_dimension_numbers<[0], [0], [1], [1], [0, 1, 1, 1], [], []>, transpose_lhs_hint = false} : vector<1x256xf32>, vector<1x256xf32>, vector<256x256xf32> -> vector<256x256xf32>
    %sub3A_968 = vector.broadcast %slice3A_964 : vector<1x256xf32> to vector<256x256xf32>
    %sub3A_969 = arith.subf %sub3A_968, %dot_general3A_967 : vector<256x256xf32>
    %abs3A_970 = math.absf %sub3A_969 : vector<256x256xf32>
    %sub3A_971 = arith.constant 1.000000e+00 : f32
    %sub3A_972 = vector.broadcast %sub3A_971 : f32 to vector<256x256xf32>
    %sub3A_973 = arith.subf %sub3A_972, %abs3A_970 : vector<256x256xf32>
    %max3A_974 = arith.constant 0.000000e+00 : f32
    %max3A_975 = vector.broadcast %max3A_974 : f32 to vector<256x256xf32>
    %max3A_976 = arith.maximumf %sub3A_973, %max3A_975 : vector<256x256xf32>
    %mul3A_977 = vector.broadcast %div3A_963 : f32 to vector<256x256xf32>
    %mul3A_978 = arith.mulf %max3A_976, %mul3A_977 : vector<256x256xf32>
    %add3A_979 = arith.addf %add3A_946, %mul3A_978 : vector<256x256xf32>
    %neg3A_980 = arith.constant 0.000000e+00 : f32
    %neg3A_981 = arith.subf %neg3A_980, %squeeze3A_956 : f32
    %mul3A_982 = arith.mulf %neg3A_981, %squeeze3A_956 : f32
    %slice3A_983 = vector.extract_strided_slice %div3A_36 {offsets = [27, 0], sizes = [1, 1], strides = [1, 1]} : vector<32x1xf32> to vector<1x1xf32>
    %squeeze3A_984 = vector.extract %slice3A_983[0, 0] : f32 from vector<1x1xf32>
    %mul3A_985 = arith.mulf %mul3A_982, %squeeze3A_984 : f32
    %mul3A_986 = arith.mulf %mul3A_985, %div3A_963 : f32
    %add3A_987 = arith.addf %add3A_954, %mul3A_986 : f32
    %slice3A_988 = vector.extract_strided_slice %broadcast_in_dim3A_31 {offsets = [28, 0], sizes = [1, 1], strides = [1, 1]} : vector<32x1xf32> to vector<1x1xf32>
    %squeeze3A_989 = vector.extract %slice3A_988[0, 0] : f32 from vector<1x1xf32>
    %sub3A_990 = arith.constant 1.000000e+00 : f32
    %sub3A_991 = arith.subf %squeeze3A_989, %sub3A_990 : f32
    %mul3A_992 = arith.mulf %sub3A_991, %squeeze3A_989 : f32
    %add3A_993 = arith.constant 9.99999974E-5 : f32
    %add3A_994 = arith.addf %mul3A_992, %add3A_993 : f32
    %div3A_995 = arith.constant 1.000000e+00 : f32
    %div3A_996 = arith.divf %div3A_995, %add3A_994 : f32
    %slice3A_997 = vector.extract_strided_slice %select_n3A {offsets = [28, 0], sizes = [1, 256], strides = [1, 1]} : vector<32x256xf32> to vector<1x256xf32>
    %slice3A_998 = vector.extract_strided_slice %select_n3A_64 {offsets = [28, 0], sizes = [1, 256], strides = [1, 1]} : vector<32x256xf32> to vector<1x256xf32>
    %dot_general3A_999 = arith.constant dense<0.000000e+00> : vector<256x256xf32>
    %dot_general3A_1000 = tpu.matmul %slice3A_998, %broadcast_in_dim3A_29, %dot_general3A_999 {dimension_numbers = #tpu.dot_dimension_numbers<[0], [0], [1], [1], [0, 1, 1, 1], [], []>, transpose_lhs_hint = false} : vector<1x256xf32>, vector<1x256xf32>, vector<256x256xf32> -> vector<256x256xf32>
    %sub3A_1001 = vector.broadcast %slice3A_997 : vector<1x256xf32> to vector<256x256xf32>
    %sub3A_1002 = arith.subf %sub3A_1001, %dot_general3A_1000 : vector<256x256xf32>
    %abs3A_1003 = math.absf %sub3A_1002 : vector<256x256xf32>
    %sub3A_1004 = arith.constant 1.000000e+00 : f32
    %sub3A_1005 = vector.broadcast %sub3A_1004 : f32 to vector<256x256xf32>
    %sub3A_1006 = arith.subf %sub3A_1005, %abs3A_1003 : vector<256x256xf32>
    %max3A_1007 = arith.constant 0.000000e+00 : f32
    %max3A_1008 = vector.broadcast %max3A_1007 : f32 to vector<256x256xf32>
    %max3A_1009 = arith.maximumf %sub3A_1006, %max3A_1008 : vector<256x256xf32>
    %mul3A_1010 = vector.broadcast %div3A_996 : f32 to vector<256x256xf32>
    %mul3A_1011 = arith.mulf %max3A_1009, %mul3A_1010 : vector<256x256xf32>
    %add3A_1012 = arith.addf %add3A_979, %mul3A_1011 : vector<256x256xf32>
    %neg3A_1013 = arith.constant 0.000000e+00 : f32
    %neg3A_1014 = arith.subf %neg3A_1013, %squeeze3A_989 : f32
    %mul3A_1015 = arith.mulf %neg3A_1014, %squeeze3A_989 : f32
    %slice3A_1016 = vector.extract_strided_slice %div3A_36 {offsets = [28, 0], sizes = [1, 1], strides = [1, 1]} : vector<32x1xf32> to vector<1x1xf32>
    %squeeze3A_1017 = vector.extract %slice3A_1016[0, 0] : f32 from vector<1x1xf32>
    %mul3A_1018 = arith.mulf %mul3A_1015, %squeeze3A_1017 : f32
    %mul3A_1019 = arith.mulf %mul3A_1018, %div3A_996 : f32
    %add3A_1020 = arith.addf %add3A_987, %mul3A_1019 : f32
    %slice3A_1021 = vector.extract_strided_slice %broadcast_in_dim3A_31 {offsets = [29, 0], sizes = [1, 1], strides = [1, 1]} : vector<32x1xf32> to vector<1x1xf32>
    %squeeze3A_1022 = vector.extract %slice3A_1021[0, 0] : f32 from vector<1x1xf32>
    %sub3A_1023 = arith.constant 1.000000e+00 : f32
    %sub3A_1024 = arith.subf %squeeze3A_1022, %sub3A_1023 : f32
    %mul3A_1025 = arith.mulf %sub3A_1024, %squeeze3A_1022 : f32
    %add3A_1026 = arith.constant 9.99999974E-5 : f32
    %add3A_1027 = arith.addf %mul3A_1025, %add3A_1026 : f32
    %div3A_1028 = arith.constant 1.000000e+00 : f32
    %div3A_1029 = arith.divf %div3A_1028, %add3A_1027 : f32
    %slice3A_1030 = vector.extract_strided_slice %select_n3A {offsets = [29, 0], sizes = [1, 256], strides = [1, 1]} : vector<32x256xf32> to vector<1x256xf32>
    %slice3A_1031 = vector.extract_strided_slice %select_n3A_64 {offsets = [29, 0], sizes = [1, 256], strides = [1, 1]} : vector<32x256xf32> to vector<1x256xf32>
    %dot_general3A_1032 = arith.constant dense<0.000000e+00> : vector<256x256xf32>
    %dot_general3A_1033 = tpu.matmul %slice3A_1031, %broadcast_in_dim3A_29, %dot_general3A_1032 {dimension_numbers = #tpu.dot_dimension_numbers<[0], [0], [1], [1], [0, 1, 1, 1], [], []>, transpose_lhs_hint = false} : vector<1x256xf32>, vector<1x256xf32>, vector<256x256xf32> -> vector<256x256xf32>
    %sub3A_1034 = vector.broadcast %slice3A_1030 : vector<1x256xf32> to vector<256x256xf32>
    %sub3A_1035 = arith.subf %sub3A_1034, %dot_general3A_1033 : vector<256x256xf32>
    %abs3A_1036 = math.absf %sub3A_1035 : vector<256x256xf32>
    %sub3A_1037 = arith.constant 1.000000e+00 : f32
    %sub3A_1038 = vector.broadcast %sub3A_1037 : f32 to vector<256x256xf32>
    %sub3A_1039 = arith.subf %sub3A_1038, %abs3A_1036 : vector<256x256xf32>
    %max3A_1040 = arith.constant 0.000000e+00 : f32
    %max3A_1041 = vector.broadcast %max3A_1040 : f32 to vector<256x256xf32>
    %max3A_1042 = arith.maximumf %sub3A_1039, %max3A_1041 : vector<256x256xf32>
    %mul3A_1043 = vector.broadcast %div3A_1029 : f32 to vector<256x256xf32>
    %mul3A_1044 = arith.mulf %max3A_1042, %mul3A_1043 : vector<256x256xf32>
    %add3A_1045 = arith.addf %add3A_1012, %mul3A_1044 : vector<256x256xf32>
    %neg3A_1046 = arith.constant 0.000000e+00 : f32
    %neg3A_1047 = arith.subf %neg3A_1046, %squeeze3A_1022 : f32
    %mul3A_1048 = arith.mulf %neg3A_1047, %squeeze3A_1022 : f32
    %slice3A_1049 = vector.extract_strided_slice %div3A_36 {offsets = [29, 0], sizes = [1, 1], strides = [1, 1]} : vector<32x1xf32> to vector<1x1xf32>
    %squeeze3A_1050 = vector.extract %slice3A_1049[0, 0] : f32 from vector<1x1xf32>
    %mul3A_1051 = arith.mulf %mul3A_1048, %squeeze3A_1050 : f32
    %mul3A_1052 = arith.mulf %mul3A_1051, %div3A_1029 : f32
    %add3A_1053 = arith.addf %add3A_1020, %mul3A_1052 : f32
    %slice3A_1054 = vector.extract_strided_slice %broadcast_in_dim3A_31 {offsets = [30, 0], sizes = [1, 1], strides = [1, 1]} : vector<32x1xf32> to vector<1x1xf32>
    %squeeze3A_1055 = vector.extract %slice3A_1054[0, 0] : f32 from vector<1x1xf32>
    %sub3A_1056 = arith.constant 1.000000e+00 : f32
    %sub3A_1057 = arith.subf %squeeze3A_1055, %sub3A_1056 : f32
    %mul3A_1058 = arith.mulf %sub3A_1057, %squeeze3A_1055 : f32
    %add3A_1059 = arith.constant 9.99999974E-5 : f32
    %add3A_1060 = arith.addf %mul3A_1058, %add3A_1059 : f32
    %div3A_1061 = arith.constant 1.000000e+00 : f32
    %div3A_1062 = arith.divf %div3A_1061, %add3A_1060 : f32
    %slice3A_1063 = vector.extract_strided_slice %select_n3A {offsets = [30, 0], sizes = [1, 256], strides = [1, 1]} : vector<32x256xf32> to vector<1x256xf32>
    %slice3A_1064 = vector.extract_strided_slice %select_n3A_64 {offsets = [30, 0], sizes = [1, 256], strides = [1, 1]} : vector<32x256xf32> to vector<1x256xf32>
    %dot_general3A_1065 = arith.constant dense<0.000000e+00> : vector<256x256xf32>
    %dot_general3A_1066 = tpu.matmul %slice3A_1064, %broadcast_in_dim3A_29, %dot_general3A_1065 {dimension_numbers = #tpu.dot_dimension_numbers<[0], [0], [1], [1], [0, 1, 1, 1], [], []>, transpose_lhs_hint = false} : vector<1x256xf32>, vector<1x256xf32>, vector<256x256xf32> -> vector<256x256xf32>
    %sub3A_1067 = vector.broadcast %slice3A_1063 : vector<1x256xf32> to vector<256x256xf32>
    %sub3A_1068 = arith.subf %sub3A_1067, %dot_general3A_1066 : vector<256x256xf32>
    %abs3A_1069 = math.absf %sub3A_1068 : vector<256x256xf32>
    %sub3A_1070 = arith.constant 1.000000e+00 : f32
    %sub3A_1071 = vector.broadcast %sub3A_1070 : f32 to vector<256x256xf32>
    %sub3A_1072 = arith.subf %sub3A_1071, %abs3A_1069 : vector<256x256xf32>
    %max3A_1073 = arith.constant 0.000000e+00 : f32
    %max3A_1074 = vector.broadcast %max3A_1073 : f32 to vector<256x256xf32>
    %max3A_1075 = arith.maximumf %sub3A_1072, %max3A_1074 : vector<256x256xf32>
    %mul3A_1076 = vector.broadcast %div3A_1062 : f32 to vector<256x256xf32>
    %mul3A_1077 = arith.mulf %max3A_1075, %mul3A_1076 : vector<256x256xf32>
    %add3A_1078 = arith.addf %add3A_1045, %mul3A_1077 : vector<256x256xf32>
    %neg3A_1079 = arith.constant 0.000000e+00 : f32
    %neg3A_1080 = arith.subf %neg3A_1079, %squeeze3A_1055 : f32
    %mul3A_1081 = arith.mulf %neg3A_1080, %squeeze3A_1055 : f32
    %slice3A_1082 = vector.extract_strided_slice %div3A_36 {offsets = [30, 0], sizes = [1, 1], strides = [1, 1]} : vector<32x1xf32> to vector<1x1xf32>
    %squeeze3A_1083 = vector.extract %slice3A_1082[0, 0] : f32 from vector<1x1xf32>
    %mul3A_1084 = arith.mulf %mul3A_1081, %squeeze3A_1083 : f32
    %mul3A_1085 = arith.mulf %mul3A_1084, %div3A_1062 : f32
    %add3A_1086 = arith.addf %add3A_1053, %mul3A_1085 : f32
    %slice3A_1087 = vector.extract_strided_slice %broadcast_in_dim3A_31 {offsets = [31, 0], sizes = [1, 1], strides = [1, 1]} : vector<32x1xf32> to vector<1x1xf32>
    %squeeze3A_1088 = vector.extract %slice3A_1087[0, 0] : f32 from vector<1x1xf32>
    %sub3A_1089 = arith.constant 1.000000e+00 : f32
    %sub3A_1090 = arith.subf %squeeze3A_1088, %sub3A_1089 : f32
    %mul3A_1091 = arith.mulf %sub3A_1090, %squeeze3A_1088 : f32
    %add3A_1092 = arith.constant 9.99999974E-5 : f32
    %add3A_1093 = arith.addf %mul3A_1091, %add3A_1092 : f32
    %div3A_1094 = arith.constant 1.000000e+00 : f32
    %div3A_1095 = arith.divf %div3A_1094, %add3A_1093 : f32
    %slice3A_1096 = vector.extract_strided_slice %select_n3A {offsets = [31, 0], sizes = [1, 256], strides = [1, 1]} : vector<32x256xf32> to vector<1x256xf32>
    %slice3A_1097 = vector.extract_strided_slice %select_n3A_64 {offsets = [31, 0], sizes = [1, 256], strides = [1, 1]} : vector<32x256xf32> to vector<1x256xf32>
    %dot_general3A_1098 = arith.constant dense<0.000000e+00> : vector<256x256xf32>
    %dot_general3A_1099 = tpu.matmul %slice3A_1097, %broadcast_in_dim3A_29, %dot_general3A_1098 {dimension_numbers = #tpu.dot_dimension_numbers<[0], [0], [1], [1], [0, 1, 1, 1], [], []>, transpose_lhs_hint = false} : vector<1x256xf32>, vector<1x256xf32>, vector<256x256xf32> -> vector<256x256xf32>
    %sub3A_1100 = vector.broadcast %slice3A_1096 : vector<1x256xf32> to vector<256x256xf32>
    %sub3A_1101 = arith.subf %sub3A_1100, %dot_general3A_1099 : vector<256x256xf32>
    %abs3A_1102 = math.absf %sub3A_1101 : vector<256x256xf32>
    %sub3A_1103 = arith.constant 1.000000e+00 : f32
    %sub3A_1104 = vector.broadcast %sub3A_1103 : f32 to vector<256x256xf32>
    %sub3A_1105 = arith.subf %sub3A_1104, %abs3A_1102 : vector<256x256xf32>
    %max3A_1106 = arith.constant 0.000000e+00 : f32
    %max3A_1107 = vector.broadcast %max3A_1106 : f32 to vector<256x256xf32>
    %max3A_1108 = arith.maximumf %sub3A_1105, %max3A_1107 : vector<256x256xf32>
    %mul3A_1109 = vector.broadcast %div3A_1095 : f32 to vector<256x256xf32>
    %mul3A_1110 = arith.mulf %max3A_1108, %mul3A_1109 : vector<256x256xf32>
    %add3A_1111 = arith.addf %add3A_1078, %mul3A_1110 : vector<256x256xf32>
    %neg3A_1112 = arith.constant 0.000000e+00 : f32
    %neg3A_1113 = arith.subf %neg3A_1112, %squeeze3A_1088 : f32
    %mul3A_1114 = arith.mulf %neg3A_1113, %squeeze3A_1088 : f32
    %slice3A_1115 = vector.extract_strided_slice %div3A_36 {offsets = [31, 0], sizes = [1, 1], strides = [1, 1]} : vector<32x1xf32> to vector<1x1xf32>
    %squeeze3A_1116 = vector.extract %slice3A_1115[0, 0] : f32 from vector<1x1xf32>
    %mul3A_1117 = arith.mulf %mul3A_1114, %squeeze3A_1116 : f32
    %mul3A_1118 = arith.mulf %mul3A_1117, %div3A_1095 : f32
    %add3A_1119 = arith.addf %add3A_1086, %mul3A_1118 : f32
    %eq3A = arith.constant 0 : i32
    %eq3A_1120 = arith.cmpi eq, %arg0, %eq3A : i32
    %convert_element_type3A_1121 = arith.extui %eq3A_1120 : i1 to i32
    %cond3A = arith.constant 0 : i32
    %cond3A_1122 = arith.cmpi ne, %convert_element_type3A_1121, %cond3A : i32
    scf.if %cond3A_1122 {
      %swap3A_1142 = arith.constant 0.000000e+00 : f32
      %swap3A_1143 = arith.constant 0 : index
      %swap3A_1144 = arith.constant 0 : index
      %swap3A_1145 = memref.load %arg3[%swap3A_1143, %swap3A_1144] : memref<1x1xf32, #tpu.memory_space<smem>>
      memref.store %swap3A_1142, %arg3[%swap3A_1143, %swap3A_1144] : memref<1x1xf32, #tpu.memory_space<smem>>
      %swap3A_1146 = arith.constant 0.000000e+00 : f32
      %swap3A_1147 = arith.constant 0 : index
      %swap3A_1148 = arith.constant 0 : index
      %swap3A_1149 = memref.load %arg4[%swap3A_1147, %swap3A_1148] : memref<1x1xf32, #tpu.memory_space<smem>>
      memref.store %swap3A_1146, %arg4[%swap3A_1147, %swap3A_1148] : memref<1x1xf32, #tpu.memory_space<smem>>
    } else {
    }
    %get3A_1123 = arith.constant 0 : index
    %get3A_1124 = arith.constant 0 : index
    %get3A_1125 = memref.load %arg3[%get3A_1123, %get3A_1124] : memref<1x1xf32, #tpu.memory_space<smem>>
    %add3A_1126 = arith.addf %get3A_1125, %reduce_sum3A_45 : f32
    %swap3A = arith.constant 0 : index
    %swap3A_1127 = arith.constant 0 : index
    %swap3A_1128 = memref.load %arg3[%swap3A, %swap3A_1127] : memref<1x1xf32, #tpu.memory_space<smem>>
    memref.store %add3A_1126, %arg3[%swap3A, %swap3A_1127] : memref<1x1xf32, #tpu.memory_space<smem>>
    %get3A_1129 = arith.constant 0 : index
    %get3A_1130 = arith.constant 0 : index
    %get3A_1131 = memref.load %arg4[%get3A_1129, %get3A_1130] : memref<1x1xf32, #tpu.memory_space<smem>>
    %reduce_sum3A_1132 = vector.shape_cast %add3A_1111 : vector<256x256xf32> to vector<1x256x256xf32>
    %reduce_sum3A_1133 = arith.constant dense<0.000000e+00> : vector<1xf32>
    %reduce_sum3A_1134 = vector.multi_reduction <add>, %reduce_sum3A_1132, %reduce_sum3A_1133 [1, 2] : vector<1x256x256xf32> to vector<1xf32>
    %reduce_sum3A_1135 = vector.shape_cast %reduce_sum3A_1134 : vector<1xf32> to vector<1x1x1xf32>
    %reduce_sum3A_1136 = vector.extract %reduce_sum3A_1135[0, 0, 0] : f32 from vector<1x1x1xf32>
    %add3A_1137 = arith.addf %add3A_1119, %reduce_sum3A_1136 : f32
    %add3A_1138 = arith.addf %get3A_1131, %add3A_1137 : f32
    %swap3A_1139 = arith.constant 0 : index
    %swap3A_1140 = arith.constant 0 : index
    %swap3A_1141 = memref.load %arg4[%swap3A_1139, %swap3A_1140] : memref<1x1xf32, #tpu.memory_space<smem>>
    memref.store %add3A_1138, %arg4[%swap3A_1139, %swap3A_1140] : memref<1x1xf32, #tpu.memory_space<smem>>
    return
  }
  func.func @transform_0(%arg0: i32) -> (i32, i32, i32, i32) {
    %c0_i32 = arith.constant 0 : i32
    %c0_i32_0 = arith.constant 0 : i32
    %c0_i32_1 = arith.constant 0 : i32
    %c0_i32_2 = arith.constant 0 : i32
    return %c0_i32, %arg0, %c0_i32_0, %c0_i32_1 : i32, i32, i32, i32
  }
  func.func @transform_1(%arg0: i32) -> (i32, i32) {
    %c0_i32 = arith.constant 0 : i32
    %c0_i32_0 = arith.constant 0 : i32
    return %arg0, %c0_i32 : i32, i32
  }
  func.func @transform_2(%arg0: i32) -> (i32, i32) {
    %c0_i32 = arith.constant 0 : i32
    %c0_i32_0 = arith.constant 0 : i32
    %c0_i32_1 = arith.constant 0 : i32
    return %c0_i32, %c0_i32_0 : i32, i32
  }
  func.func @transform_3(%arg0: i32) -> (i32, i32) {
    %c0_i32 = arith.constant 0 : i32
    %c0_i32_0 = arith.constant 0 : i32
    %c0_i32_1 = arith.constant 0 : i32
    return %c0_i32, %c0_i32_0 : i32, i32
  }
}

</mosaic_0001>

<sc_bundles>
// kernel: kernel.4.cloned.1.call-start
scs
__scs_entry_jumppad:
0x0: {  	(pc) =	sbr.rel $0x88, $3  }
0x1: {  	(tag) =	ssettag $0x0;
	lr =	simm.s32 $0x1  }
0x2: {  	[smem:$0x3F9A] =	sst lr;
	_ =	strace $0xD0000000  }
0x3: {  	_ = 	snop  }
0x4: {  	_ = 	snop  }
0x5: {  	_ = 	snop  }
0x6: {  	_ = 	snop  }
0x7: {  	_ = 	snop  }
__scs_overlays_trampoline_lowered:
0x8: {  	[smem:$0x3FA9] =	sst s0  }
0x9: {  	[smem:$0x3FAA] =	sst s1  }
0xa: {  	[smem:$0x3FAB] =	sst s2  }
0xb: {  	[smem:$0x3FAC] =	sst s3  }
0xc: {  	[smem:$0x3FAD] =	sst s4  }
0xd: {  	[smem:$0x3FAE] =	sst s5  }
0xe: {  	[smem:$0x3FAF] =	sst s6  }
0xf: {  	[smem:$0x3FB0] =	sst s7  }
0x10: {  	[smem:$0x3FB1] =	sst s8  }
0x11: {  	[smem:$0x3FB2] =	sst s9;
	s0 =	simm.s32 @!p0 $0x0  }
0x12: {  	s1 =	sld [smem:$0x3F98];
	s0 =	simm.s32 @p0 $0x1  }
0x13: {  	[smem:$0x3FB3] =	sst s0;
	s0 =	simm.s32 @!p1 $0x0  }
0x14: {  	s2 =	sld [smem:$0x3F97];
	s0 =	simm.s32 @p1 $0x1  }
0x15: {  	[smem:$0x3FB4] =	sst s0;
	s0 =	simm.s32 @!p2 $0x0  }
0x16: {  	s3 =	sld [smem:$0x3FDB];
	s0 =	simm.s32 @p2 $0x1  }
0x17: {  	s4 =	simm.s32 $0x1BF5;
	[smem:$0x3FB6] =	sst s0  }
0x18: {  	s0 =	sld [smem:$0x3F99];
	_ =	swait.ge [sflag:s4], $0x0  }
0x19: {  	s7 =	sld [smem:$0x3F9A]  }
0x1a: {  	s8 =	sadd.s32 $0xFFFFE003, lr  }
0x1b: {  	s9 =	sadd.s32 $0xFFFFFEF7, lr;
	s5 =	simm.s32 $0xFFFFFFFF;
	p2 =	slt.u32 s8, $0xFFFFF086  }
0x1c: {  	p1 =	slt.u32 s9, $0xF7A;
	s5 =	simm.s32 @!p2 $0x0  }
0x1d: {  	s5 =	simm.s32 @p1 $0x1;
	p0 =	seq.s32 s7, s2  }
0x1e: {  	s7 =	smul.u32 @!p0 $0xF7A, s2;
	p2 =	seq.s32 @!p0 s5, $0x0  }
0x1f: {  	s9 =	smul.u32 $0xF7A, s1;
	s8 =	simm.s32 @!p0 $0x1BF5;
	p2 =	por !p2, p0  }
0x20: {  	[sflag:s8] =	ssyncset.s32 @!p0 $0xFFFFF086;
	s6 =	sadd.s32 @!p0 s3, s7;
	s7 =	simm.s32 @!p0 $0x108  }
0x21: {  	s3 =	sadd.s32 s3, s9;
	s6 =	sadd.s32 @!p0 $0x88, s6;
	s7 =	simm.s32 @p2 $0x1082  }
0x22: {  	[simem:s7], [sflag:s8] =	dma.local @!p0 [hbm:s6], $0xF7A  }
0x23: {  	s9 =	sor.u32 $0xD0000000, s2;
	s6 =	simm.s32 $0x108;
	_ =	swait.ge @!p0 [sflag:s8], $0x0  }
0x24: {  	s3 =	sadd.s32 $0x88, s3;
	s6 =	simm.s32 @!p1 $0x1082;
	[sflag:s4] =	ssyncset.s32 $0xFFFFF086  }
0x25: {  	[simem:s6], [sflag:s4] =	dma.local [hbm:s3], $0xF7A  }
0x26: {  	[smem:$0x3F9A] =	sst s1;
	(tag) =	ssettag s2;
	_ =	strace s9  }
0x27: {  	s1 =	sld [smem:$0x3FAA]  }
0x28: {  	s2 =	sld [smem:$0x3FAB]  }
0x29: {  	s4 =	sld [smem:$0x3FAD]  }
0x2a: {  	p0 =	seq.s32 s5, $0x0;
	s5 =	sld [smem:$0x3FAE]  }
0x2b: {  	s6 =	sld [smem:$0x3FAF]  }
0x2c: {  	s7 =	sld [smem:$0x3FB0]  }
0x2d: {  	s3 =	simm.s32 $0x108;
	s8 =	sld [smem:$0x3FB1]  }
0x2e: {  	s3 =	simm.s32 @!p0 $0x1082;
	s9 =	sld [smem:$0x3FB2]  }
0x2f: {  	lr =	sadd.s32 s0, s3;
	s0 =	sld [smem:$0x3FA9]  }
0x30: {  	s3 =	sld [smem:$0x3FAC]  }
0x31: {  	[smem:$0x3FB5] =	sst s10  }
0x32: {  	s10 =	sld [smem:$0x3FB3];
	_ =	sdelay $0x3  }
0x33: {  	p0 =	seq.s32 s10, $0x1;
	s10 =	sld [smem:$0x3FB5];
	_ =	sdelay $0x3  }
0x34: {  	[smem:$0x3FB5] =	sst s10  }
0x35: {  	s10 =	sld [smem:$0x3FB4];
	_ =	sdelay $0x3  }
0x36: {  	p1 =	seq.s32 s10, $0x1;
	s10 =	sld [smem:$0x3FB5];
	_ =	sdelay $0x3  }
0x37: {  	[smem:$0x3FB5] =	sst s10  }
0x38: {  	s10 =	sld [smem:$0x3FB6]  }
0x39: {  	_ = 	snop;
	(pc) =	sbr.ind lr, $3  }
0x3a: {  	_ = 	snop  }
0x3b: {  	_ = 	snop  }
0x3c: {  	p2 =	seq.s32 s10, $0x1;
	s10 =	sld [smem:$0x3FB5]  }
0x3d: {  	_ =	shalt  }
0x3e: {  	_ =	shalt  }
0x3f: {  	_ =	shalt  }
0x40: {  	_ =	shalt  }
0x41: {  	_ =	shalt  }
0x42: {  	_ =	shalt  }
0x43: {  	_ =	shalt  }
0x44: {  	_ =	shalt  }
0x45: {  	_ =	shalt  }
0x46: {  	_ =	shalt  }
0x47: {  	_ =	shalt  }
0x48: {  	_ =	shalt  }
0x49: {  	_ =	shalt  }
0x4a: {  	_ =	shalt  }
0x4b: {  	_ =	shalt  }
0x4c: {  	_ =	shalt  }
0x4d: {  	_ =	shalt  }
0x4e: {  	_ =	shalt  }
0x4f: {  	_ =	shalt  }
0x50: {  	_ =	shalt  }
0x51: {  	_ =	shalt  }
0x52: {  	_ =	shalt  }
0x53: {  	_ =	shalt  }
0x54: {  	_ =	shalt  }
0x55: {  	_ =	shalt  }
0x56: {  	_ =	shalt  }
0x57: {  	_ =	shalt  }
0x58: {  	_ =	shalt  }
0x59: {  	_ =	shalt  }
0x5a: {  	_ =	shalt  }
0x5b: {  	_ =	shalt  }
0x5c: {  	_ =	shalt  }
0x5d: {  	_ =	shalt  }
0x5e: {  	_ =	shalt  }
0x5f: {  	_ =	shalt  }
0x60: {  	_ =	shalt  }
0x61: {  	_ =	shalt  }
0x62: {  	_ =	shalt  }
0x63: {  	_ =	shalt  }
0x64: {  	_ =	shalt  }
0x65: {  	_ =	shalt  }
0x66: {  	_ =	shalt  }
0x67: {  	_ =	shalt  }
0x68: {  	_ =	shalt  }
0x69: {  	_ =	shalt  }
0x6a: {  	_ =	shalt  }
0x6b: {  	_ =	shalt  }
0x6c: {  	_ =	shalt  }
0x6d: {  	_ =	shalt  }
0x6e: {  	_ =	shalt  }
0x6f: {  	_ =	shalt  }
0x70: {  	_ =	shalt  }
0x71: {  	_ =	shalt  }
0x72: {  	_ =	shalt  }
0x73: {  	_ =	shalt  }
0x74: {  	_ =	shalt  }
0x75: {  	_ =	shalt  }
0x76: {  	_ =	shalt  }
0x77: {  	_ =	shalt  }
0x78: {  	_ =	shalt  }
0x79: {  	_ =	shalt  }
0x7a: {  	_ =	shalt  }
0x7b: {  	_ =	shalt  }
0x7c: {  	_ =	shalt  }
0x7d: {  	_ =	shalt  }
0x7e: {  	_ =	shalt  }
0x7f: {  	_ =	shalt  }
0x80: {  	_ =	shalt  }
0x81: {  	_ =	shalt  }
0x82: {  	_ =	shalt  }
0x83: {  	_ =	shalt  }
0x84: {  	_ =	shalt  }
0x85: {  	_ =	shalt  }
0x86: {  	_ =	shalt  }
0x87: {  	_ =	shalt  }
.Lfunc_end0:
.L_simem_size_0:
called_computation_lowered:
.L_overlay_start_0:
0x88: {  	s2 =	sld [smem:$0x3FD9]  }
0x89: {  	s3 =	sld [smem:$0x3FFE];
	_ =	sdelay $0x1  }
0x8a: {  	s1 =	srdreg.scid  }
0x8b: {  	s0 =	sand.u32 $0x1, s1  }
0x8c: {  	s17 =	sshll.u32 s0, $0xA;
	s2 =	sadd.s32 s3, s2  }
0x8d: {  	s2 =	sadd.s32 s2, s17  }
0x8e: {  	[smem:$0x3FC1] =	sst s2  }
0x8f: {  	_ = 	snop  }
0x90: {  	s2 =	sld [smem:$0x3FC9]  }
0x91: {  	s18 =	sld [smem:$0x3FC8]  }
0x92: {  	s4 =	sld [smem:$0x3FC7]  }
0x93: {  	s5 =	sld [smem:$0x3FC6]  }
0x94: {  	s6 =	sld [smem:$0x3FC5]  }
0x95: {  	s7 =	sld [smem:$0x3FC4];
	(tm) =	ssettm $0x1  }
0x96: {  	s8 =	sld [smem:$0x3FFB];
	_ =	sdelay $0x3  }
0x97: {  	_ =	strace s8  }
0x98: {  	s8 =	sld [smem:$0x3FFC];
	_ =	sdelay $0x3  }
0x99: {  	_ =	strace s8  }
0x9a: {  	s8 =	sld [smem:$0x3FFD];
	_ =	sdelay $0x3  }
0x9b: {  	_ =	strace s8  }
0x9c: {  	_ =	strace $0x8FFFFFFF  }
0x9d: {  	s19 =	sld [smem:$0x3FDB];
	_ =	sdelay $0x1  }
0x9e: {  	s9 =	simm.s32 $_scs_section_size  }
0x9f: {  	s10 =	simm.s32 $_size__tile_overlayer_lowered;
	s11 =	simm.s32 $_tile_overlayer_lowered  }
0xa0: {  	s22 =	simm.s32 $0x1BFF;
	s21 =	sshll.u32 s11, $0x1;
	s8 =	sadd.s32 s9, s19  }
0xa1: {  	s12 =	simm.s32 $0x0;
	s20 =	sshll.u32 s10, $0x1;
	s10 =	sadd.s32 s21, s8  }
0xa2: {  	[timem:s12], [sflag:s22] =	dma.local [hbm:s10], s20  }
0xa3: {  	_ =	swait.ge [sflag:s22], s20  }
0xa4: {  	s9 =	ssub.s32 $0x0, s20;
	[sflag:s22] =	ssyncset.done $0x0  }
0xa5: {  	[sflag:s22] =	ssyncadd.s32 s9;
	_ =	sdelay $0x1  }
0xa6: {  	s23 =	simm.s32 $0x1B8B  }
0xa7: {  	_ =	swait.ge [sflag:s23], $0x1  }
0xa8: {  	[sflag:s23] =	ssyncset.done $0x0  }
0xa9: {  	s25 =	simm.s32 $0x1B8E;
	s24 =	sld [smem:$0x3FFE];
	[sflag:s23] =	ssyncadd.s32 $0xFFFFFFFF  }
0xaa: {  	s26 =	simm.s32 $execute0_lowered;
	[smem:$0x3FD2] =	sst s25  }
0xab: {  	s10 =	sshll.u32 s26, $0x1;
	_ =	strace $0x80000046;
	[dreg:$0x1] =	wrdreg $0xFFFFFFFF  }
0xac: {  	s28 =	simm.s32 $_size_execute0_lowered;
	s8 =	sadd.s32 s8, s10;
	[dreg:$0x0] =	wrdreg $0x0  }
0xad: {  	s10 =	sshll.u32 s28, $0x1;
	[dreg:$0x2] =	wrdreg s8  }
0xae: {  	[dreg:$0x3] =	wrdreg s10  }
0xaf: {  	[dreg:$0x4] =	wrdreg $0xC0  }
0xb0: {  	_ =	task [dreg:s12], $0x5FFFF  }
0xb1: {  	[dreg:$0x1] =	wrdreg $0xFFFFFFFF  }
0xb2: {  	[dreg:$0x0] =	wrdreg $0x60  }
0xb3: {  	[dreg:$0x2] =	wrdreg s2  }
0xb4: {  	[dreg:$0x3] =	wrdreg s18  }
0xb5: {  	[dreg:$0x4] =	wrdreg s4  }
0xb6: {  	[dreg:$0x5] =	wrdreg s5  }
0xb7: {  	[dreg:$0x6] =	wrdreg s6  }
0xb8: {  	[dreg:$0x7] =	wrdreg s7  }
0xb9: {  	[dreg:$0x8] =	wrdreg s24  }
0xba: {  	[dreg:$0x9] =	wrdreg $0x9  }
0xbb: {  	_ =	task.clear_ibuf [dreg:s12], $0xAFFFF;
	_ =	strace $0x90000046  }
0xbc: {  	s29 =	simm.s32 $0x9;
	_ =	strace $0x80000048  }
0xbd: {  	_ =	swait.ge [sflag:s29], $0x1  }
0xbe: {  	[sflag:s29] =	ssyncadd.s32 $0xFFFFFFFF  }
0xbf: {  	_ =	strace $0x90000048  }
0xc0: {  	_ =	sfence  }
0xc1: {  	s30 =	sld [smem:$0x0];
	_ =	sdelay $0x2  }
0xc2: {  	s31 =	sshll.u32 s1, $0xD;
	s1 =	sshrl.u32 s1, $0x2  }
0xc3: {  	s3 =	sand.u32 $0x4000, s31;
	s1 =	sadd.s32 s1, s30  }
0xc4: {  	s0 =	sor.u32 s3, s0;
	s1 =	sshll.u32 s1, $0x11  }
0xc5: {  	s0 =	sor.u32 s1, s0  }
0xc6: {  	s0 =	sadd.s32 $0x8F2B, s0  }
0xc7: {  	[sflag:s0] =	ssyncadd.remote.s32 $0x1  }
0xc8: {  	_ =	sfence.sel $0xFFFF  }
0xc9: {  	[dreg:$0x0] =	wrdreg $0xFFFFFFFF;
	(pc) =	sbr.abs _section_cstart, $3  }
0xca: {  	[dreg:$0x1] =	wrdreg $0xFFFFFFFF  }
0xcb: {  	_ =	task.clear_ibuf [dreg:s12], $0x2FFFF;
	_ =	strace $0x9FFFFFFF  }
0xcc: {  	(tm) =	ssettm $0x7FFFFFFF  }
0xcd: {  	_ =	shalt  }
tec
execute0_lowered:
.L_overlay_start_1:
0x0: {  	(tag) =	ssettag $0x1  }
0x1: {  	s0 =	rddreg [dreg:$0x0]  }
0x2: {  	s1 =	rddreg [dreg:$0x1]  }
0x3: {  	s2 =	rddreg [dreg:$0x2]  }
0x4: {  	s4 =	rddreg [dreg:$0x3]  }
0x5: {  	s6 =	rddreg [dreg:$0x4]  }
0x6: {  	s7 =	rddreg [dreg:$0x5];
	s5 =	srdreg.scid  }
0x7: {  	s3 =	stileid.u32;
	s8 =	rddreg [dreg:$0x6]  }
0x8: {  	s14 =	simm.s32 $0x1;
	s15 =	simm.s32 $0x800;
	s16 =	simm.s32 $0x480  }
0x9: {  	s17 =	simm.s32 $0x880;
	s18 =	simm.s32 $0x2;
	s19 =	simm.s32 $0x500  }
0xa: {  	s20 =	simm.s32 $0x900;
	s21 =	simm.s32 $0x580;
	s22 =	simm.s32 $0x980  }
0xb: {  	s23 =	simm.s32 $0x3;
	s28 =	simm.s32 $0xA80;
	s29 =	simm.s32 $0x4  }
0xc: {  	s31 =	simm.s32 $0x6;
	s9 =	sand.u32 $0x1, s5;
	s10 =	sshll.u32 s3, $0x1  }
0xd: {  	s5 =	simm.s32 $0x0;
	s11 =	sshll.u32 s3, $0x6;
	s10 =	sor.u32 s9, s10  }
0xe: {  	[smem:$0x7FF] =	sst s5;
	s11 =	sand.u32 $0x300, s11;
	s9 =	ssub.s32 $0x2, s9  }
0xf: {  	s12 =	sshll.u32 s10, $0x4;
	_ =	strace $0x80000047;
	s13 =	sshll.u32 s10, $0x5  }
0x10: {  	s24 =	sshrl.u32 s9, $0x1;
	s30 =	sshll.u32 s10, $0x12;
	s10 =	simm.s32 $0x80  }
0x11: {  	s12 =	sand.u32 $0x70, s12;
	s8 =	sadd.s32 s13, s8;
	s9 =	ssub.s32 s9, s24  }
0x12: {  	s24 =	simm.s32 $0x600;
	v0 =	vmov s30;
	s30 =	simm.s32 $0x5;
	s11 =	sor.u32 s11, s12  }
0x13: {  	s13 =	simm.s32 $0x100;
	s9 =	smax.u32 s9, $0x1;
	s4 =	sadd.s32 s4, s11  }
0x14: {  	s25 =	sadd.s32 s6, s11;
	s26 =	sadd.s32 s7, s11;
	[dreg:$0x8] =	wrdreg s4  }
0x15: {  	s6 =	sadd.s32 $0xA00, s8;
	s7 =	sadd.s32 $0xE00, s8;
	[dreg:$0x9] =	wrdreg s25  }
0x16: {  	s8 =	sadd.s32 $0x1200, s8;
	s11 =	simm.s32 $0x400;
	[dreg:$0xa] =	wrdreg s26  }
0x17: {  	s25 =	simm.s32 $0xA00;
	s26 =	simm.s32 $0x680;
	s4 =	simm.s32 $0x7  }
.LBB2_1:
0x18: {  	s3 =	rddreg [dreg:$0x8]  }
0x19: {  	[tilespmem:s5], [sflag:$0x1] =	stream.strided.gather [hbm4b:s3+s10], $0x100, s11, s10, $0x38;
	[tilespmem:$0xC00] =	vst v63  }
0x1a: {  	s12 =	rddreg [dreg:$0x9]  }
0x1b: {  	[tilespmem:s13], [sflag:$0x2] =	stream.strided.gather [hbm4b:s12+s10], $0x100, s11, s10, $0x38;
	[tilespmem:$0xC00] =	vst v63  }
0x1c: {  	s3 =	rddreg [dreg:$0xa];
	s12 =	simm.s32 $0x200  }
0x1d: {  	[tilespmem:s12], [sflag:$0x3] =	stream.strided.gather [hbm4b:s3+s10], $0x100, s11, s10, $0x38;
	[tilespmem:$0xC00] =	vst v63  }
0x1e: {  	_ =	swait.ge [sflag:s14], $0x100  }
0x1f: {  	[sflag:s14] =	ssyncset.done $0x0  }
0x20: {  	[sflag:s14] =	ssyncadd.s32 $0xFFFFFF00  }
0x21: {  	v1 =	vld [tilespmem:$0x0]  }
0x22: {  	v2 =	vld [tilespmem:$0x10]  }
0x23: {  	v5 =	vld [tilespmem:$0x20]  }
0x24: {  	v8 =	vld [tilespmem:$0x30]  }
0x25: {  	v61 =	vld [tilespmem:$0x50]  }
0x26: {  	v11 =	vld [tilespmem:$0x60]  }
0x27: {  	v63 =	vld [tilespmem:$0x70]  }
0x28: {  	v19 =	vld [tilespmem:$0x80];
	v3 =	vshll.u32 v1, $0x3;
	v4 =	vshrl.u32 v1, $0x2  }
0x29: {  	v14 =	vld [tilespmem:$0x90];
	v1 =	vand.u32 $0x3F07F, v1;
	v6 =	vshll.u32 v2, $0x3;
	v7 =	vshrl.u32 v2, $0x2  }
0x2a: {  	v26 =	vld [tilespmem:$0xB0];
	v2 =	vand.u32 $0x3F07F, v2;
	v57 =	vshll.u32 v5, $0x3;
	v58 =	vshrl.u32 v5, $0x2  }
0x2b: {  	v28 =	vld [tilespmem:$0xD0];
	v5 =	vand.u32 $0x3F07F, v5;
	v59 =	vshll.u32 v8, $0x3;
	v60 =	vshrl.u32 v8, $0x2  }
0x2c: {  	v35 =	vld [tilespmem:$0xE0];
	v8 =	vand.u32 $0x3F07F, v8;
	v15 =	vshll.u32 v61, $0x3;
	v16 =	vshrl.u32 v61, $0x2  }
0x2d: {  	v40 =	vld [tilespmem:$0xF0];
	v17 =	vshll.u32 v11, $0x3;
	v18 =	vshrl.u32 v11, $0x2;
	v11 =	vand.u32 $0x3F07F, v11  }
0x2e: {  	v12 =	vshll.u32 v63, $0x3;
	v13 =	vshrl.u32 v63, $0x2;
	v22 =	vshll.u32 v19, $0x3  }
0x2f: {  	v23 =	vshrl.u32 v19, $0x2;
	v24 =	vshll.u32 v14, $0x3;
	v25 =	vshrl.u32 v14, $0x2  }
0x30: {  	v14 =	vand.u32 $0x3F07F, v14;
	v29 =	vshll.u32 v26, $0x3;
	v30 =	vshrl.u32 v26, $0x2  }
0x31: {  	v37 =	vshll.u32 v28, $0x3;
	v39 =	vshrl.u32 v28, $0x2;
	v43 =	vshll.u32 v35, $0x3  }
0x32: {  	v44 =	vshrl.u32 v35, $0x2;
	v45 =	vand.u32 $0x3F07F, v35;
	v46 =	vshll.u32 v40, $0x3  }
0x33: {  	v47 =	vshrl.u32 v40, $0x2;
	v48 =	vand.u32 $0x3F07F, v40;
	v3 =	vand.u32 $0xC00, v3  }
0x34: {  	v4 =	vand.u32 $0x380, v4;
	v6 =	vand.u32 $0xC00, v6;
	v12 =	vand.u32 $0xC00, v12  }
0x35: {  	v20 =	vand.u32 $0x380, v13;
	v13 =	vand.u32 $0x3F07F, v26;
	v31 =	vand.u32 $0x380, v30  }
0x36: {  	v38 =	vand.u32 $0xC00, v37;
	v41 =	vand.u32 $0x380, v39;
	v1 =	vor.u32 v3, v1  }
0x37: {  	v21 =	vld [tilespmem:$0xA0];
	v3 =	vand.u32 $0x380, v7;
	v2 =	vor.u32 v6, v2;
	v6 =	vand.u32 $0x380, v58  }
0x38: {  	v7 =	vand.u32 $0x3F07F, v61;
	v1 =	vor.u32 v4, v1;
	v4 =	vand.u32 $0xC00, v57  }
0x39: {  	v2 =	vor.u32 v3, v2;
	v1 =	vor.u32 v0, v1;
	v4 =	vor.u32 v4, v5  }
0x3a: {  	v2 =	vor.u32 v0, v2;
	v5 =	vand.u32 $0xC00, v59;
	v4 =	vor.u32 v6, v4  }
0x3b: {  	v6 =	vand.u32 $0x380, v60;
	v5 =	vor.u32 v5, v8;
	v8 =	vand.u32 $0xC00, v15  }
0x3c: {  	v3 =	vld [tilespmem:$0x40];
	v15 =	vshll.u32 v21, $0x3;
	[tilespmem:$0x410] =	vst v2;
	v2 =	vand.u32 $0xC00, v29;
	v4 =	vor.u32 v0, v4  }
0x3d: {  	v5 =	vor.u32 v6, v5;
	v7 =	vor.u32 v8, v7;
	v8 =	vand.u32 $0xC00, v17  }
0x3e: {  	v6 =	vand.u32 $0x3F07F, v63;
	v15 =	vand.u32 $0xC00, v15;
	v2 =	vor.u32 v2, v13  }
0x3f: {  	v5 =	vor.u32 v0, v5;
	v8 =	vor.u32 v8, v11;
	v6 =	vor.u32 v12, v6  }
0x40: {  	v11 =	vand.u32 $0xC00, v22;
	v12 =	vand.u32 $0x380, v23;
	v2 =	vor.u32 v31, v2  }
0x41: {  	v9 =	vshll.u32 v3, $0x3;
	v10 =	vshrl.u32 v3, $0x2;
	v3 =	vand.u32 $0x3F07F, v3  }
0x42: {  	v6 =	vor.u32 v20, v6;
	[tilespmem:$0x430] =	vst v5;
	v2 =	vor.u32 v0, v2;
	v5 =	vand.u32 $0x380, v44  }
0x43: {  	v9 =	vand.u32 $0xC00, v9;
	v62 =	vand.u32 $0x380, v10;
	v6 =	vor.u32 v0, v6  }
0x44: {  	v17 =	vld [tilespmem:$0xC0];
	v10 =	vand.u32 $0x3F07F, v19;
	[tilespmem:$0x4B0] =	vst v2;
	v2 =	vand.u32 $0xC00, v46;
	v3 =	vor.u32 v9, v3  }
0x45: {  	v9 =	vand.u32 $0x380, v16;
	v10 =	vor.u32 v11, v10;
	v11 =	vand.u32 $0xC00, v24  }
0x46: {  	v16 =	vshrl.u32 v21, $0x2;
	v2 =	vor.u32 v2, v48;
	v3 =	vor.u32 v62, v3  }
0x47: {  	v7 =	vor.u32 v9, v7;
	v9 =	vand.u32 $0x380, v18;
	v10 =	vor.u32 v12, v10  }
0x48: {  	[tilespmem:$0x400] =	vst v1;
	v12 =	vand.u32 $0x380, v25;
	v11 =	vor.u32 v11, v14;
	v27 =	vand.u32 $0x380, v16  }
0x49: {  	[tilespmem:$0x420] =	vst v4;
	v32 =	vshll.u32 v17, $0x3;
	v34 =	vshrl.u32 v17, $0x2;
	v36 =	vand.u32 $0x3F07F, v17  }
0x4a: {  	[tilespmem:$0x470] =	vst v6;
	v3 =	vor.u32 v0, v3;
	v7 =	vor.u32 v0, v7;
	v8 =	vor.u32 v9, v8  }
0x4b: {  	v9 =	vand.u32 $0x3F07F, v21;
	v10 =	vor.u32 v0, v10;
	v11 =	vor.u32 v12, v11;
	[tilespmem:$0x440] =	vst v3  }
0x4c: {  	v33 =	vand.u32 $0xC00, v32;
	v12 =	vand.u32 $0x3F07F, v28;
	v8 =	vor.u32 v0, v8;
	[tilespmem:$0x450] =	vst v7  }
0x4d: {  	v9 =	vor.u32 v15, v9;
	v1 =	vor.u32 v0, v11;
	v3 =	vand.u32 $0x380, v34;
	[tilespmem:$0x480] =	vst v10  }
0x4e: {  	v4 =	vor.u32 v33, v36;
	v7 =	vor.u32 v38, v12;
	v9 =	vor.u32 v27, v9;
	[tilespmem:$0x460] =	vst v8  }
0x4f: {  	v3 =	vor.u32 v3, v4;
	[tilespmem:$0x490] =	vst v1;
	v1 =	vand.u32 $0xC00, v43;
	v9 =	vor.u32 v0, v9  }
0x50: {  	v42 =	vor.u32 v41, v7;
	v3 =	vor.u32 v0, v3;
	v1 =	vor.u32 v1, v45;
	[tilespmem:$0x4A0] =	vst v9  }
0x51: {  	v4 =	vor.u32 v0, v42;
	[tilespmem:$0x4C0] =	vst v3;
	v1 =	vor.u32 v5, v1;
	v3 =	vand.u32 $0x380, v47  }
0x52: {  	[tilespmem:$0x4D0] =	vst v4;
	v1 =	vor.u32 v0, v1;
	v2 =	vor.u32 v3, v2  }
0x53: {  	[tilespmem:$0x4E0] =	vst v1;
	v1 =	vor.u32 v0, v2  }
0x54: {  	[tilespmem:$0x4F0] =	vst v1  }
0x55: {  	[tilespmem:s15], [sflag:$0x4] =	stream.indirect.gather [hbm4b:s0+s10], $0x1, s11, s10, $0xb8;
	[tilespmem:$0xC00] =	vst v63  }
0x56: {  	_ = 	snop  }
0x57: {  	[tilespmem:s17], [sflag:$0x4] =	stream.indirect.gather [hbm4b:s0+s10], $0x1, s16, s10, $0xb8;
	[tilespmem:$0xC00] =	vst v63  }
0x58: {  	_ =	swait.ge [sflag:s18], $0x100  }
0x59: {  	[sflag:s18] =	ssyncset.done $0x0  }
0x5a: {  	[sflag:s18] =	ssyncadd.s32 $0xFFFFFF00  }
0x5b: {  	v1 =	vld [tilespmem:$0x100]  }
0x5c: {  	v2 =	vld [tilespmem:$0x110]  }
0x5d: {  	v50 =	vld [tilespmem:$0x120]  }
0x5e: {  	v53 =	vld [tilespmem:$0x130]  }
0x5f: {  	v58 =	vld [tilespmem:$0x150]  }
0x60: {  	v61 =	vld [tilespmem:$0x160]  }
0x61: {  	v63 =	vld [tilespmem:$0x170]  }
0x62: {  	v18 =	vld [tilespmem:$0x180];
	v3 =	vshll.u32 v1, $0x3;
	v49 =	vshrl.u32 v1, $0x2  }
0x63: {  	v21 =	vld [tilespmem:$0x190];
	v1 =	vand.u32 $0x3F07F, v1;
	v51 =	vshll.u32 v2, $0x3;
	v52 =	vshrl.u32 v2, $0x2  }
0x64: {  	v23 =	vld [tilespmem:$0x1A0];
	v2 =	vand.u32 $0x3F07F, v2;
	v54 =	vshll.u32 v50, $0x3;
	v55 =	vshrl.u32 v50, $0x2  }
0x65: {  	v28 =	vld [tilespmem:$0x1B0];
	v5 =	vand.u32 $0x3F07F, v50;
	v56 =	vshll.u32 v53, $0x3;
	v57 =	vshrl.u32 v53, $0x2  }
0x66: {  	v31 =	vld [tilespmem:$0x1C0];
	v8 =	vand.u32 $0x3F07F, v53;
	v14 =	vshll.u32 v58, $0x3;
	v15 =	vshrl.u32 v58, $0x2  }
0x67: {  	v33 =	vld [tilespmem:$0x1D0];
	v7 =	vand.u32 $0x3F07F, v58;
	v16 =	vshll.u32 v61, $0x3;
	v17 =	vshrl.u32 v61, $0x2  }
0x68: {  	v40 =	vld [tilespmem:$0x1E0];
	v11 =	vand.u32 $0x3F07F, v61;
	v19 =	vshll.u32 v63, $0x3;
	v20 =	vshrl.u32 v63, $0x2  }
0x69: {  	v45 =	vld [tilespmem:$0x1F0];
	v24 =	vshll.u32 v18, $0x3;
	v25 =	vshrl.u32 v18, $0x2;
	v10 =	vand.u32 $0x3F07F, v18  }
0x6a: {  	v26 =	vshll.u32 v21, $0x3;
	v27 =	vshrl.u32 v21, $0x2;
	v29 =	vshll.u32 v23, $0x3  }
0x6b: {  	v30 =	vshrl.u32 v23, $0x2;
	v34 =	vshll.u32 v28, $0x3;
	v35 =	vshrl.u32 v28, $0x2  }
0x6c: {  	v13 =	vand.u32 $0x3F07F, v28;
	v37 =	vshll.u32 v31, $0x3;
	v39 =	vshrl.u32 v31, $0x2  }
0x6d: {  	v41 =	vand.u32 $0x3F07F, v31;
	v42 =	vshll.u32 v33, $0x3;
	v44 =	vshrl.u32 v33, $0x2  }
0x6e: {  	v48 =	vshll.u32 v40, $0x3;
	v50 =	vand.u32 $0x3F07F, v40;
	v53 =	vand.u32 $0x3F07F, v45  }
0x6f: {  	v3 =	vand.u32 $0xC00, v3;
	v4 =	vand.u32 $0x380, v49;
	v6 =	vand.u32 $0xC00, v51  }
0x70: {  	v12 =	vand.u32 $0xC00, v19;
	v22 =	vand.u32 $0x380, v20;
	v32 =	vand.u32 $0x380, v30  }
0x71: {  	v36 =	vand.u32 $0x380, v35;
	v38 =	vand.u32 $0xC00, v37;
	v43 =	vand.u32 $0xC00, v42  }
0x72: {  	v46 =	vand.u32 $0x380, v44;
	v49 =	vshrl.u32 v40, $0x2;
	v51 =	vshll.u32 v45, $0x3  }
0x73: {  	v1 =	vor.u32 v3, v1;
	v3 =	vand.u32 $0x380, v52;
	v2 =	vor.u32 v6, v2  }
0x74: {  	v6 =	vand.u32 $0x380, v55;
	v52 =	vshrl.u32 v45, $0x2;
	v1 =	vor.u32 v4, v1  }
0x75: {  	v2 =	vor.u32 v3, v2;
	v4 =	vand.u32 $0xC00, v54;
	v1 =	vor.u32 v0, v1  }
0x76: {  	v2 =	vor.u32 v0, v2;
	v4 =	vor.u32 v4, v5;
	v5 =	vand.u32 $0xC00, v56  }
0x77: {  	v4 =	vor.u32 v6, v4;
	v6 =	vand.u32 $0x380, v57;
	v5 =	vor.u32 v5, v8  }
0x78: {  	v3 =	vld [tilespmem:$0x140];
	v8 =	vand.u32 $0xC00, v14;
	v14 =	vand.u32 $0x3F07F, v21;
	[tilespmem:$0x510] =	vst v2;
	v2 =	vand.u32 $0xC00, v34  }
0x79: {  	v4 =	vor.u32 v0, v4;
	v5 =	vor.u32 v6, v5;
	v7 =	vor.u32 v8, v7  }
0x7a: {  	v8 =	vand.u32 $0xC00, v16;
	v6 =	vand.u32 $0x3F07F, v63;
	v2 =	vor.u32 v2, v13  }
0x7b: {  	v5 =	vor.u32 v0, v5;
	v8 =	vor.u32 v8, v11;
	v6 =	vor.u32 v12, v6  }
0x7c: {  	v11 =	vand.u32 $0xC00, v24;
	v12 =	vand.u32 $0x380, v25;
	v2 =	vor.u32 v36, v2  }
0x7d: {  	[tilespmem:$0x520] =	vst v4;
	v4 =	vor.u32 v38, v41;
	v59 =	vshll.u32 v3, $0x3;
	v60 =	vshrl.u32 v3, $0x2  }
0x7e: {  	v3 =	vand.u32 $0x3F07F, v3;
	v6 =	vor.u32 v22, v6;
	v10 =	vor.u32 v11, v10  }
0x7f: {  	v11 =	vand.u32 $0xC00, v26;
	[tilespmem:$0x530] =	vst v5;
	v2 =	vor.u32 v0, v2;
	v5 =	vand.u32 $0x380, v49  }
0x80: {  	v9 =	vand.u32 $0xC00, v59;
	v62 =	vand.u32 $0x380, v60;
	v6 =	vor.u32 v0, v6  }
0x81: {  	v10 =	vor.u32 v12, v10;
	v12 =	vand.u32 $0x380, v27;
	v11 =	vor.u32 v11, v14  }
0x82: {  	[tilespmem:$0x5B0] =	vst v2;
	v2 =	vand.u32 $0xC00, v51;
	v3 =	vor.u32 v9, v3;
	v9 =	vand.u32 $0x380, v15  }
0x83: {  	[tilespmem:$0x500] =	vst v1;
	v15 =	vand.u32 $0xC00, v29;
	v10 =	vor.u32 v0, v10;
	v11 =	vor.u32 v12, v11  }
0x84: {  	v12 =	vand.u32 $0x3F07F, v33;
	[tilespmem:$0x570] =	vst v6;
	v2 =	vor.u32 v2, v53;
	v3 =	vor.u32 v62, v3  }
0x85: {  	v7 =	vor.u32 v9, v7;
	v9 =	vand.u32 $0x380, v17;
	v1 =	vor.u32 v0, v11;
	[tilespmem:$0x580] =	vst v10  }
0x86: {  	v3 =	vor.u32 v0, v3;
	v8 =	vor.u32 v9, v8;
	v9 =	vand.u32 $0x3F07F, v23;
	[tilespmem:$0x590] =	vst v1  }
0x87: {  	v7 =	vor.u32 v0, v7;
	v1 =	vand.u32 $0xC00, v48;
	v9 =	vor.u32 v15, v9;
	[tilespmem:$0x540] =	vst v3  }
0x88: {  	v8 =	vor.u32 v0, v8;
	v3 =	vand.u32 $0x380, v39;
	[tilespmem:$0x550] =	vst v7;
	v9 =	vor.u32 v32, v9  }
0x89: {  	v7 =	vor.u32 v43, v12;
	[tilespmem:$0x560] =	vst v8;
	v3 =	vor.u32 v3, v4;
	v9 =	vor.u32 v0, v9  }
0x8a: {  	v1 =	vor.u32 v1, v50;
	v47 =	vor.u32 v46, v7;
	v3 =	vor.u32 v0, v3;
	[tilespmem:$0x5A0] =	vst v9  }
0x8b: {  	v1 =	vor.u32 v5, v1;
	v4 =	vor.u32 v0, v47;
	[tilespmem:$0x5C0] =	vst v3;
	v3 =	vand.u32 $0x380, v52  }
0x8c: {  	v1 =	vor.u32 v0, v1;
	[tilespmem:$0x5D0] =	vst v4;
	v2 =	vor.u32 v3, v2  }
0x8d: {  	[tilespmem:$0x5E0] =	vst v1;
	v1 =	vor.u32 v0, v2  }
0x8e: {  	[tilespmem:$0x5F0] =	vst v1  }
0x8f: {  	[tilespmem:s20], [sflag:$0x5] =	stream.indirect.gather [hbm4b:s1+s10], $0x1, s19, s10, $0xb8;
	[tilespmem:$0xC00] =	vst v63  }
0x90: {  	_ = 	snop  }
0x91: {  	[tilespmem:s22], [sflag:$0x5] =	stream.indirect.gather [hbm4b:s1+s10], $0x1, s21, s10, $0xb8;
	[tilespmem:$0xC00] =	vst v63  }
0x92: {  	_ =	swait.ge [sflag:s23], $0x100  }
0x93: {  	[sflag:s23] =	ssyncset.done $0x0  }
0x94: {  	[sflag:s23] =	ssyncadd.s32 $0xFFFFFF00  }
0x95: {  	v1 =	vld [tilespmem:$0x200]  }
0x96: {  	v2 =	vld [tilespmem:$0x210]  }
0x97: {  	v55 =	vld [tilespmem:$0x220]  }
0x98: {  	v58 =	vld [tilespmem:$0x230]  }
0x99: {  	v63 =	vld [tilespmem:$0x250]  }
0x9a: {  	v14 =	vld [tilespmem:$0x260]  }
0x9b: {  	v16 =	vld [tilespmem:$0x270];
	v3 =	vshll.u32 v1, $0x3;
	v54 =	vshrl.u32 v1, $0x2  }
0x9c: {  	v20 =	vld [tilespmem:$0x280];
	v1 =	vand.u32 $0x3F07F, v1;
	v56 =	vshll.u32 v2, $0x3;
	v57 =	vshrl.u32 v2, $0x2  }
0x9d: {  	v23 =	vld [tilespmem:$0x290];
	v2 =	vand.u32 $0x3F07F, v2;
	v59 =	vshll.u32 v55, $0x3;
	v60 =	vshrl.u32 v55, $0x2  }
0x9e: {  	v26 =	vld [tilespmem:$0x2A0];
	v5 =	vand.u32 $0x3F07F, v55;
	v61 =	vshll.u32 v58, $0x3;
	v62 =	vshrl.u32 v58, $0x2  }
0x9f: {  	v30 =	vld [tilespmem:$0x2B0];
	v8 =	vand.u32 $0x3F07F, v58;
	v17 =	vshll.u32 v63, $0x3;
	v18 =	vshrl.u32 v63, $0x2  }
0xa0: {  	v32 =	vld [tilespmem:$0x2C0];
	v7 =	vand.u32 $0x3F07F, v63;
	v19 =	vshll.u32 v14, $0x3;
	v21 =	vshrl.u32 v14, $0x2  }
0xa1: {  	v40 =	vld [tilespmem:$0x2D0];
	v11 =	vand.u32 $0x3F07F, v14;
	v22 =	vshll.u32 v16, $0x3;
	v24 =	vshrl.u32 v16, $0x2  }
0xa2: {  	v45 =	vld [tilespmem:$0x2E0];
	v27 =	vshll.u32 v20, $0x3;
	v28 =	vshrl.u32 v20, $0x2;
	v10 =	vand.u32 $0x3F07F, v20  }
0xa3: {  	v29 =	vshll.u32 v23, $0x3;
	v31 =	vshrl.u32 v23, $0x2;
	v33 =	vshll.u32 v26, $0x3  }
0xa4: {  	v34 =	vshrl.u32 v26, $0x2;
	v37 =	vshll.u32 v30, $0x3;
	v38 =	vand.u32 $0x3F07F, v30  }
0xa5: {  	v39 =	vshll.u32 v32, $0x3;
	v42 =	vand.u32 $0x3F07F, v32;
	v47 =	vshrl.u32 v30, $0x2  }
0xa6: {  	v48 =	vshrl.u32 v32, $0x2;
	v51 =	vshll.u32 v40, $0x3;
	v52 =	vshrl.u32 v40, $0x2  }
0xa7: {  	v53 =	vand.u32 $0x3F07F, v40;
	v55 =	vshll.u32 v45, $0x3;
	v3 =	vand.u32 $0xC00, v3  }
0xa8: {  	v4 =	vand.u32 $0x380, v54;
	v6 =	vand.u32 $0xC00, v56;
	v25 =	vand.u32 $0x380, v24  }
0xa9: {  	v35 =	vand.u32 $0x380, v34;
	v41 =	vand.u32 $0xC00, v39;
	v50 =	vand.u32 $0x380, v48  }
0xaa: {  	v56 =	vand.u32 $0xC00, v55;
	v1 =	vor.u32 v3, v1;
	v3 =	vand.u32 $0x380, v57  }
0xab: {  	v2 =	vor.u32 v6, v2;
	v6 =	vand.u32 $0x380, v60;
	v44 =	vor.u32 v41, v42  }
0xac: {  	v57 =	vand.u32 $0x3F07F, v45;
	v1 =	vor.u32 v4, v1;
	v2 =	vor.u32 v3, v2  }
0xad: {  	v54 =	vld [tilespmem:$0x2F0];
	v4 =	vand.u32 $0xC00, v59;
	v59 =	vshrl.u32 v45, $0x2;
	v1 =	vor.u32 v0, v1  }
0xae: {  	v2 =	vor.u32 v0, v2;
	v4 =	vor.u32 v4, v5;
	v5 =	vand.u32 $0xC00, v61  }
0xaf: {  	v3 =	vld [tilespmem:$0x240];
	v4 =	vor.u32 v6, v4;
	v6 =	vand.u32 $0x380, v62;
	v5 =	vor.u32 v5, v8  }
0xb0: {  	v8 =	vand.u32 $0xC00, v17;
	v4 =	vor.u32 v0, v4;
	v5 =	vor.u32 v6, v5  }
0xb1: {  	v7 =	vor.u32 v8, v7;
	v8 =	vand.u32 $0xC00, v19;
	v6 =	vand.u32 $0x3F07F, v16  }
0xb2: {  	v16 =	vand.u32 $0xC00, v33;
	v61 =	vshll.u32 v54, $0x3;
	v62 =	vshrl.u32 v54, $0x2  }
0xb3: {  	v63 =	vand.u32 $0x3F07F, v54;
	v5 =	vor.u32 v0, v5;
	v8 =	vor.u32 v8, v11  }
0xb4: {  	v11 =	vand.u32 $0x380, v28;
	[tilespmem:$0x620] =	vst v4;
	v4 =	vor.u32 v56, v57;
	v12 =	vshll.u32 v3, $0x3  }
0xb5: {  	v13 =	vshrl.u32 v3, $0x2;
	v3 =	vand.u32 $0x3F07F, v3;
	v9 =	vand.u32 $0xC00, v12  }
0xb6: {  	v15 =	vand.u32 $0x380, v13;
	v12 =	vand.u32 $0xC00, v22;
	v13 =	vand.u32 $0x3F07F, v23  }
0xb7: {  	v3 =	vor.u32 v9, v3;
	v9 =	vand.u32 $0x380, v18;
	v6 =	vor.u32 v12, v6  }
0xb8: {  	v12 =	vand.u32 $0x3F07F, v26;
	v3 =	vor.u32 v15, v3;
	v7 =	vor.u32 v9, v7  }
0xb9: {  	[tilespmem:$0x600] =	vst v1;
	v9 =	vand.u32 $0x380, v21;
	v6 =	vor.u32 v25, v6;
	v12 =	vor.u32 v16, v12  }
0xba: {  	[tilespmem:$0x610] =	vst v2;
	v3 =	vor.u32 v0, v3;
	v8 =	vor.u32 v9, v8;
	v9 =	vand.u32 $0xC00, v27  }
0xbb: {  	[tilespmem:$0x630] =	vst v5;
	v36 =	vor.u32 v35, v12;
	v12 =	vand.u32 $0xC00, v37;
	v2 =	vor.u32 v0, v7  }
0xbc: {  	v46 =	vor.u32 v0, v6;
	v6 =	vand.u32 $0x380, v47;
	v9 =	vor.u32 v9, v10;
	[tilespmem:$0x640] =	vst v3  }
0xbd: {  	v10 =	vand.u32 $0xC00, v29;
	v1 =	vor.u32 v12, v38;
	v43 =	vor.u32 v0, v8;
	[tilespmem:$0x650] =	vst v2  }
0xbe: {  	v3 =	vor.u32 v50, v44;
	v2 =	vand.u32 $0xC00, v51;
	[tilespmem:$0x670] =	vst v46;
	v60 =	vor.u32 v0, v36  }
0xbf: {  	v9 =	vor.u32 v11, v9;
	v11 =	vand.u32 $0x380, v31;
	v10 =	vor.u32 v10, v13;
	[tilespmem:$0x660] =	vst v43  }
0xc0: {  	v1 =	vor.u32 v6, v1;
	v6 =	vand.u32 $0x380, v52;
	[tilespmem:$0x6A0] =	vst v60;
	v3 =	vor.u32 v0, v3  }
0xc1: {  	v2 =	vor.u32 v2, v53;
	v10 =	vor.u32 v11, v10;
	v49 =	vor.u32 v0, v9;
	[tilespmem:$0x6C0] =	vst v3  }
0xc2: {  	v2 =	vor.u32 v6, v2;
	v1 =	vor.u32 v0, v1;
	v6 =	vand.u32 $0x380, v59;
	[tilespmem:$0x680] =	vst v49  }
0xc3: {  	v3 =	vand.u32 $0x380, v62;
	v58 =	vor.u32 v0, v10;
	[tilespmem:$0x6B0] =	vst v1;
	v1 =	vand.u32 $0xC00, v61  }
0xc4: {  	v4 =	vor.u32 v6, v4;
	v2 =	vor.u32 v0, v2;
	[tilespmem:$0x690] =	vst v58;
	v1 =	vor.u32 v1, v63  }
0xc5: {  	[tilespmem:$0x6D0] =	vst v2;
	v2 =	vor.u32 v0, v4;
	v1 =	vor.u32 v3, v1  }
0xc6: {  	[tilespmem:$0x6E0] =	vst v2;
	v1 =	vor.u32 v0, v1  }
0xc7: {  	[tilespmem:$0x6F0] =	vst v1  }
0xc8: {  	[tilespmem:s25], [sflag:$0x6] =	stream.indirect.gather [hbm4b:s2+s10], $0x1, s24, s10, $0xb8;
	[tilespmem:$0xC00] =	vst v63  }
0xc9: {  	_ = 	snop  }
0xca: {  	[tilespmem:s28], [sflag:$0x6] =	stream.indirect.gather [hbm4b:s2+s10], $0x1, s26, s10, $0xb8;
	[tilespmem:$0xC00] =	vst v63  }
0xcb: {  	_ =	swait.ge [sflag:s29], $0x80  }
0xcc: {  	[sflag:s29] =	ssyncset.done $0x0  }
0xcd: {  	[sflag:s29] =	ssyncadd.s32 $0xFFFFFF80  }
0xce: {  	_ =	swait.ge [sflag:s29], $0x80  }
0xcf: {  	[sflag:s29] =	ssyncset.done $0x0  }
0xd0: {  	[sflag:s29] =	ssyncadd.s32 $0xFFFFFF80  }
0xd1: {  	[hbm4b:s6+s5] =	stream.linear.scatter [tilespmem:s15], [sflag:$0x7], $0x100, $0x38;
	[tilespmem:$0xC00] =	vst v63  }
0xd2: {  	_ =	swait.ge [sflag:s30], $0x80  }
0xd3: {  	[sflag:s30] =	ssyncset.done $0x0  }
0xd4: {  	[sflag:s30] =	ssyncadd.s32 $0xFFFFFF80  }
0xd5: {  	_ =	swait.ge [sflag:s30], $0x80  }
0xd6: {  	[sflag:s30] =	ssyncset.done $0x0  }
0xd7: {  	[sflag:s30] =	ssyncadd.s32 $0xFFFFFF80  }
0xd8: {  	[hbm4b:s7+s5] =	stream.linear.scatter [tilespmem:s20], [sflag:$0x7], $0x100, $0x38;
	[tilespmem:$0xC00] =	vst v63  }
0xd9: {  	_ =	swait.ge [sflag:s31], $0x80  }
0xda: {  	[sflag:s31] =	ssyncset.done $0x0  }
0xdb: {  	[sflag:s31] =	ssyncadd.s32 $0xFFFFFF80  }
0xdc: {  	_ =	swait.ge [sflag:s31], $0x80  }
0xdd: {  	[sflag:s31] =	ssyncset.done $0x0  }
0xde: {  	[sflag:s31] =	ssyncadd.s32 $0xFFFFFF80  }
0xdf: {  	[hbm4b:s8+s5] =	stream.linear.scatter [tilespmem:s25], [sflag:$0x7], $0x100, $0x38;
	[tilespmem:$0xC00] =	vst v63  }
0xe0: {  	_ =	swait.ge [sflag:s4], $0x100  }
0xe1: {  	[sflag:s4] =	ssyncset.done $0x0  }
0xe2: {  	[sflag:s4] =	ssyncadd.s32 $0xFFFFFF00  }
0xe3: {  	p0 =	sne.s32 s9, $0x1;
	_ =	swait.ge [sflag:s4], $0x100  }
.Ltmp0:
0xe4: {  	[sflag:s4] =	ssyncset.done $0x0;
	(pc) =	sbr.rel @p0 .LBB2_1-.Ltmp0, $4  }
0xe5: {  	[sflag:s4] =	ssyncadd.s32 $0xFFFFFF00  }
0xe6: {  	_ =	swait.ge [sflag:s4], $0x100  }
0xe7: {  	[sflag:s4] =	ssyncset.done $0x0  }
0xe8: {  	s9 =	sadd.s32 $0xFFFFFFFF, s9;
	[sflag:s4] =	ssyncadd.s32 $0xFFFFFF00  }
0xe9: {  	_ =	sfence.sel $0x180000  }
0xea: {  	[bflag:$0x0] =	sbarrier.arrive $0xFFFF  }
0xeb: {  	_ =	strace $0x90000047  }
0xec: {  	s0 =	stileid.u32;
	[bflag:$0x2] =	sbarrier.arrive $0xFFFF  }
0xed: {  	p0 =	sne.s32 s0, $0x0;
	s0 =	rddreg [dreg:$0x7]  }
0xee: {  	s0 =	sadd.s32 @!p0 $0x100000, s0  }
0xef: {  	[sflag:s0] =	ssyncadd.tile.s32 @!p0 $0x1;
	_ =	shalt  }
.Lfunc_end2:
_tile_overlayer_lowered:
.L_overlay_start_2:
0xf0: {  	(tag) =	ssettag $0x2  }
0xf1: {  	s0 =	rddreg [dreg:$0x0];
	s2 =	stileid.u32  }
0xf2: {  	s1 =	rddreg [dreg:$0x1];
	p0 =	sne.s32 s2, $0x0  }
0xf3: {  	s3 =	rddreg [dreg:$0x2];
	[bflag:$0x3] =	sbarrier.arrive $0xFFFF;
	s2 =	simm.s32 @!p0 $0x1C08  }
0xf4: {  	[timem:s3], [sflag:s2] =	dma.local @!p0 [hbm:s0], s1  }
0xf5: {  	s0 =	simm.s32 @!p0 $0x8  }
0xf6: {  	_ =	swait.ge @!p0 [sflag:s0], s1  }
0xf7: {  	s1 =	ssub.s32 @!p0 $0x0, s1;
	[sflag:s0] =	ssyncset.done @!p0 $0x0  }
0xf8: {  	[sflag:s0] =	ssyncadd.s32 @!p0 s1  }
0xf9: {  	[bflag:$0x3] =	sbarrier.arrive $0xFFFF  }
0xfa: {  	_ =	shalt  }

</sc_bundles>
